<compile_context>
chip_gen: v7x
topology: tpu7x:2x2x1
jax: 0.10.2.dev20260603
libtpu: 0.0.44.dev20260713+nightly
codegen_flags: <defaults>
</compile_context>

<pallas_src>
import functools

import jax
import jax.numpy as jnp
from jax import lax
from jax.experimental import pallas as pl
from jax.experimental.pallas import tpu as pltpu
from jax.experimental.pallas import tpu_sc as plsc

N = 10000
D = 128
E = 320000

NC = 2
NS = 16
NW = NC * NS
WIN = 128
NWIN = 80
EPW = NWIN * WIN
EPAD = NW * EPW
NPAD = 10240
DPT = NPAD // NS
RCHUNK = 128

_sc_mesh = plsc.VectorSubcoreMesh(core_axis_name="c", subcore_axis_name="s")


@functools.partial(
    pl.kernel,
    out_type=jax.ShapeDtypeStruct((NC, NPAD), jnp.float32),
    mesh=_sc_mesh,
    scratch_types=[
        pltpu.MemorySpace.VMEM_SHARED((NPAD,), jnp.float32),
        pltpu.VMEM((NWIN, 2, WIN), jnp.int32),
        pltpu.VMEM((128,), jnp.float32),
        pltpu.VMEM((DPT,), jnp.float32),
        pltpu.SemaphoreType.DMA,
    ],
)
def _sc_degree(sd_hbm, deg_out, deg_sp, sd_v, ones_v, zeros_v, dsem):
    c = lax.axis_index("c")
    s = lax.axis_index("s")
    w = c * NS + s

    for j in range(128 // 16):
        ones_v[pl.ds(j * 16, 16)] = jnp.ones((16,), jnp.float32)

    def _zinit(i, carry):
        zeros_v[pl.ds(i * 16, 16)] = jnp.zeros((16,), jnp.float32)
        return carry

    lax.fori_loop(0, DPT // 16, _zinit, 0)

    pltpu.sync_copy(zeros_v, deg_sp.at[pl.ds(s * DPT, DPT)])
    pltpu.sync_copy(sd_hbm.at[w], sd_v)
    plsc.subcore_barrier()

    def _body(g, carry):
        i = 8 * g
        for k in range(8):
            pltpu.async_copy(ones_v, deg_sp.at[sd_v.at[i + k, 1]], dsem,
                             add=True)
        for k in range(8):
            pltpu.make_async_copy(ones_v, deg_sp.at[sd_v.at[i + k, 1]],
                                  dsem).wait()
        return carry

    lax.fori_loop(0, NWIN // 8, _body, 0)
    plsc.subcore_barrier()
    pltpu.sync_copy(deg_sp.at[pl.ds(s * DPT, DPT)],
                    deg_out.at[c, pl.ds(s * DPT, DPT)])


@functools.partial(
    pl.kernel,
    out_type=jax.ShapeDtypeStruct((NC, NPAD, D), jnp.float32),
    mesh=_sc_mesh,
    scratch_types=[
        pltpu.MemorySpace.VMEM_SHARED((NPAD, D), jnp.float32),
        [pltpu.VMEM((2, WIN), jnp.int32) for _ in range(4)],
        [pltpu.VMEM((WIN, D), jnp.float32) for _ in range(2)],
        [pltpu.SemaphoreType.DMA for _ in range(4)],
        [pltpu.SemaphoreType.DMA for _ in range(2)],
    ],
)
def _sc_scatter(h_hbm, sd_hbm, out_hbm,
                agg_sp, sd_v, rows_v, isem, gsem):
    c = lax.axis_index("c")
    s = lax.axis_index("s")
    w = c * NS + s

    pltpu.sync_copy(sd_hbm.at[w, 0], sd_v[0])
    pltpu.async_copy(h_hbm.at[sd_v[0].at[0]], rows_v[0], gsem[0])
    pltpu.async_copy(sd_hbm.at[w, 1], sd_v[1], isem[1])

    def _zinit(i, carry):
        for j in range(D // 16):
            rows_v[1][i, pl.ds(j * 16, 16)] = jnp.zeros((16,), jnp.float32)
        return carry

    lax.fori_loop(0, RCHUNK, _zinit, 0)
    for k in range(DPT // RCHUNK):
        pltpu.sync_copy(rows_v[1], agg_sp.at[pl.ds(s * DPT + k * RCHUNK, RCHUNK)])
    plsc.subcore_barrier()

    NG4 = NWIN // 4

    def _body(g, carry):
        i = 4 * g
        for j in range(4):
            if j < 2:
                pltpu.async_copy(sd_hbm.at[w, i + j + 2], sd_v[(j + 2) % 4],
                                 isem[(j + 2) % 4])
            else:
                @pl.when(g < NG4 - 1)
                def _():
                    pltpu.async_copy(sd_hbm.at[w, i + j + 2], sd_v[(j + 2) % 4],
                                     isem[(j + 2) % 4])
            if j < 3:
                pltpu.make_async_copy(sd_hbm.at[w, i + j + 1], sd_v[j + 1],
                                      isem[j + 1]).wait()
                pltpu.async_copy(h_hbm.at[sd_v[j + 1].at[0]],
                                 rows_v[(j + 1) % 2], gsem[(j + 1) % 2])
            else:
                @pl.when(g < NG4 - 1)
                def _():
                    pltpu.make_async_copy(sd_hbm.at[w, i + 4], sd_v[0],
                                          isem[0]).wait()
                    pltpu.async_copy(h_hbm.at[sd_v[0].at[0]], rows_v[0],
                                     gsem[0])
            pltpu.make_async_copy(h_hbm.at[sd_v[j].at[0]], rows_v[j % 2],
                                  gsem[j % 2]).wait()
            pltpu.sync_copy(rows_v[j % 2], agg_sp.at[sd_v[j].at[1]], add=True)
        return carry

    lax.fori_loop(0, NG4, _body, 0)
    plsc.subcore_barrier()
    for k in range(DPT // RCHUNK):
        r0 = s * DPT + k * RCHUNK
        pltpu.sync_copy(agg_sp.at[pl.ds(r0, RCHUNK)], out_hbm.at[c, pl.ds(r0, RCHUNK)])


def _tc1_body(x_ref, w1_ref, d0_ref, d1_ref, h_ref, dis_ref):
    deg = d0_ref[...] + d1_ref[...]
    dis = jnp.where(deg > 0, lax.rsqrt(deg), 0.0)
    h = jnp.dot(x_ref[...], w1_ref[...], preferred_element_type=jnp.float32)
    h_ref[...] = h * dis
    dis_ref[...] = dis


BN = 2000


def _tc1(x, W1, d0, d1):
    return pl.pallas_call(
        _tc1_body,
        grid=(N // BN,),
        in_specs=[
            pl.BlockSpec((BN, D), lambda i: (i, 0)),
            pl.BlockSpec((D, D), lambda i: (0, 0)),
            pl.BlockSpec((BN, 1), lambda i: (i, 0)),
            pl.BlockSpec((BN, 1), lambda i: (i, 0)),
        ],
        out_specs=[
            pl.BlockSpec((BN, D), lambda i: (i, 0)),
            pl.BlockSpec((BN, 1), lambda i: (i, 0)),
        ],
        out_shape=[
            jax.ShapeDtypeStruct((N, D), jnp.float32),
            jax.ShapeDtypeStruct((N, 1), jnp.float32),
        ],
    )(x, W1, d0, d1)


def _tc2_body(p_ref, dis_ref, b1_ref, w2_ref, o_ref):
    dis = dis_ref[...]
    t = (p_ref[0] + p_ref[1]) * dis + b1_ref[...]
    o_ref[...] = jnp.dot(t, w2_ref[...], preferred_element_type=jnp.float32) * dis


def _tc2(p, dis, b1r, W2):
    return pl.pallas_call(
        _tc2_body,
        grid=(N // BN,),
        in_specs=[
            pl.BlockSpec((NC, BN, D), lambda i: (0, i, 0)),
            pl.BlockSpec((BN, 1), lambda i: (i, 0)),
            pl.BlockSpec((1, D), lambda i: (0, 0)),
            pl.BlockSpec((D, D), lambda i: (0, 0)),
        ],
        out_specs=pl.BlockSpec((BN, D), lambda i: (i, 0)),
        out_shape=jax.ShapeDtypeStruct((N, D), jnp.float32),
    )(p, dis, b1r, W2)


def _tc3_body(q_ref, dis_ref, b2_ref, o_ref):
    o_ref[...] = (q_ref[0] + q_ref[1]) * dis_ref[...] + b2_ref[...]


def _tc3(q, dis, b2r):
    return pl.pallas_call(
        _tc3_body,
        grid=(N // BN,),
        in_specs=[
            pl.BlockSpec((NC, BN, D), lambda i: (0, i, 0)),
            pl.BlockSpec((BN, 1), lambda i: (i, 0)),
            pl.BlockSpec((1, D), lambda i: (0, 0)),
        ],
        out_specs=pl.BlockSpec((BN, D), lambda i: (i, 0)),
        out_shape=jax.ShapeDtypeStruct((N, D), jnp.float32),
    )(q, dis, b2r)


def kernel(x, edge_index, W1, b1, W2, b2):
    npad = EPAD - E
    k = jnp.arange(npad, dtype=jnp.int32)
    pad_src = k % N
    pad_dst = N + (k % (NPAD - N))
    src = jnp.concatenate([edge_index[0], pad_src]).reshape(NW, NWIN, WIN)
    dst = jnp.concatenate([edge_index[1], pad_dst]).reshape(NW, NWIN, WIN)
    sd = jnp.stack([src, dst], axis=2)

    degp = _sc_degree(sd)
    d0 = degp[0, :N].reshape(N, 1)
    d1 = degp[1, :N].reshape(N, 1)

    h1s, dis = _tc1(x, W1, d0, d1)
    p = _sc_scatter(h1s, sd)
    h2s = _tc2(p, dis, b1.reshape(1, D), W2)
    q = _sc_scatter(h2s, sd)
    return _tc3(q, dis, b2.reshape(1, D))

# --- scband reference (transcript-rebuilt; emitter-appended) ---
"""Pipeline reference for scband-graph-conv-43456479101025 (READ-ONLY COPY).

The authoritative reference and input builder live on the scoring server;
editing this copy changes nothing except your own understanding.
"""

import jax, jax.numpy as jnp
import numpy as np

N = 10000
E = 320000
D = 128


def setup_inputs(seed: int = 0) -> dict:
    key = jax.random.key(seed)
    ks = jax.random.split(key, 6)
    x = jax.random.normal(ks[0], (N, D), dtype=jnp.float32)
    edge_index = jax.random.randint(ks[1], (2, E), 0, N, dtype=jnp.int32)
    scale = 1.0 / np.sqrt(D)
    W1 = jax.random.normal(ks[2], (D, D), dtype=jnp.float32) * scale
    b1 = jnp.zeros((D,), dtype=jnp.float32)
    W2 = jax.random.normal(ks[3], (D, D), dtype=jnp.float32) * scale
    b2 = jnp.zeros((D,), dtype=jnp.float32)
    return {"x": x, "edge_index": edge_index, "W1": W1, "b1": b1, "W2": W2, "b2": b2}


def reference(x, edge_index, W1, b1, W2, b2):
    # GraphConv with convolution_type='GCNConv', n_layers=2,
    # conv kwargs add_self_loops=False, edge_attr=None.
    # GCNConv: x' = D^{-1/2} A D^{-1/2} (X W) + b  (sym gcn_norm, no self loops)
    src = edge_index[0]
    dst = edge_index[1]
    ones = jnp.ones((E,), dtype=x.dtype)
    deg = jnp.zeros((N,), dtype=x.dtype).at[dst].add(ones)
    deg_inv_sqrt = jnp.where(deg > 0, 1.0 / jnp.sqrt(jnp.where(deg > 0, deg, 1.0)), 0.0)
    norm = deg_inv_sqrt[src] * deg_inv_sqrt[dst]

    def gcn_layer(h, W, b):
        h = h @ W  # linear, no bias inside lin
        msgs = jnp.take(h, src, axis=0) * norm[:, None]
        agg = jnp.zeros((N, h.shape[1]), dtype=h.dtype).at[dst].add(msgs)
        return agg + b

    h = gcn_layer(x, W1, b1)
    h = gcn_layer(h, W2, b2)
    return h

if __name__ == "__main__":
    import jax
    _d = setup_inputs()
    print(jax.jit(kernel)(*tuple(_d.values())))

</pallas_src>

<mosaic_0001>
#map = affine_map<(d0, d1) -> (0, 0, 0, 0)>
#map1 = affine_map<(d0, d1) -> (0, 0)>
module attributes {stable_mosaic.version = 14 : i64} {
  func.func @_sc_degree(%arg0: i32, %arg1: i32, %arg2: memref<32x80x2x128xi32, #tpu.memory_space<hbm>>, %arg3: memref<2x10240xf32, #tpu.memory_space<hbm>>, %arg4: memref<10240xf32, #tpu.memory_space<vmem_shared>>, %arg5: memref<80x2x128xi32, #tpu.memory_space<vmem>>, %arg6: memref<128xf32, #tpu.memory_space<vmem>>, %arg7: memref<640xf32, #tpu.memory_space<vmem>>, %arg8: memref<!tpu.dma_semaphore, #tpu.memory_space<semaphore_mem>>) attributes {dimension_semantics = [#tpu.dimension_semantics<core_parallel>, #tpu.dimension_semantics<subcore_parallel>], iteration_bounds = array<i64: 2, 16>, scalar_prefetch = 0 : i64, scratch_operands = 5 : i64, tpu.core_type = #tpu.core_type<sc_vector_subcore>, window_params = [{transform_indices = #map}, {transform_indices = #map1}]} {
    %mul3A = arith.constant 16 : i32
    %mul3A_0 = arith.muli %arg0, %mul3A : i32
    %add3A = arith.addi %mul3A_0, %arg1 : i32
    %broadcast_in_dim3A = arith.constant 1.000000e+00 : f32
    %broadcast_in_dim3A_1 = vector.broadcast %broadcast_in_dim3A : f32 to vector<16xf32>
    %swap3A = arith.constant 0 : index
    %swap3A_2 = tpu.vector_load %arg6[%swap3A] {strides = array<i32>} : memref<128xf32, #tpu.memory_space<vmem>>, vector<16xf32>,
    %swap3A_3 = vector.shape_cast %swap3A_2 : vector<16xf32> to vector<16xf32>
    %swap3A_4 = vector.shape_cast %broadcast_in_dim3A_1 : vector<16xf32> to vector<16xf32>
    tpu.vector_store %arg6[%swap3A], %swap3A_4 {strides = array<i32>} : memref<128xf32, #tpu.memory_space<vmem>>, vector<16xf32>,
    %broadcast_in_dim3A_5 = arith.constant 1.000000e+00 : f32
    %broadcast_in_dim3A_6 = vector.broadcast %broadcast_in_dim3A_5 : f32 to vector<16xf32>
    %swap3A_7 = arith.constant 16 : index
    %swap3A_8 = tpu.vector_load %arg6[%swap3A_7] {strides = array<i32>} : memref<128xf32, #tpu.memory_space<vmem>>, vector<16xf32>,
    %swap3A_9 = vector.shape_cast %swap3A_8 : vector<16xf32> to vector<16xf32>
    %swap3A_10 = vector.shape_cast %broadcast_in_dim3A_6 : vector<16xf32> to vector<16xf32>
    tpu.vector_store %arg6[%swap3A_7], %swap3A_10 {strides = array<i32>} : memref<128xf32, #tpu.memory_space<vmem>>, vector<16xf32>,
    %broadcast_in_dim3A_11 = arith.constant 1.000000e+00 : f32
    %broadcast_in_dim3A_12 = vector.broadcast %broadcast_in_dim3A_11 : f32 to vector<16xf32>
    %swap3A_13 = arith.constant 32 : index
    %swap3A_14 = tpu.vector_load %arg6[%swap3A_13] {strides = array<i32>} : memref<128xf32, #tpu.memory_space<vmem>>, vector<16xf32>,
    %swap3A_15 = vector.shape_cast %swap3A_14 : vector<16xf32> to vector<16xf32>
    %swap3A_16 = vector.shape_cast %broadcast_in_dim3A_12 : vector<16xf32> to vector<16xf32>
    tpu.vector_store %arg6[%swap3A_13], %swap3A_16 {strides = array<i32>} : memref<128xf32, #tpu.memory_space<vmem>>, vector<16xf32>,
    %broadcast_in_dim3A_17 = arith.constant 1.000000e+00 : f32
    %broadcast_in_dim3A_18 = vector.broadcast %broadcast_in_dim3A_17 : f32 to vector<16xf32>
    %swap3A_19 = arith.constant 48 : index
    %swap3A_20 = tpu.vector_load %arg6[%swap3A_19] {strides = array<i32>} : memref<128xf32, #tpu.memory_space<vmem>>, vector<16xf32>,
    %swap3A_21 = vector.shape_cast %swap3A_20 : vector<16xf32> to vector<16xf32>
    %swap3A_22 = vector.shape_cast %broadcast_in_dim3A_18 : vector<16xf32> to vector<16xf32>
    tpu.vector_store %arg6[%swap3A_19], %swap3A_22 {strides = array<i32>} : memref<128xf32, #tpu.memory_space<vmem>>, vector<16xf32>,
    %broadcast_in_dim3A_23 = arith.constant 1.000000e+00 : f32
    %broadcast_in_dim3A_24 = vector.broadcast %broadcast_in_dim3A_23 : f32 to vector<16xf32>
    %swap3A_25 = arith.constant 64 : index
    %swap3A_26 = tpu.vector_load %arg6[%swap3A_25] {strides = array<i32>} : memref<128xf32, #tpu.memory_space<vmem>>, vector<16xf32>,
    %swap3A_27 = vector.shape_cast %swap3A_26 : vector<16xf32> to vector<16xf32>
    %swap3A_28 = vector.shape_cast %broadcast_in_dim3A_24 : vector<16xf32> to vector<16xf32>
    tpu.vector_store %arg6[%swap3A_25], %swap3A_28 {strides = array<i32>} : memref<128xf32, #tpu.memory_space<vmem>>, vector<16xf32>,
    %broadcast_in_dim3A_29 = arith.constant 1.000000e+00 : f32
    %broadcast_in_dim3A_30 = vector.broadcast %broadcast_in_dim3A_29 : f32 to vector<16xf32>
    %swap3A_31 = arith.constant 80 : index
    %swap3A_32 = tpu.vector_load %arg6[%swap3A_31] {strides = array<i32>} : memref<128xf32, #tpu.memory_space<vmem>>, vector<16xf32>,
    %swap3A_33 = vector.shape_cast %swap3A_32 : vector<16xf32> to vector<16xf32>
    %swap3A_34 = vector.shape_cast %broadcast_in_dim3A_30 : vector<16xf32> to vector<16xf32>
    tpu.vector_store %arg6[%swap3A_31], %swap3A_34 {strides = array<i32>} : memref<128xf32, #tpu.memory_space<vmem>>, vector<16xf32>,
    %broadcast_in_dim3A_35 = arith.constant 1.000000e+00 : f32
    %broadcast_in_dim3A_36 = vector.broadcast %broadcast_in_dim3A_35 : f32 to vector<16xf32>
    %swap3A_37 = arith.constant 96 : index
    %swap3A_38 = tpu.vector_load %arg6[%swap3A_37] {strides = array<i32>} : memref<128xf32, #tpu.memory_space<vmem>>, vector<16xf32>,
    %swap3A_39 = vector.shape_cast %swap3A_38 : vector<16xf32> to vector<16xf32>
    %swap3A_40 = vector.shape_cast %broadcast_in_dim3A_36 : vector<16xf32> to vector<16xf32>
    tpu.vector_store %arg6[%swap3A_37], %swap3A_40 {strides = array<i32>} : memref<128xf32, #tpu.memory_space<vmem>>, vector<16xf32>,
    %broadcast_in_dim3A_41 = arith.constant 1.000000e+00 : f32
    %broadcast_in_dim3A_42 = vector.broadcast %broadcast_in_dim3A_41 : f32 to vector<16xf32>
    %swap3A_43 = arith.constant 112 : index
    %swap3A_44 = tpu.vector_load %arg6[%swap3A_43] {strides = array<i32>} : memref<128xf32, #tpu.memory_space<vmem>>, vector<16xf32>,
    %swap3A_45 = vector.shape_cast %swap3A_44 : vector<16xf32> to vector<16xf32>
    %swap3A_46 = vector.shape_cast %broadcast_in_dim3A_42 : vector<16xf32> to vector<16xf32>
    tpu.vector_store %arg6[%swap3A_43], %swap3A_46 {strides = array<i32>} : memref<128xf32, #tpu.memory_space<vmem>>, vector<16xf32>,
    %scan3A = arith.constant 0 : i32
    %scan3A_47 = arith.constant 0 : i32
    %scan3A_48 = arith.constant 40 : i32
    %scan3A_49 = arith.addi %scan3A_47, %scan3A_48 : i32
    %scan3A_50 = arith.constant 1 : i32
    scf.for %scan3A_65 = %scan3A_47 to %scan3A_49 step %scan3A_50  : i32 {
      %broadcast_in_dim3A_66 = arith.constant 0.000000e+00 : f32
      %broadcast_in_dim3A_67 = vector.broadcast %broadcast_in_dim3A_66 : f32 to vector<16xf32>
      %mul3A_68 = arith.constant 16 : i32
      %mul3A_69 = arith.muli %scan3A_65, %mul3A_68 : i32
      %swap3A_70 = arith.index_cast %mul3A_69 : i32 to index
      %swap3A_71 = tpu.vector_load %arg7[%swap3A_70] {strides = array<i32>} : memref<640xf32, #tpu.memory_space<vmem>>, vector<16xf32>,
      %swap3A_72 = vector.shape_cast %swap3A_71 : vector<16xf32> to vector<16xf32>
      %swap3A_73 = vector.shape_cast %broadcast_in_dim3A_67 : vector<16xf32> to vector<16xf32>
      tpu.vector_store %arg7[%swap3A_70], %swap3A_73 {strides = array<i32>} : memref<640xf32, #tpu.memory_space<vmem>>, vector<16xf32>,
    }
    %scan3A_51 = arith.constant 40 : i32
    %mul3A_52 = arith.constant 640 : i32
    %mul3A_53 = arith.muli %arg1, %mul3A_52 : i32
    "tpu.region"() ({
      %run_scoped3A = tpu.sem_alloc : memref<!tpu.dma_semaphore, #tpu.memory_space<semaphore_mem>>
      %dma_start3A = tpu.memref_slice %arg4[%mul3A_53] : memref<10240xf32, #tpu.memory_space<vmem_shared>> -> memref<640xf32, #tpu.memory_space<vmem_shared>>
      %dma_start3A_65 = tpu.memref_slice %arg4[%mul3A_53] : memref<10240xf32, #tpu.memory_space<vmem_shared>> -> memref<640xf32, #tpu.memory_space<vmem_shared>>
      tpu.enqueue_dma source(%arg7 : memref<640xf32, #tpu.memory_space<vmem>>) target(%dma_start3A_65 : memref<640xf32, #tpu.memory_space<vmem_shared>>) target_semaphore(%run_scoped3A : memref<!tpu.dma_semaphore, #tpu.memory_space<semaphore_mem>>)
      %dma_wait3A = tpu.memref_slice %arg4[%mul3A_53] : memref<10240xf32, #tpu.memory_space<vmem_shared>> -> memref<640xf32, #tpu.memory_space<vmem_shared>>
      %dma_wait3A_66 = tpu.memref_slice %arg4[%mul3A_53] : memref<10240xf32, #tpu.memory_space<vmem_shared>> -> memref<640xf32, #tpu.memory_space<vmem_shared>>
      tpu.wait_dma2 semaphore(%run_scoped3A : memref<!tpu.dma_semaphore, #tpu.memory_space<semaphore_mem>>) src(%arg7 : memref<640xf32, #tpu.memory_space<vmem>>) dst(%dma_wait3A_66 : memref<640xf32, #tpu.memory_space<vmem_shared>>)
      tpu.yield
    }) : () -> ()
    "tpu.region"() ({
      %run_scoped3A = tpu.sem_alloc : memref<!tpu.dma_semaphore, #tpu.memory_space<semaphore_mem>>
      %dma_start3A = arith.constant 0 : i32
      %dma_start3A_65 = arith.constant 0 : i32
      %dma_start3A_66 = arith.constant 0 : i32
      %dma_start3A_67 = tpu.memref_slice %arg2[%add3A, %dma_start3A, %dma_start3A_65, %dma_start3A_66] : memref<32x80x2x128xi32, #tpu.memory_space<hbm>> -> memref<1x80x2x128xi32, #tpu.memory_space<hbm>>
      %dma_start3A_68 = tpu.memref_squeeze %dma_start3A_67 : memref<1x80x2x128xi32, #tpu.memory_space<hbm>> -> memref<80x2x128xi32, #tpu.memory_space<hbm>>
      %dma_start3A_69 = arith.constant 0 : i32
      %dma_start3A_70 = arith.constant 0 : i32
      %dma_start3A_71 = arith.constant 0 : i32
      %dma_start3A_72 = tpu.memref_slice %arg2[%add3A, %dma_start3A_69, %dma_start3A_70, %dma_start3A_71] : memref<32x80x2x128xi32, #tpu.memory_space<hbm>> -> memref<1x80x2x128xi32, #tpu.memory_space<hbm>>
      %dma_start3A_73 = tpu.memref_squeeze %dma_start3A_72 : memref<1x80x2x128xi32, #tpu.memory_space<hbm>> -> memref<80x2x128xi32, #tpu.memory_space<hbm>>
      tpu.enqueue_dma source(%dma_start3A_73 : memref<80x2x128xi32, #tpu.memory_space<hbm>>) target(%arg5 : memref<80x2x128xi32, #tpu.memory_space<vmem>>) target_semaphore(%run_scoped3A : memref<!tpu.dma_semaphore, #tpu.memory_space<semaphore_mem>>)
      %dma_wait3A = arith.constant 0 : i32
      %dma_wait3A_74 = arith.constant 0 : i32
      %dma_wait3A_75 = arith.constant 0 : i32
      %dma_wait3A_76 = tpu.memref_slice %arg2[%add3A, %dma_wait3A, %dma_wait3A_74, %dma_wait3A_75] : memref<32x80x2x128xi32, #tpu.memory_space<hbm>> -> memref<1x80x2x128xi32, #tpu.memory_space<hbm>>
      %dma_wait3A_77 = tpu.memref_squeeze %dma_wait3A_76 : memref<1x80x2x128xi32, #tpu.memory_space<hbm>> -> memref<80x2x128xi32, #tpu.memory_space<hbm>>
      %dma_wait3A_78 = arith.constant 0 : i32
      %dma_wait3A_79 = arith.constant 0 : i32
      %dma_wait3A_80 = arith.constant 0 : i32
      %dma_wait3A_81 = tpu.memref_slice %arg2[%add3A, %dma_wait3A_78, %dma_wait3A_79, %dma_wait3A_80] : memref<32x80x2x128xi32, #tpu.memory_space<hbm>> -> memref<1x80x2x128xi32, #tpu.memory_space<hbm>>
      %dma_wait3A_82 = tpu.memref_squeeze %dma_wait3A_81 : memref<1x80x2x128xi32, #tpu.memory_space<hbm>> -> memref<80x2x128xi32, #tpu.memory_space<hbm>>
      tpu.wait_dma2 semaphore(%run_scoped3A : memref<!tpu.dma_semaphore, #tpu.memory_space<semaphore_mem>>) src(%dma_wait3A_82 : memref<80x2x128xi32, #tpu.memory_space<hbm>>) dst(%arg5 : memref<80x2x128xi32, #tpu.memory_space<vmem>>)
      tpu.yield
    }) : () -> ()
    %barrier3A = arith.constant 0 : index
    tpu.barrier barrier_id(%barrier3A)
    %scan3A_54 = arith.constant 0 : i32
    %scan3A_55 = arith.constant 0 : i32
    %scan3A_56 = arith.constant 10 : i32
    %scan3A_57 = arith.addi %scan3A_55, %scan3A_56 : i32
    %scan3A_58 = arith.constant 1 : i32
    scf.for %scan3A_65 = %scan3A_55 to %scan3A_57 step %scan3A_58  : i32 {
      %mul3A_66 = arith.constant 8 : i32
      %mul3A_67 = arith.muli %mul3A_66, %scan3A_65 : i32
      %add3A_68 = arith.constant 0 : i32
      %add3A_69 = arith.addi %mul3A_67, %add3A_68 : i32
      %dma_start3A = arith.constant 1 : i32
      %dma_start3A_70 = arith.constant 0 : i32
      %dma_start3A_71 = tpu.memref_slice %arg5[%add3A_69, %dma_start3A, %dma_start3A_70] : memref<80x2x128xi32, #tpu.memory_space<vmem>> -> memref<1x1x128xi32, #tpu.memory_space<vmem>>
      %dma_start3A_72 = tpu.memref_squeeze %dma_start3A_71 : memref<1x1x128xi32, #tpu.memory_space<vmem>> -> memref<128xi32, #tpu.memory_space<vmem>>
      %dma_start3A_73 = arith.constant 0 : i32
      %dma_start3A_74 = tpu.memref_slice %arg4[%dma_start3A_73] : memref<10240xf32, #tpu.memory_space<vmem_shared>> -> memref<10240xf32, #tpu.memory_space<vmem_shared>>
      tpu.enqueue_indirect_dma source(%arg6 : memref<128xf32, #tpu.memory_space<vmem>>) target(%dma_start3A_74 : memref<10240xf32, #tpu.memory_space<vmem_shared>>) offsets(%dma_start3A_72 : memref<128xi32, #tpu.memory_space<vmem>>) semaphore(%arg8 : memref<!tpu.dma_semaphore, #tpu.memory_space<semaphore_mem>>) {add = true}
      %add3A_75 = arith.constant 1 : i32
      %add3A_76 = arith.addi %mul3A_67, %add3A_75 : i32
      %dma_start3A_77 = arith.constant 1 : i32
      %dma_start3A_78 = arith.constant 0 : i32
      %dma_start3A_79 = tpu.memref_slice %arg5[%add3A_76, %dma_start3A_77, %dma_start3A_78] : memref<80x2x128xi32, #tpu.memory_space<vmem>> -> memref<1x1x128xi32, #tpu.memory_space<vmem>>
      %dma_start3A_80 = tpu.memref_squeeze %dma_start3A_79 : memref<1x1x128xi32, #tpu.memory_space<vmem>> -> memref<128xi32, #tpu.memory_space<vmem>>
      %dma_start3A_81 = arith.constant 0 : i32
      %dma_start3A_82 = tpu.memref_slice %arg4[%dma_start3A_81] : memref<10240xf32, #tpu.memory_space<vmem_shared>> -> memref<10240xf32, #tpu.memory_space<vmem_shared>>
      tpu.enqueue_indirect_dma source(%arg6 : memref<128xf32, #tpu.memory_space<vmem>>) target(%dma_start3A_82 : memref<10240xf32, #tpu.memory_space<vmem_shared>>) offsets(%dma_start3A_80 : memref<128xi32, #tpu.memory_space<vmem>>) semaphore(%arg8 : memref<!tpu.dma_semaphore, #tpu.memory_space<semaphore_mem>>) {add = true}
      %add3A_83 = arith.constant 2 : i32
      %add3A_84 = arith.addi %mul3A_67, %add3A_83 : i32
      %dma_start3A_85 = arith.constant 1 : i32
      %dma_start3A_86 = arith.constant 0 : i32
      %dma_start3A_87 = tpu.memref_slice %arg5[%add3A_84, %dma_start3A_85, %dma_start3A_86] : memref<80x2x128xi32, #tpu.memory_space<vmem>> -> memref<1x1x128xi32, #tpu.memory_space<vmem>>
      %dma_start3A_88 = tpu.memref_squeeze %dma_start3A_87 : memref<1x1x128xi32, #tpu.memory_space<vmem>> -> memref<128xi32, #tpu.memory_space<vmem>>
      %dma_start3A_89 = arith.constant 0 : i32
      %dma_start3A_90 = tpu.memref_slice %arg4[%dma_start3A_89] : memref<10240xf32, #tpu.memory_space<vmem_shared>> -> memref<10240xf32, #tpu.memory_space<vmem_shared>>
      tpu.enqueue_indirect_dma source(%arg6 : memref<128xf32, #tpu.memory_space<vmem>>) target(%dma_start3A_90 : memref<10240xf32, #tpu.memory_space<vmem_shared>>) offsets(%dma_start3A_88 : memref<128xi32, #tpu.memory_space<vmem>>) semaphore(%arg8 : memref<!tpu.dma_semaphore, #tpu.memory_space<semaphore_mem>>) {add = true}
      %add3A_91 = arith.constant 3 : i32
      %add3A_92 = arith.addi %mul3A_67, %add3A_91 : i32
      %dma_start3A_93 = arith.constant 1 : i32
      %dma_start3A_94 = arith.constant 0 : i32
      %dma_start3A_95 = tpu.memref_slice %arg5[%add3A_92, %dma_start3A_93, %dma_start3A_94] : memref<80x2x128xi32, #tpu.memory_space<vmem>> -> memref<1x1x128xi32, #tpu.memory_space<vmem>>
      %dma_start3A_96 = tpu.memref_squeeze %dma_start3A_95 : memref<1x1x128xi32, #tpu.memory_space<vmem>> -> memref<128xi32, #tpu.memory_space<vmem>>
      %dma_start3A_97 = arith.constant 0 : i32
      %dma_start3A_98 = tpu.memref_slice %arg4[%dma_start3A_97] : memref<10240xf32, #tpu.memory_space<vmem_shared>> -> memref<10240xf32, #tpu.memory_space<vmem_shared>>
      tpu.enqueue_indirect_dma source(%arg6 : memref<128xf32, #tpu.memory_space<vmem>>) target(%dma_start3A_98 : memref<10240xf32, #tpu.memory_space<vmem_shared>>) offsets(%dma_start3A_96 : memref<128xi32, #tpu.memory_space<vmem>>) semaphore(%arg8 : memref<!tpu.dma_semaphore, #tpu.memory_space<semaphore_mem>>) {add = true}
      %add3A_99 = arith.constant 4 : i32
      %add3A_100 = arith.addi %mul3A_67, %add3A_99 : i32
      %dma_start3A_101 = arith.constant 1 : i32
      %dma_start3A_102 = arith.constant 0 : i32
      %dma_start3A_103 = tpu.memref_slice %arg5[%add3A_100, %dma_start3A_101, %dma_start3A_102] : memref<80x2x128xi32, #tpu.memory_space<vmem>> -> memref<1x1x128xi32, #tpu.memory_space<vmem>>
      %dma_start3A_104 = tpu.memref_squeeze %dma_start3A_103 : memref<1x1x128xi32, #tpu.memory_space<vmem>> -> memref<128xi32, #tpu.memory_space<vmem>>
      %dma_start3A_105 = arith.constant 0 : i32
      %dma_start3A_106 = tpu.memref_slice %arg4[%dma_start3A_105] : memref<10240xf32, #tpu.memory_space<vmem_shared>> -> memref<10240xf32, #tpu.memory_space<vmem_shared>>
      tpu.enqueue_indirect_dma source(%arg6 : memref<128xf32, #tpu.memory_space<vmem>>) target(%dma_start3A_106 : memref<10240xf32, #tpu.memory_space<vmem_shared>>) offsets(%dma_start3A_104 : memref<128xi32, #tpu.memory_space<vmem>>) semaphore(%arg8 : memref<!tpu.dma_semaphore, #tpu.memory_space<semaphore_mem>>) {add = true}
      %add3A_107 = arith.constant 5 : i32
      %add3A_108 = arith.addi %mul3A_67, %add3A_107 : i32
      %dma_start3A_109 = arith.constant 1 : i32
      %dma_start3A_110 = arith.constant 0 : i32
      %dma_start3A_111 = tpu.memref_slice %arg5[%add3A_108, %dma_start3A_109, %dma_start3A_110] : memref<80x2x128xi32, #tpu.memory_space<vmem>> -> memref<1x1x128xi32, #tpu.memory_space<vmem>>
      %dma_start3A_112 = tpu.memref_squeeze %dma_start3A_111 : memref<1x1x128xi32, #tpu.memory_space<vmem>> -> memref<128xi32, #tpu.memory_space<vmem>>
      %dma_start3A_113 = arith.constant 0 : i32
      %dma_start3A_114 = tpu.memref_slice %arg4[%dma_start3A_113] : memref<10240xf32, #tpu.memory_space<vmem_shared>> -> memref<10240xf32, #tpu.memory_space<vmem_shared>>
      tpu.enqueue_indirect_dma source(%arg6 : memref<128xf32, #tpu.memory_space<vmem>>) target(%dma_start3A_114 : memref<10240xf32, #tpu.memory_space<vmem_shared>>) offsets(%dma_start3A_112 : memref<128xi32, #tpu.memory_space<vmem>>) semaphore(%arg8 : memref<!tpu.dma_semaphore, #tpu.memory_space<semaphore_mem>>) {add = true}
      %add3A_115 = arith.constant 6 : i32
      %add3A_116 = arith.addi %mul3A_67, %add3A_115 : i32
      %dma_start3A_117 = arith.constant 1 : i32
      %dma_start3A_118 = arith.constant 0 : i32
      %dma_start3A_119 = tpu.memref_slice %arg5[%add3A_116, %dma_start3A_117, %dma_start3A_118] : memref<80x2x128xi32, #tpu.memory_space<vmem>> -> memref<1x1x128xi32, #tpu.memory_space<vmem>>
      %dma_start3A_120 = tpu.memref_squeeze %dma_start3A_119 : memref<1x1x128xi32, #tpu.memory_space<vmem>> -> memref<128xi32, #tpu.memory_space<vmem>>
      %dma_start3A_121 = arith.constant 0 : i32
      %dma_start3A_122 = tpu.memref_slice %arg4[%dma_start3A_121] : memref<10240xf32, #tpu.memory_space<vmem_shared>> -> memref<10240xf32, #tpu.memory_space<vmem_shared>>
      tpu.enqueue_indirect_dma source(%arg6 : memref<128xf32, #tpu.memory_space<vmem>>) target(%dma_start3A_122 : memref<10240xf32, #tpu.memory_space<vmem_shared>>) offsets(%dma_start3A_120 : memref<128xi32, #tpu.memory_space<vmem>>) semaphore(%arg8 : memref<!tpu.dma_semaphore, #tpu.memory_space<semaphore_mem>>) {add = true}
      %add3A_123 = arith.constant 7 : i32
      %add3A_124 = arith.addi %mul3A_67, %add3A_123 : i32
      %dma_start3A_125 = arith.constant 1 : i32
      %dma_start3A_126 = arith.constant 0 : i32
      %dma_start3A_127 = tpu.memref_slice %arg5[%add3A_124, %dma_start3A_125, %dma_start3A_126] : memref<80x2x128xi32, #tpu.memory_space<vmem>> -> memref<1x1x128xi32, #tpu.memory_space<vmem>>
      %dma_start3A_128 = tpu.memref_squeeze %dma_start3A_127 : memref<1x1x128xi32, #tpu.memory_space<vmem>> -> memref<128xi32, #tpu.memory_space<vmem>>
      %dma_start3A_129 = arith.constant 0 : i32
      %dma_start3A_130 = tpu.memref_slice %arg4[%dma_start3A_129] : memref<10240xf32, #tpu.memory_space<vmem_shared>> -> memref<10240xf32, #tpu.memory_space<vmem_shared>>
      tpu.enqueue_indirect_dma source(%arg6 : memref<128xf32, #tpu.memory_space<vmem>>) target(%dma_start3A_130 : memref<10240xf32, #tpu.memory_space<vmem_shared>>) offsets(%dma_start3A_128 : memref<128xi32, #tpu.memory_space<vmem>>) semaphore(%arg8 : memref<!tpu.dma_semaphore, #tpu.memory_space<semaphore_mem>>) {add = true}
      %add3A_131 = arith.constant 0 : i32
      %add3A_132 = arith.addi %mul3A_67, %add3A_131 : i32
      %dma_wait3A = arith.constant 1 : i32
      %dma_wait3A_133 = arith.constant 0 : i32
      %dma_wait3A_134 = tpu.memref_slice %arg5[%add3A_132, %dma_wait3A, %dma_wait3A_133] : memref<80x2x128xi32, #tpu.memory_space<vmem>> -> memref<1x1x128xi32, #tpu.memory_space<vmem>>
      %dma_wait3A_135 = tpu.memref_squeeze %dma_wait3A_134 : memref<1x1x128xi32, #tpu.memory_space<vmem>> -> memref<128xi32, #tpu.memory_space<vmem>>
      %dma_wait3A_136 = arith.constant 0 : i32
      %dma_wait3A_137 = tpu.memref_slice %arg4[%dma_wait3A_136] : memref<10240xf32, #tpu.memory_space<vmem_shared>> -> memref<10240xf32, #tpu.memory_space<vmem_shared>>
      tpu.wait_indirect_dma semaphore(%arg8 : memref<!tpu.dma_semaphore, #tpu.memory_space<semaphore_mem>>) src(%arg6 : memref<128xf32, #tpu.memory_space<vmem>>) dst(%dma_wait3A_137 : memref<10240xf32, #tpu.memory_space<vmem_shared>>)
      %add3A_138 = arith.constant 1 : i32
      %add3A_139 = arith.addi %mul3A_67, %add3A_138 : i32
      %dma_wait3A_140 = arith.constant 1 : i32
      %dma_wait3A_141 = arith.constant 0 : i32
      %dma_wait3A_142 = tpu.memref_slice %arg5[%add3A_139, %dma_wait3A_140, %dma_wait3A_141] : memref<80x2x128xi32, #tpu.memory_space<vmem>> -> memref<1x1x128xi32, #tpu.memory_space<vmem>>
      %dma_wait3A_143 = tpu.memref_squeeze %dma_wait3A_142 : memref<1x1x128xi32, #tpu.memory_space<vmem>> -> memref<128xi32, #tpu.memory_space<vmem>>
      %dma_wait3A_144 = arith.constant 0 : i32
      %dma_wait3A_145 = tpu.memref_slice %arg4[%dma_wait3A_144] : memref<10240xf32, #tpu.memory_space<vmem_shared>> -> memref<10240xf32, #tpu.memory_space<vmem_shared>>
      tpu.wait_indirect_dma semaphore(%arg8 : memref<!tpu.dma_semaphore, #tpu.memory_space<semaphore_mem>>) src(%arg6 : memref<128xf32, #tpu.memory_space<vmem>>) dst(%dma_wait3A_145 : memref<10240xf32, #tpu.memory_space<vmem_shared>>)
      %add3A_146 = arith.constant 2 : i32
      %add3A_147 = arith.addi %mul3A_67, %add3A_146 : i32
      %dma_wait3A_148 = arith.constant 1 : i32
      %dma_wait3A_149 = arith.constant 0 : i32
      %dma_wait3A_150 = tpu.memref_slice %arg5[%add3A_147, %dma_wait3A_148, %dma_wait3A_149] : memref<80x2x128xi32, #tpu.memory_space<vmem>> -> memref<1x1x128xi32, #tpu.memory_space<vmem>>
      %dma_wait3A_151 = tpu.memref_squeeze %dma_wait3A_150 : memref<1x1x128xi32, #tpu.memory_space<vmem>> -> memref<128xi32, #tpu.memory_space<vmem>>
      %dma_wait3A_152 = arith.constant 0 : i32
      %dma_wait3A_153 = tpu.memref_slice %arg4[%dma_wait3A_152] : memref<10240xf32, #tpu.memory_space<vmem_shared>> -> memref<10240xf32, #tpu.memory_space<vmem_shared>>
      tpu.wait_indirect_dma semaphore(%arg8 : memref<!tpu.dma_semaphore, #tpu.memory_space<semaphore_mem>>) src(%arg6 : memref<128xf32, #tpu.memory_space<vmem>>) dst(%dma_wait3A_153 : memref<10240xf32, #tpu.memory_space<vmem_shared>>)
      %add3A_154 = arith.constant 3 : i32
      %add3A_155 = arith.addi %mul3A_67, %add3A_154 : i32
      %dma_wait3A_156 = arith.constant 1 : i32
      %dma_wait3A_157 = arith.constant 0 : i32
      %dma_wait3A_158 = tpu.memref_slice %arg5[%add3A_155, %dma_wait3A_156, %dma_wait3A_157] : memref<80x2x128xi32, #tpu.memory_space<vmem>> -> memref<1x1x128xi32, #tpu.memory_space<vmem>>
      %dma_wait3A_159 = tpu.memref_squeeze %dma_wait3A_158 : memref<1x1x128xi32, #tpu.memory_space<vmem>> -> memref<128xi32, #tpu.memory_space<vmem>>
      %dma_wait3A_160 = arith.constant 0 : i32
      %dma_wait3A_161 = tpu.memref_slice %arg4[%dma_wait3A_160] : memref<10240xf32, #tpu.memory_space<vmem_shared>> -> memref<10240xf32, #tpu.memory_space<vmem_shared>>
      tpu.wait_indirect_dma semaphore(%arg8 : memref<!tpu.dma_semaphore, #tpu.memory_space<semaphore_mem>>) src(%arg6 : memref<128xf32, #tpu.memory_space<vmem>>) dst(%dma_wait3A_161 : memref<10240xf32, #tpu.memory_space<vmem_shared>>)
      %add3A_162 = arith.constant 4 : i32
      %add3A_163 = arith.addi %mul3A_67, %add3A_162 : i32
      %dma_wait3A_164 = arith.constant 1 : i32
      %dma_wait3A_165 = arith.constant 0 : i32
      %dma_wait3A_166 = tpu.memref_slice %arg5[%add3A_163, %dma_wait3A_164, %dma_wait3A_165] : memref<80x2x128xi32, #tpu.memory_space<vmem>> -> memref<1x1x128xi32, #tpu.memory_space<vmem>>
      %dma_wait3A_167 = tpu.memref_squeeze %dma_wait3A_166 : memref<1x1x128xi32, #tpu.memory_space<vmem>> -> memref<128xi32, #tpu.memory_space<vmem>>
      %dma_wait3A_168 = arith.constant 0 : i32
      %dma_wait3A_169 = tpu.memref_slice %arg4[%dma_wait3A_168] : memref<10240xf32, #tpu.memory_space<vmem_shared>> -> memref<10240xf32, #tpu.memory_space<vmem_shared>>
      tpu.wait_indirect_dma semaphore(%arg8 : memref<!tpu.dma_semaphore, #tpu.memory_space<semaphore_mem>>) src(%arg6 : memref<128xf32, #tpu.memory_space<vmem>>) dst(%dma_wait3A_169 : memref<10240xf32, #tpu.memory_space<vmem_shared>>)
      %add3A_170 = arith.constant 5 : i32
      %add3A_171 = arith.addi %mul3A_67, %add3A_170 : i32
      %dma_wait3A_172 = arith.constant 1 : i32
      %dma_wait3A_173 = arith.constant 0 : i32
      %dma_wait3A_174 = tpu.memref_slice %arg5[%add3A_171, %dma_wait3A_172, %dma_wait3A_173] : memref<80x2x128xi32, #tpu.memory_space<vmem>> -> memref<1x1x128xi32, #tpu.memory_space<vmem>>
      %dma_wait3A_175 = tpu.memref_squeeze %dma_wait3A_174 : memref<1x1x128xi32, #tpu.memory_space<vmem>> -> memref<128xi32, #tpu.memory_space<vmem>>
      %dma_wait3A_176 = arith.constant 0 : i32
      %dma_wait3A_177 = tpu.memref_slice %arg4[%dma_wait3A_176] : memref<10240xf32, #tpu.memory_space<vmem_shared>> -> memref<10240xf32, #tpu.memory_space<vmem_shared>>
      tpu.wait_indirect_dma semaphore(%arg8 : memref<!tpu.dma_semaphore, #tpu.memory_space<semaphore_mem>>) src(%arg6 : memref<128xf32, #tpu.memory_space<vmem>>) dst(%dma_wait3A_177 : memref<10240xf32, #tpu.memory_space<vmem_shared>>)
      %add3A_178 = arith.constant 6 : i32
      %add3A_179 = arith.addi %mul3A_67, %add3A_178 : i32
      %dma_wait3A_180 = arith.constant 1 : i32
      %dma_wait3A_181 = arith.constant 0 : i32
      %dma_wait3A_182 = tpu.memref_slice %arg5[%add3A_179, %dma_wait3A_180, %dma_wait3A_181] : memref<80x2x128xi32, #tpu.memory_space<vmem>> -> memref<1x1x128xi32, #tpu.memory_space<vmem>>
      %dma_wait3A_183 = tpu.memref_squeeze %dma_wait3A_182 : memref<1x1x128xi32, #tpu.memory_space<vmem>> -> memref<128xi32, #tpu.memory_space<vmem>>
      %dma_wait3A_184 = arith.constant 0 : i32
      %dma_wait3A_185 = tpu.memref_slice %arg4[%dma_wait3A_184] : memref<10240xf32, #tpu.memory_space<vmem_shared>> -> memref<10240xf32, #tpu.memory_space<vmem_shared>>
      tpu.wait_indirect_dma semaphore(%arg8 : memref<!tpu.dma_semaphore, #tpu.memory_space<semaphore_mem>>) src(%arg6 : memref<128xf32, #tpu.memory_space<vmem>>) dst(%dma_wait3A_185 : memref<10240xf32, #tpu.memory_space<vmem_shared>>)
      %add3A_186 = arith.constant 7 : i32
      %add3A_187 = arith.addi %mul3A_67, %add3A_186 : i32
      %dma_wait3A_188 = arith.constant 1 : i32
      %dma_wait3A_189 = arith.constant 0 : i32
      %dma_wait3A_190 = tpu.memref_slice %arg5[%add3A_187, %dma_wait3A_188, %dma_wait3A_189] : memref<80x2x128xi32, #tpu.memory_space<vmem>> -> memref<1x1x128xi32, #tpu.memory_space<vmem>>
      %dma_wait3A_191 = tpu.memref_squeeze %dma_wait3A_190 : memref<1x1x128xi32, #tpu.memory_space<vmem>> -> memref<128xi32, #tpu.memory_space<vmem>>
      %dma_wait3A_192 = arith.constant 0 : i32
      %dma_wait3A_193 = tpu.memref_slice %arg4[%dma_wait3A_192] : memref<10240xf32, #tpu.memory_space<vmem_shared>> -> memref<10240xf32, #tpu.memory_space<vmem_shared>>
      tpu.wait_indirect_dma semaphore(%arg8 : memref<!tpu.dma_semaphore, #tpu.memory_space<semaphore_mem>>) src(%arg6 : memref<128xf32, #tpu.memory_space<vmem>>) dst(%dma_wait3A_193 : memref<10240xf32, #tpu.memory_space<vmem_shared>>)
    }
    %scan3A_59 = arith.constant 10 : i32
    %barrier3A_60 = arith.constant 0 : index
    tpu.barrier barrier_id(%barrier3A_60)
    %mul3A_61 = arith.constant 640 : i32
    %mul3A_62 = arith.muli %arg1, %mul3A_61 : i32
    %mul3A_63 = arith.constant 640 : i32
    %mul3A_64 = arith.muli %arg1, %mul3A_63 : i32
    "tpu.region"() ({
      %run_scoped3A = tpu.sem_alloc : memref<!tpu.dma_semaphore, #tpu.memory_space<semaphore_mem>>
      %dma_start3A = tpu.memref_slice %arg3[%arg0, %mul3A_64] : memref<2x10240xf32, #tpu.memory_space<hbm>> -> memref<1x640xf32, #tpu.memory_space<hbm>>
      %dma_start3A_65 = tpu.memref_squeeze %dma_start3A : memref<1x640xf32, #tpu.memory_space<hbm>> -> memref<640xf32, #tpu.memory_space<hbm>>
      %dma_start3A_66 = tpu.memref_slice %arg4[%mul3A_62] : memref<10240xf32, #tpu.memory_space<vmem_shared>> -> memref<640xf32, #tpu.memory_space<vmem_shared>>
      tpu.enqueue_dma source(%dma_start3A_66 : memref<640xf32, #tpu.memory_space<vmem_shared>>) target(%dma_start3A_65 : memref<640xf32, #tpu.memory_space<hbm>>) target_semaphore(%run_scoped3A : memref<!tpu.dma_semaphore, #tpu.memory_space<semaphore_mem>>)
      %dma_wait3A = tpu.memref_slice %arg3[%arg0, %mul3A_64] : memref<2x10240xf32, #tpu.memory_space<hbm>> -> memref<1x640xf32, #tpu.memory_space<hbm>>
      %dma_wait3A_67 = tpu.memref_squeeze %dma_wait3A : memref<1x640xf32, #tpu.memory_space<hbm>> -> memref<640xf32, #tpu.memory_space<hbm>>
      %dma_wait3A_68 = tpu.memref_slice %arg4[%mul3A_62] : memref<10240xf32, #tpu.memory_space<vmem_shared>> -> memref<640xf32, #tpu.memory_space<vmem_shared>>
      tpu.wait_dma2 semaphore(%run_scoped3A : memref<!tpu.dma_semaphore, #tpu.memory_space<semaphore_mem>>) src(%dma_wait3A_68 : memref<640xf32, #tpu.memory_space<vmem_shared>>) dst(%dma_wait3A_67 : memref<640xf32, #tpu.memory_space<hbm>>)
      tpu.yield
    }) : () -> ()
    return
  }
}

#map = affine_map<(d0, d1) -> (0, 0)>
#map1 = affine_map<(d0, d1) -> (0, 0, 0, 0)>
#map2 = affine_map<(d0, d1) -> (0, 0, 0)>
module attributes {stable_mosaic.version = 14 : i64} {
  func.func @_sc_scatter(%arg0: i32, %arg1: i32, %arg2: memref<10000x128xf32, #tpu.memory_space<hbm>>, %arg3: memref<32x80x2x128xi32, #tpu.memory_space<hbm>>, %arg4: memref<2x10240x128xf32, #tpu.memory_space<hbm>>, %arg5: memref<10240x128xf32, #tpu.memory_space<vmem_shared>>, %arg6: memref<2x128xi32, #tpu.memory_space<vmem>>, %arg7: memref<2x128xi32, #tpu.memory_space<vmem>>, %arg8: memref<2x128xi32, #tpu.memory_space<vmem>>, %arg9: memref<2x128xi32, #tpu.memory_space<vmem>>, %arg10: memref<128x128xf32, #tpu.memory_space<vmem>>, %arg11: memref<128x128xf32, #tpu.memory_space<vmem>>, %arg12: memref<!tpu.dma_semaphore, #tpu.memory_space<semaphore_mem>>, %arg13: memref<!tpu.dma_semaphore, #tpu.memory_space<semaphore_mem>>, %arg14: memref<!tpu.dma_semaphore, #tpu.memory_space<semaphore_mem>>, %arg15: memref<!tpu.dma_semaphore, #tpu.memory_space<semaphore_mem>>, %arg16: memref<!tpu.dma_semaphore, #tpu.memory_space<semaphore_mem>>, %arg17: memref<!tpu.dma_semaphore, #tpu.memory_space<semaphore_mem>>) attributes {dimension_semantics = [#tpu.dimension_semantics<core_parallel>, #tpu.dimension_semantics<subcore_parallel>], iteration_bounds = array<i64: 2, 16>, scalar_prefetch = 0 : i64, scratch_operands = 13 : i64, tpu.core_type = #tpu.core_type<sc_vector_subcore>, window_params = [{transform_indices = #map}, {transform_indices = #map1}, {transform_indices = #map2}]} {
    %mul3A = arith.constant 16 : i32
    %mul3A_0 = arith.muli %arg0, %mul3A : i32
    %add3A = arith.addi %mul3A_0, %arg1 : i32
    %run_scoped3A = arith.constant 0 : i32
    "tpu.region"() ({
      %run_scoped3A_68 = tpu.sem_alloc : memref<!tpu.dma_semaphore, #tpu.memory_space<semaphore_mem>>
      %dma_start3A_69 = arith.constant 0 : i32
      %dma_start3A_70 = arith.constant 0 : i32
      %dma_start3A_71 = tpu.memref_slice %arg3[%add3A, %run_scoped3A, %dma_start3A_69, %dma_start3A_70] : memref<32x80x2x128xi32, #tpu.memory_space<hbm>> -> memref<1x1x2x128xi32, #tpu.memory_space<hbm>>
      %dma_start3A_72 = tpu.memref_squeeze %dma_start3A_71 : memref<1x1x2x128xi32, #tpu.memory_space<hbm>> -> memref<2x128xi32, #tpu.memory_space<hbm>>
      %dma_start3A_73 = arith.constant 0 : i32
      %dma_start3A_74 = arith.constant 0 : i32
      %dma_start3A_75 = tpu.memref_slice %arg3[%add3A, %run_scoped3A, %dma_start3A_73, %dma_start3A_74] : memref<32x80x2x128xi32, #tpu.memory_space<hbm>> -> memref<1x1x2x128xi32, #tpu.memory_space<hbm>>
      %dma_start3A_76 = tpu.memref_squeeze %dma_start3A_75 : memref<1x1x2x128xi32, #tpu.memory_space<hbm>> -> memref<2x128xi32, #tpu.memory_space<hbm>>
      tpu.enqueue_dma source(%dma_start3A_76 : memref<2x128xi32, #tpu.memory_space<hbm>>) target(%arg6 : memref<2x128xi32, #tpu.memory_space<vmem>>) target_semaphore(%run_scoped3A_68 : memref<!tpu.dma_semaphore, #tpu.memory_space<semaphore_mem>>)
      %dma_wait3A = arith.constant 0 : i32
      %dma_wait3A_77 = arith.constant 0 : i32
      %dma_wait3A_78 = tpu.memref_slice %arg3[%add3A, %run_scoped3A, %dma_wait3A, %dma_wait3A_77] : memref<32x80x2x128xi32, #tpu.memory_space<hbm>> -> memref<1x1x2x128xi32, #tpu.memory_space<hbm>>
      %dma_wait3A_79 = tpu.memref_squeeze %dma_wait3A_78 : memref<1x1x2x128xi32, #tpu.memory_space<hbm>> -> memref<2x128xi32, #tpu.memory_space<hbm>>
      %dma_wait3A_80 = arith.constant 0 : i32
      %dma_wait3A_81 = arith.constant 0 : i32
      %dma_wait3A_82 = tpu.memref_slice %arg3[%add3A, %run_scoped3A, %dma_wait3A_80, %dma_wait3A_81] : memref<32x80x2x128xi32, #tpu.memory_space<hbm>> -> memref<1x1x2x128xi32, #tpu.memory_space<hbm>>
      %dma_wait3A_83 = tpu.memref_squeeze %dma_wait3A_82 : memref<1x1x2x128xi32, #tpu.memory_space<hbm>> -> memref<2x128xi32, #tpu.memory_space<hbm>>
      tpu.wait_dma2 semaphore(%run_scoped3A_68 : memref<!tpu.dma_semaphore, #tpu.memory_space<semaphore_mem>>) src(%dma_wait3A_83 : memref<2x128xi32, #tpu.memory_space<hbm>>) dst(%arg6 : memref<2x128xi32, #tpu.memory_space<vmem>>)
      tpu.yield
    }) : () -> ()
    %dma_start3A = arith.constant 0 : i32
    %dma_start3A_1 = arith.constant 0 : i32
    %dma_start3A_2 = tpu.memref_slice %arg6[%dma_start3A, %dma_start3A_1] : memref<2x128xi32, #tpu.memory_space<vmem>> -> memref<1x128xi32, #tpu.memory_space<vmem>>
    %dma_start3A_3 = tpu.memref_squeeze %dma_start3A_2 : memref<1x128xi32, #tpu.memory_space<vmem>> -> memref<128xi32, #tpu.memory_space<vmem>>
    %dma_start3A_4 = arith.constant 0 : i32
    %dma_start3A_5 = arith.constant 0 : i32
    %dma_start3A_6 = tpu.memref_slice %arg2[%dma_start3A_4, %dma_start3A_5] : memref<10000x128xf32, #tpu.memory_space<hbm>> -> memref<10000x128xf32, #tpu.memory_space<hbm>>
    tpu.enqueue_indirect_dma source(%dma_start3A_6 : memref<10000x128xf32, #tpu.memory_space<hbm>>) target(%arg10 : memref<128x128xf32, #tpu.memory_space<vmem>>) offsets(%dma_start3A_3 : memref<128xi32, #tpu.memory_space<vmem>>) semaphore(%arg16 : memref<!tpu.dma_semaphore, #tpu.memory_space<semaphore_mem>>)
    %dma_start3A_7 = arith.constant 1 : i32
    %dma_start3A_8 = arith.constant 0 : i32
    %dma_start3A_9 = arith.constant 0 : i32
    %dma_start3A_10 = tpu.memref_slice %arg3[%add3A, %dma_start3A_7, %dma_start3A_8, %dma_start3A_9] : memref<32x80x2x128xi32, #tpu.memory_space<hbm>> -> memref<1x1x2x128xi32, #tpu.memory_space<hbm>>
    %dma_start3A_11 = tpu.memref_squeeze %dma_start3A_10 : memref<1x1x2x128xi32, #tpu.memory_space<hbm>> -> memref<2x128xi32, #tpu.memory_space<hbm>>
    %dma_start3A_12 = arith.constant 0 : i32
    %dma_start3A_13 = arith.constant 0 : i32
    %dma_start3A_14 = tpu.memref_slice %arg3[%add3A, %dma_start3A_7, %dma_start3A_12, %dma_start3A_13] : memref<32x80x2x128xi32, #tpu.memory_space<hbm>> -> memref<1x1x2x128xi32, #tpu.memory_space<hbm>>
    %dma_start3A_15 = tpu.memref_squeeze %dma_start3A_14 : memref<1x1x2x128xi32, #tpu.memory_space<hbm>> -> memref<2x128xi32, #tpu.memory_space<hbm>>
    tpu.enqueue_dma source(%dma_start3A_15 : memref<2x128xi32, #tpu.memory_space<hbm>>) target(%arg7 : memref<2x128xi32, #tpu.memory_space<vmem>>) target_semaphore(%arg13 : memref<!tpu.dma_semaphore, #tpu.memory_space<semaphore_mem>>)
    %scan3A = arith.constant 0 : i32
    %scan3A_16 = arith.constant 0 : i32
    %scan3A_17 = arith.constant 128 : i32
    %scan3A_18 = arith.addi %scan3A_16, %scan3A_17 : i32
    %scan3A_19 = arith.constant 1 : i32
    scf.for %scan3A_68 = %scan3A_16 to %scan3A_18 step %scan3A_19  : i32 {
      %broadcast_in_dim3A = arith.constant 0.000000e+00 : f32
      %broadcast_in_dim3A_69 = vector.broadcast %broadcast_in_dim3A : f32 to vector<16xf32>
      %swap3A = arith.index_cast %scan3A_68 : i32 to index
      %swap3A_70 = arith.constant 0 : index
      %swap3A_71 = tpu.vector_load %arg11[%swap3A, %swap3A_70] {strides = array<i32>} : memref<128x128xf32, #tpu.memory_space<vmem>>, vector<1x16xf32>,
      %swap3A_72 = vector.shape_cast %swap3A_71 : vector<1x16xf32> to vector<16xf32>
      %swap3A_73 = vector.shape_cast %broadcast_in_dim3A_69 : vector<16xf32> to vector<1x16xf32>
      tpu.vector_store %arg11[%swap3A, %swap3A_70], %swap3A_73 {strides = array<i32>} : memref<128x128xf32, #tpu.memory_space<vmem>>, vector<1x16xf32>,
      %broadcast_in_dim3A_74 = arith.constant 0.000000e+00 : f32
      %broadcast_in_dim3A_75 = vector.broadcast %broadcast_in_dim3A_74 : f32 to vector<16xf32>
      %swap3A_76 = arith.index_cast %scan3A_68 : i32 to index
      %swap3A_77 = arith.constant 16 : index
      %swap3A_78 = tpu.vector_load %arg11[%swap3A_76, %swap3A_77] {strides = array<i32>} : memref<128x128xf32, #tpu.memory_space<vmem>>, vector<1x16xf32>,
      %swap3A_79 = vector.shape_cast %swap3A_78 : vector<1x16xf32> to vector<16xf32>
      %swap3A_80 = vector.shape_cast %broadcast_in_dim3A_75 : vector<16xf32> to vector<1x16xf32>
      tpu.vector_store %arg11[%swap3A_76, %swap3A_77], %swap3A_80 {strides = array<i32>} : memref<128x128xf32, #tpu.memory_space<vmem>>, vector<1x16xf32>,
      %broadcast_in_dim3A_81 = arith.constant 0.000000e+00 : f32
      %broadcast_in_dim3A_82 = vector.broadcast %broadcast_in_dim3A_81 : f32 to vector<16xf32>
      %swap3A_83 = arith.index_cast %scan3A_68 : i32 to index
      %swap3A_84 = arith.constant 32 : index
      %swap3A_85 = tpu.vector_load %arg11[%swap3A_83, %swap3A_84] {strides = array<i32>} : memref<128x128xf32, #tpu.memory_space<vmem>>, vector<1x16xf32>,
      %swap3A_86 = vector.shape_cast %swap3A_85 : vector<1x16xf32> to vector<16xf32>
      %swap3A_87 = vector.shape_cast %broadcast_in_dim3A_82 : vector<16xf32> to vector<1x16xf32>
      tpu.vector_store %arg11[%swap3A_83, %swap3A_84], %swap3A_87 {strides = array<i32>} : memref<128x128xf32, #tpu.memory_space<vmem>>, vector<1x16xf32>,
      %broadcast_in_dim3A_88 = arith.constant 0.000000e+00 : f32
      %broadcast_in_dim3A_89 = vector.broadcast %broadcast_in_dim3A_88 : f32 to vector<16xf32>
      %swap3A_90 = arith.index_cast %scan3A_68 : i32 to index
      %swap3A_91 = arith.constant 48 : index
      %swap3A_92 = tpu.vector_load %arg11[%swap3A_90, %swap3A_91] {strides = array<i32>} : memref<128x128xf32, #tpu.memory_space<vmem>>, vector<1x16xf32>,
      %swap3A_93 = vector.shape_cast %swap3A_92 : vector<1x16xf32> to vector<16xf32>
      %swap3A_94 = vector.shape_cast %broadcast_in_dim3A_89 : vector<16xf32> to vector<1x16xf32>
      tpu.vector_store %arg11[%swap3A_90, %swap3A_91], %swap3A_94 {strides = array<i32>} : memref<128x128xf32, #tpu.memory_space<vmem>>, vector<1x16xf32>,
      %broadcast_in_dim3A_95 = arith.constant 0.000000e+00 : f32
      %broadcast_in_dim3A_96 = vector.broadcast %broadcast_in_dim3A_95 : f32 to vector<16xf32>
      %swap3A_97 = arith.index_cast %scan3A_68 : i32 to index
      %swap3A_98 = arith.constant 64 : index
      %swap3A_99 = tpu.vector_load %arg11[%swap3A_97, %swap3A_98] {strides = array<i32>} : memref<128x128xf32, #tpu.memory_space<vmem>>, vector<1x16xf32>,
      %swap3A_100 = vector.shape_cast %swap3A_99 : vector<1x16xf32> to vector<16xf32>
      %swap3A_101 = vector.shape_cast %broadcast_in_dim3A_96 : vector<16xf32> to vector<1x16xf32>
      tpu.vector_store %arg11[%swap3A_97, %swap3A_98], %swap3A_101 {strides = array<i32>} : memref<128x128xf32, #tpu.memory_space<vmem>>, vector<1x16xf32>,
      %broadcast_in_dim3A_102 = arith.constant 0.000000e+00 : f32
      %broadcast_in_dim3A_103 = vector.broadcast %broadcast_in_dim3A_102 : f32 to vector<16xf32>
      %swap3A_104 = arith.index_cast %scan3A_68 : i32 to index
      %swap3A_105 = arith.constant 80 : index
      %swap3A_106 = tpu.vector_load %arg11[%swap3A_104, %swap3A_105] {strides = array<i32>} : memref<128x128xf32, #tpu.memory_space<vmem>>, vector<1x16xf32>,
      %swap3A_107 = vector.shape_cast %swap3A_106 : vector<1x16xf32> to vector<16xf32>
      %swap3A_108 = vector.shape_cast %broadcast_in_dim3A_103 : vector<16xf32> to vector<1x16xf32>
      tpu.vector_store %arg11[%swap3A_104, %swap3A_105], %swap3A_108 {strides = array<i32>} : memref<128x128xf32, #tpu.memory_space<vmem>>, vector<1x16xf32>,
      %broadcast_in_dim3A_109 = arith.constant 0.000000e+00 : f32
      %broadcast_in_dim3A_110 = vector.broadcast %broadcast_in_dim3A_109 : f32 to vector<16xf32>
      %swap3A_111 = arith.index_cast %scan3A_68 : i32 to index
      %swap3A_112 = arith.constant 96 : index
      %swap3A_113 = tpu.vector_load %arg11[%swap3A_111, %swap3A_112] {strides = array<i32>} : memref<128x128xf32, #tpu.memory_space<vmem>>, vector<1x16xf32>,
      %swap3A_114 = vector.shape_cast %swap3A_113 : vector<1x16xf32> to vector<16xf32>
      %swap3A_115 = vector.shape_cast %broadcast_in_dim3A_110 : vector<16xf32> to vector<1x16xf32>
      tpu.vector_store %arg11[%swap3A_111, %swap3A_112], %swap3A_115 {strides = array<i32>} : memref<128x128xf32, #tpu.memory_space<vmem>>, vector<1x16xf32>,
      %broadcast_in_dim3A_116 = arith.constant 0.000000e+00 : f32
      %broadcast_in_dim3A_117 = vector.broadcast %broadcast_in_dim3A_116 : f32 to vector<16xf32>
      %swap3A_118 = arith.index_cast %scan3A_68 : i32 to index
      %swap3A_119 = arith.constant 112 : index
      %swap3A_120 = tpu.vector_load %arg11[%swap3A_118, %swap3A_119] {strides = array<i32>} : memref<128x128xf32, #tpu.memory_space<vmem>>, vector<1x16xf32>,
      %swap3A_121 = vector.shape_cast %swap3A_120 : vector<1x16xf32> to vector<16xf32>
      %swap3A_122 = vector.shape_cast %broadcast_in_dim3A_117 : vector<16xf32> to vector<1x16xf32>
      tpu.vector_store %arg11[%swap3A_118, %swap3A_119], %swap3A_122 {strides = array<i32>} : memref<128x128xf32, #tpu.memory_space<vmem>>, vector<1x16xf32>,
    }
    %scan3A_20 = arith.constant 128 : i32
    %mul3A_21 = arith.constant 640 : i32
    %mul3A_22 = arith.muli %arg1, %mul3A_21 : i32
    %add3A_23 = arith.constant 0 : i32
    %add3A_24 = arith.addi %mul3A_22, %add3A_23 : i32
    "tpu.region"() ({
      %run_scoped3A_68 = tpu.sem_alloc : memref<!tpu.dma_semaphore, #tpu.memory_space<semaphore_mem>>
      %dma_start3A_69 = arith.constant 0 : i32
      %dma_start3A_70 = tpu.memref_slice %arg5[%add3A_24, %dma_start3A_69] : memref<10240x128xf32, #tpu.memory_space<vmem_shared>> -> memref<128x128xf32, #tpu.memory_space<vmem_shared>>
      %dma_start3A_71 = arith.constant 0 : i32
      %dma_start3A_72 = tpu.memref_slice %arg5[%add3A_24, %dma_start3A_71] : memref<10240x128xf32, #tpu.memory_space<vmem_shared>> -> memref<128x128xf32, #tpu.memory_space<vmem_shared>>
      tpu.enqueue_dma source(%arg11 : memref<128x128xf32, #tpu.memory_space<vmem>>) target(%dma_start3A_72 : memref<128x128xf32, #tpu.memory_space<vmem_shared>>) target_semaphore(%run_scoped3A_68 : memref<!tpu.dma_semaphore, #tpu.memory_space<semaphore_mem>>)
      %dma_wait3A = arith.constant 0 : i32
      %dma_wait3A_73 = tpu.memref_slice %arg5[%add3A_24, %dma_wait3A] : memref<10240x128xf32, #tpu.memory_space<vmem_shared>> -> memref<128x128xf32, #tpu.memory_space<vmem_shared>>
      %dma_wait3A_74 = arith.constant 0 : i32
      %dma_wait3A_75 = tpu.memref_slice %arg5[%add3A_24, %dma_wait3A_74] : memref<10240x128xf32, #tpu.memory_space<vmem_shared>> -> memref<128x128xf32, #tpu.memory_space<vmem_shared>>
      tpu.wait_dma2 semaphore(%run_scoped3A_68 : memref<!tpu.dma_semaphore, #tpu.memory_space<semaphore_mem>>) src(%arg11 : memref<128x128xf32, #tpu.memory_space<vmem>>) dst(%dma_wait3A_75 : memref<128x128xf32, #tpu.memory_space<vmem_shared>>)
      tpu.yield
    }) : () -> ()
    %mul3A_25 = arith.constant 640 : i32
    %mul3A_26 = arith.muli %arg1, %mul3A_25 : i32
    %add3A_27 = arith.constant 128 : i32
    %add3A_28 = arith.addi %mul3A_26, %add3A_27 : i32
    "tpu.region"() ({
      %run_scoped3A_68 = tpu.sem_alloc : memref<!tpu.dma_semaphore, #tpu.memory_space<semaphore_mem>>
      %dma_start3A_69 = arith.constant 0 : i32
      %dma_start3A_70 = tpu.memref_slice %arg5[%add3A_28, %dma_start3A_69] : memref<10240x128xf32, #tpu.memory_space<vmem_shared>> -> memref<128x128xf32, #tpu.memory_space<vmem_shared>>
      %dma_start3A_71 = arith.constant 0 : i32
      %dma_start3A_72 = tpu.memref_slice %arg5[%add3A_28, %dma_start3A_71] : memref<10240x128xf32, #tpu.memory_space<vmem_shared>> -> memref<128x128xf32, #tpu.memory_space<vmem_shared>>
      tpu.enqueue_dma source(%arg11 : memref<128x128xf32, #tpu.memory_space<vmem>>) target(%dma_start3A_72 : memref<128x128xf32, #tpu.memory_space<vmem_shared>>) target_semaphore(%run_scoped3A_68 : memref<!tpu.dma_semaphore, #tpu.memory_space<semaphore_mem>>)
      %dma_wait3A = arith.constant 0 : i32
      %dma_wait3A_73 = tpu.memref_slice %arg5[%add3A_28, %dma_wait3A] : memref<10240x128xf32, #tpu.memory_space<vmem_shared>> -> memref<128x128xf32, #tpu.memory_space<vmem_shared>>
      %dma_wait3A_74 = arith.constant 0 : i32
      %dma_wait3A_75 = tpu.memref_slice %arg5[%add3A_28, %dma_wait3A_74] : memref<10240x128xf32, #tpu.memory_space<vmem_shared>> -> memref<128x128xf32, #tpu.memory_space<vmem_shared>>
      tpu.wait_dma2 semaphore(%run_scoped3A_68 : memref<!tpu.dma_semaphore, #tpu.memory_space<semaphore_mem>>) src(%arg11 : memref<128x128xf32, #tpu.memory_space<vmem>>) dst(%dma_wait3A_75 : memref<128x128xf32, #tpu.memory_space<vmem_shared>>)
      tpu.yield
    }) : () -> ()
    %mul3A_29 = arith.constant 640 : i32
    %mul3A_30 = arith.muli %arg1, %mul3A_29 : i32
    %add3A_31 = arith.constant 256 : i32
    %add3A_32 = arith.addi %mul3A_30, %add3A_31 : i32
    "tpu.region"() ({
      %run_scoped3A_68 = tpu.sem_alloc : memref<!tpu.dma_semaphore, #tpu.memory_space<semaphore_mem>>
      %dma_start3A_69 = arith.constant 0 : i32
      %dma_start3A_70 = tpu.memref_slice %arg5[%add3A_32, %dma_start3A_69] : memref<10240x128xf32, #tpu.memory_space<vmem_shared>> -> memref<128x128xf32, #tpu.memory_space<vmem_shared>>
      %dma_start3A_71 = arith.constant 0 : i32
      %dma_start3A_72 = tpu.memref_slice %arg5[%add3A_32, %dma_start3A_71] : memref<10240x128xf32, #tpu.memory_space<vmem_shared>> -> memref<128x128xf32, #tpu.memory_space<vmem_shared>>
      tpu.enqueue_dma source(%arg11 : memref<128x128xf32, #tpu.memory_space<vmem>>) target(%dma_start3A_72 : memref<128x128xf32, #tpu.memory_space<vmem_shared>>) target_semaphore(%run_scoped3A_68 : memref<!tpu.dma_semaphore, #tpu.memory_space<semaphore_mem>>)
      %dma_wait3A = arith.constant 0 : i32
      %dma_wait3A_73 = tpu.memref_slice %arg5[%add3A_32, %dma_wait3A] : memref<10240x128xf32, #tpu.memory_space<vmem_shared>> -> memref<128x128xf32, #tpu.memory_space<vmem_shared>>
      %dma_wait3A_74 = arith.constant 0 : i32
      %dma_wait3A_75 = tpu.memref_slice %arg5[%add3A_32, %dma_wait3A_74] : memref<10240x128xf32, #tpu.memory_space<vmem_shared>> -> memref<128x128xf32, #tpu.memory_space<vmem_shared>>
      tpu.wait_dma2 semaphore(%run_scoped3A_68 : memref<!tpu.dma_semaphore, #tpu.memory_space<semaphore_mem>>) src(%arg11 : memref<128x128xf32, #tpu.memory_space<vmem>>) dst(%dma_wait3A_75 : memref<128x128xf32, #tpu.memory_space<vmem_shared>>)
      tpu.yield
    }) : () -> ()
    %mul3A_33 = arith.constant 640 : i32
    %mul3A_34 = arith.muli %arg1, %mul3A_33 : i32
    %add3A_35 = arith.constant 384 : i32
    %add3A_36 = arith.addi %mul3A_34, %add3A_35 : i32
    "tpu.region"() ({
      %run_scoped3A_68 = tpu.sem_alloc : memref<!tpu.dma_semaphore, #tpu.memory_space<semaphore_mem>>
      %dma_start3A_69 = arith.constant 0 : i32
      %dma_start3A_70 = tpu.memref_slice %arg5[%add3A_36, %dma_start3A_69] : memref<10240x128xf32, #tpu.memory_space<vmem_shared>> -> memref<128x128xf32, #tpu.memory_space<vmem_shared>>
      %dma_start3A_71 = arith.constant 0 : i32
      %dma_start3A_72 = tpu.memref_slice %arg5[%add3A_36, %dma_start3A_71] : memref<10240x128xf32, #tpu.memory_space<vmem_shared>> -> memref<128x128xf32, #tpu.memory_space<vmem_shared>>
      tpu.enqueue_dma source(%arg11 : memref<128x128xf32, #tpu.memory_space<vmem>>) target(%dma_start3A_72 : memref<128x128xf32, #tpu.memory_space<vmem_shared>>) target_semaphore(%run_scoped3A_68 : memref<!tpu.dma_semaphore, #tpu.memory_space<semaphore_mem>>)
      %dma_wait3A = arith.constant 0 : i32
      %dma_wait3A_73 = tpu.memref_slice %arg5[%add3A_36, %dma_wait3A] : memref<10240x128xf32, #tpu.memory_space<vmem_shared>> -> memref<128x128xf32, #tpu.memory_space<vmem_shared>>
      %dma_wait3A_74 = arith.constant 0 : i32
      %dma_wait3A_75 = tpu.memref_slice %arg5[%add3A_36, %dma_wait3A_74] : memref<10240x128xf32, #tpu.memory_space<vmem_shared>> -> memref<128x128xf32, #tpu.memory_space<vmem_shared>>
      tpu.wait_dma2 semaphore(%run_scoped3A_68 : memref<!tpu.dma_semaphore, #tpu.memory_space<semaphore_mem>>) src(%arg11 : memref<128x128xf32, #tpu.memory_space<vmem>>) dst(%dma_wait3A_75 : memref<128x128xf32, #tpu.memory_space<vmem_shared>>)
      tpu.yield
    }) : () -> ()
    %mul3A_37 = arith.constant 640 : i32
    %mul3A_38 = arith.muli %arg1, %mul3A_37 : i32
    %add3A_39 = arith.constant 512 : i32
    %add3A_40 = arith.addi %mul3A_38, %add3A_39 : i32
    "tpu.region"() ({
      %run_scoped3A_68 = tpu.sem_alloc : memref<!tpu.dma_semaphore, #tpu.memory_space<semaphore_mem>>
      %dma_start3A_69 = arith.constant 0 : i32
      %dma_start3A_70 = tpu.memref_slice %arg5[%add3A_40, %dma_start3A_69] : memref<10240x128xf32, #tpu.memory_space<vmem_shared>> -> memref<128x128xf32, #tpu.memory_space<vmem_shared>>
      %dma_start3A_71 = arith.constant 0 : i32
      %dma_start3A_72 = tpu.memref_slice %arg5[%add3A_40, %dma_start3A_71] : memref<10240x128xf32, #tpu.memory_space<vmem_shared>> -> memref<128x128xf32, #tpu.memory_space<vmem_shared>>
      tpu.enqueue_dma source(%arg11 : memref<128x128xf32, #tpu.memory_space<vmem>>) target(%dma_start3A_72 : memref<128x128xf32, #tpu.memory_space<vmem_shared>>) target_semaphore(%run_scoped3A_68 : memref<!tpu.dma_semaphore, #tpu.memory_space<semaphore_mem>>)
      %dma_wait3A = arith.constant 0 : i32
      %dma_wait3A_73 = tpu.memref_slice %arg5[%add3A_40, %dma_wait3A] : memref<10240x128xf32, #tpu.memory_space<vmem_shared>> -> memref<128x128xf32, #tpu.memory_space<vmem_shared>>
      %dma_wait3A_74 = arith.constant 0 : i32
      %dma_wait3A_75 = tpu.memref_slice %arg5[%add3A_40, %dma_wait3A_74] : memref<10240x128xf32, #tpu.memory_space<vmem_shared>> -> memref<128x128xf32, #tpu.memory_space<vmem_shared>>
      tpu.wait_dma2 semaphore(%run_scoped3A_68 : memref<!tpu.dma_semaphore, #tpu.memory_space<semaphore_mem>>) src(%arg11 : memref<128x128xf32, #tpu.memory_space<vmem>>) dst(%dma_wait3A_75 : memref<128x128xf32, #tpu.memory_space<vmem_shared>>)
      tpu.yield
    }) : () -> ()
    %barrier3A = arith.constant 0 : index
    tpu.barrier barrier_id(%barrier3A)
    %scan3A_41 = arith.constant 0 : i32
    %scan3A_42 = arith.constant 0 : i32
    %scan3A_43 = arith.constant 20 : i32
    %scan3A_44 = arith.addi %scan3A_42, %scan3A_43 : i32
    %scan3A_45 = arith.constant 1 : i32
    scf.for %scan3A_68 = %scan3A_42 to %scan3A_44 step %scan3A_45  : i32 {
      %mul3A_69 = arith.constant 4 : i32
      %mul3A_70 = arith.muli %mul3A_69, %scan3A_68 : i32
      %add3A_71 = arith.constant 0 : i32
      %add3A_72 = arith.addi %mul3A_70, %add3A_71 : i32
      %add3A_73 = arith.constant 2 : i32
      %add3A_74 = arith.addi %add3A_72, %add3A_73 : i32
      %dma_start3A_75 = arith.constant 0 : i32
      %dma_start3A_76 = arith.constant 0 : i32
      %dma_start3A_77 = tpu.memref_slice %arg3[%add3A, %add3A_74, %dma_start3A_75, %dma_start3A_76] : memref<32x80x2x128xi32, #tpu.memory_space<hbm>> -> memref<1x1x2x128xi32, #tpu.memory_space<hbm>>
      %dma_start3A_78 = tpu.memref_squeeze %dma_start3A_77 : memref<1x1x2x128xi32, #tpu.memory_space<hbm>> -> memref<2x128xi32, #tpu.memory_space<hbm>>
      %dma_start3A_79 = arith.constant 0 : i32
      %dma_start3A_80 = arith.constant 0 : i32
      %dma_start3A_81 = tpu.memref_slice %arg3[%add3A, %add3A_74, %dma_start3A_79, %dma_start3A_80] : memref<32x80x2x128xi32, #tpu.memory_space<hbm>> -> memref<1x1x2x128xi32, #tpu.memory_space<hbm>>
      %dma_start3A_82 = tpu.memref_squeeze %dma_start3A_81 : memref<1x1x2x128xi32, #tpu.memory_space<hbm>> -> memref<2x128xi32, #tpu.memory_space<hbm>>
      tpu.enqueue_dma source(%dma_start3A_82 : memref<2x128xi32, #tpu.memory_space<hbm>>) target(%arg8 : memref<2x128xi32, #tpu.memory_space<vmem>>) target_semaphore(%arg14 : memref<!tpu.dma_semaphore, #tpu.memory_space<semaphore_mem>>)
      %add3A_83 = arith.constant 0 : i32
      %add3A_84 = arith.addi %mul3A_70, %add3A_83 : i32
      %add3A_85 = arith.constant 1 : i32
      %add3A_86 = arith.addi %add3A_84, %add3A_85 : i32
      %dma_wait3A = arith.constant 0 : i32
      %dma_wait3A_87 = arith.constant 0 : i32
      %dma_wait3A_88 = tpu.memref_slice %arg3[%add3A, %add3A_86, %dma_wait3A, %dma_wait3A_87] : memref<32x80x2x128xi32, #tpu.memory_space<hbm>> -> memref<1x1x2x128xi32, #tpu.memory_space<hbm>>
      %dma_wait3A_89 = tpu.memref_squeeze %dma_wait3A_88 : memref<1x1x2x128xi32, #tpu.memory_space<hbm>> -> memref<2x128xi32, #tpu.memory_space<hbm>>
      %dma_wait3A_90 = arith.constant 0 : i32
      %dma_wait3A_91 = arith.constant 0 : i32
      %dma_wait3A_92 = tpu.memref_slice %arg3[%add3A, %add3A_86, %dma_wait3A_90, %dma_wait3A_91] : memref<32x80x2x128xi32, #tpu.memory_space<hbm>> -> memref<1x1x2x128xi32, #tpu.memory_space<hbm>>
      %dma_wait3A_93 = tpu.memref_squeeze %dma_wait3A_92 : memref<1x1x2x128xi32, #tpu.memory_space<hbm>> -> memref<2x128xi32, #tpu.memory_space<hbm>>
      tpu.wait_dma2 semaphore(%arg13 : memref<!tpu.dma_semaphore, #tpu.memory_space<semaphore_mem>>) src(%dma_wait3A_93 : memref<2x128xi32, #tpu.memory_space<hbm>>) dst(%arg7 : memref<2x128xi32, #tpu.memory_space<vmem>>)
      %dma_start3A_94 = arith.constant 0 : i32
      %dma_start3A_95 = arith.constant 0 : i32
      %dma_start3A_96 = tpu.memref_slice %arg7[%dma_start3A_94, %dma_start3A_95] : memref<2x128xi32, #tpu.memory_space<vmem>> -> memref<1x128xi32, #tpu.memory_space<vmem>>
      %dma_start3A_97 = tpu.memref_squeeze %dma_start3A_96 : memref<1x128xi32, #tpu.memory_space<vmem>> -> memref<128xi32, #tpu.memory_space<vmem>>
      %dma_start3A_98 = arith.constant 0 : i32
      %dma_start3A_99 = arith.constant 0 : i32
      %dma_start3A_100 = tpu.memref_slice %arg2[%dma_start3A_98, %dma_start3A_99] : memref<10000x128xf32, #tpu.memory_space<hbm>> -> memref<10000x128xf32, #tpu.memory_space<hbm>>
      tpu.enqueue_indirect_dma source(%dma_start3A_100 : memref<10000x128xf32, #tpu.memory_space<hbm>>) target(%arg11 : memref<128x128xf32, #tpu.memory_space<vmem>>) offsets(%dma_start3A_97 : memref<128xi32, #tpu.memory_space<vmem>>) semaphore(%arg17 : memref<!tpu.dma_semaphore, #tpu.memory_space<semaphore_mem>>)
      %dma_wait3A_101 = arith.constant 0 : i32
      %dma_wait3A_102 = arith.constant 0 : i32
      %dma_wait3A_103 = tpu.memref_slice %arg6[%dma_wait3A_101, %dma_wait3A_102] : memref<2x128xi32, #tpu.memory_space<vmem>> -> memref<1x128xi32, #tpu.memory_space<vmem>>
      %dma_wait3A_104 = tpu.memref_squeeze %dma_wait3A_103 : memref<1x128xi32, #tpu.memory_space<vmem>> -> memref<128xi32, #tpu.memory_space<vmem>>
      %dma_wait3A_105 = arith.constant 0 : i32
      %dma_wait3A_106 = arith.constant 0 : i32
      %dma_wait3A_107 = tpu.memref_slice %arg2[%dma_wait3A_105, %dma_wait3A_106] : memref<10000x128xf32, #tpu.memory_space<hbm>> -> memref<10000x128xf32, #tpu.memory_space<hbm>>
      tpu.wait_indirect_dma semaphore(%arg16 : memref<!tpu.dma_semaphore, #tpu.memory_space<semaphore_mem>>) src(%dma_wait3A_107 : memref<10000x128xf32, #tpu.memory_space<hbm>>) dst(%arg10 : memref<128x128xf32, #tpu.memory_space<vmem>>)
      %run_scoped3A_108 = arith.constant 1 : i32
      "tpu.region"() ({
        %run_scoped3A_195 = tpu.sem_alloc : memref<!tpu.dma_semaphore, #tpu.memory_space<semaphore_mem>>
        %dma_start3A_196 = arith.constant 0 : i32
        %dma_start3A_197 = tpu.memref_slice %arg6[%run_scoped3A_108, %dma_start3A_196] : memref<2x128xi32, #tpu.memory_space<vmem>> -> memref<1x128xi32, #tpu.memory_space<vmem>>
        %dma_start3A_198 = tpu.memref_squeeze %dma_start3A_197 : memref<1x128xi32, #tpu.memory_space<vmem>> -> memref<128xi32, #tpu.memory_space<vmem>>
        %dma_start3A_199 = arith.constant 0 : i32
        %dma_start3A_200 = arith.constant 0 : i32
        %dma_start3A_201 = tpu.memref_slice %arg5[%dma_start3A_199, %dma_start3A_200] : memref<10240x128xf32, #tpu.memory_space<vmem_shared>> -> memref<10240x128xf32, #tpu.memory_space<vmem_shared>>
        tpu.enqueue_indirect_dma source(%arg10 : memref<128x128xf32, #tpu.memory_space<vmem>>) target(%dma_start3A_201 : memref<10240x128xf32, #tpu.memory_space<vmem_shared>>) offsets(%dma_start3A_198 : memref<128xi32, #tpu.memory_space<vmem>>) semaphore(%run_scoped3A_195 : memref<!tpu.dma_semaphore, #tpu.memory_space<semaphore_mem>>) {add = true}
        %dma_wait3A_202 = arith.constant 0 : i32
        %dma_wait3A_203 = tpu.memref_slice %arg6[%run_scoped3A_108, %dma_wait3A_202] : memref<2x128xi32, #tpu.memory_space<vmem>> -> memref<1x128xi32, #tpu.memory_space<vmem>>
        %dma_wait3A_204 = tpu.memref_squeeze %dma_wait3A_203 : memref<1x128xi32, #tpu.memory_space<vmem>> -> memref<128xi32, #tpu.memory_space<vmem>>
        %dma_wait3A_205 = arith.constant 0 : i32
        %dma_wait3A_206 = arith.constant 0 : i32
        %dma_wait3A_207 = tpu.memref_slice %arg5[%dma_wait3A_205, %dma_wait3A_206] : memref<10240x128xf32, #tpu.memory_space<vmem_shared>> -> memref<10240x128xf32, #tpu.memory_space<vmem_shared>>
        tpu.wait_indirect_dma semaphore(%run_scoped3A_195 : memref<!tpu.dma_semaphore, #tpu.memory_space<semaphore_mem>>) src(%arg10 : memref<128x128xf32, #tpu.memory_space<vmem>>) dst(%dma_wait3A_207 : memref<10240x128xf32, #tpu.memory_space<vmem_shared>>)
        tpu.yield
      }) : () -> ()
      %add3A_109 = arith.constant 1 : i32
      %add3A_110 = arith.addi %mul3A_70, %add3A_109 : i32
      %add3A_111 = arith.constant 2 : i32
      %add3A_112 = arith.addi %add3A_110, %add3A_111 : i32
      %dma_start3A_113 = arith.constant 0 : i32
      %dma_start3A_114 = arith.constant 0 : i32
      %dma_start3A_115 = tpu.memref_slice %arg3[%add3A, %add3A_112, %dma_start3A_113, %dma_start3A_114] : memref<32x80x2x128xi32, #tpu.memory_space<hbm>> -> memref<1x1x2x128xi32, #tpu.memory_space<hbm>>
      %dma_start3A_116 = tpu.memref_squeeze %dma_start3A_115 : memref<1x1x2x128xi32, #tpu.memory_space<hbm>> -> memref<2x128xi32, #tpu.memory_space<hbm>>
      %dma_start3A_117 = arith.constant 0 : i32
      %dma_start3A_118 = arith.constant 0 : i32
      %dma_start3A_119 = tpu.memref_slice %arg3[%add3A, %add3A_112, %dma_start3A_117, %dma_start3A_118] : memref<32x80x2x128xi32, #tpu.memory_space<hbm>> -> memref<1x1x2x128xi32, #tpu.memory_space<hbm>>
      %dma_start3A_120 = tpu.memref_squeeze %dma_start3A_119 : memref<1x1x2x128xi32, #tpu.memory_space<hbm>> -> memref<2x128xi32, #tpu.memory_space<hbm>>
      tpu.enqueue_dma source(%dma_start3A_120 : memref<2x128xi32, #tpu.memory_space<hbm>>) target(%arg9 : memref<2x128xi32, #tpu.memory_space<vmem>>) target_semaphore(%arg15 : memref<!tpu.dma_semaphore, #tpu.memory_space<semaphore_mem>>)
      %add3A_121 = arith.constant 1 : i32
      %add3A_122 = arith.addi %mul3A_70, %add3A_121 : i32
      %add3A_123 = arith.constant 1 : i32
      %add3A_124 = arith.addi %add3A_122, %add3A_123 : i32
      %dma_wait3A_125 = arith.constant 0 : i32
      %dma_wait3A_126 = arith.constant 0 : i32
      %dma_wait3A_127 = tpu.memref_slice %arg3[%add3A, %add3A_124, %dma_wait3A_125, %dma_wait3A_126] : memref<32x80x2x128xi32, #tpu.memory_space<hbm>> -> memref<1x1x2x128xi32, #tpu.memory_space<hbm>>
      %dma_wait3A_128 = tpu.memref_squeeze %dma_wait3A_127 : memref<1x1x2x128xi32, #tpu.memory_space<hbm>> -> memref<2x128xi32, #tpu.memory_space<hbm>>
      %dma_wait3A_129 = arith.constant 0 : i32
      %dma_wait3A_130 = arith.constant 0 : i32
      %dma_wait3A_131 = tpu.memref_slice %arg3[%add3A, %add3A_124, %dma_wait3A_129, %dma_wait3A_130] : memref<32x80x2x128xi32, #tpu.memory_space<hbm>> -> memref<1x1x2x128xi32, #tpu.memory_space<hbm>>
      %dma_wait3A_132 = tpu.memref_squeeze %dma_wait3A_131 : memref<1x1x2x128xi32, #tpu.memory_space<hbm>> -> memref<2x128xi32, #tpu.memory_space<hbm>>
      tpu.wait_dma2 semaphore(%arg14 : memref<!tpu.dma_semaphore, #tpu.memory_space<semaphore_mem>>) src(%dma_wait3A_132 : memref<2x128xi32, #tpu.memory_space<hbm>>) dst(%arg8 : memref<2x128xi32, #tpu.memory_space<vmem>>)
      %dma_start3A_133 = arith.constant 0 : i32
      %dma_start3A_134 = arith.constant 0 : i32
      %dma_start3A_135 = tpu.memref_slice %arg8[%dma_start3A_133, %dma_start3A_134] : memref<2x128xi32, #tpu.memory_space<vmem>> -> memref<1x128xi32, #tpu.memory_space<vmem>>
      %dma_start3A_136 = tpu.memref_squeeze %dma_start3A_135 : memref<1x128xi32, #tpu.memory_space<vmem>> -> memref<128xi32, #tpu.memory_space<vmem>>
      %dma_start3A_137 = arith.constant 0 : i32
      %dma_start3A_138 = arith.constant 0 : i32
      %dma_start3A_139 = tpu.memref_slice %arg2[%dma_start3A_137, %dma_start3A_138] : memref<10000x128xf32, #tpu.memory_space<hbm>> -> memref<10000x128xf32, #tpu.memory_space<hbm>>
      tpu.enqueue_indirect_dma source(%dma_start3A_139 : memref<10000x128xf32, #tpu.memory_space<hbm>>) target(%arg10 : memref<128x128xf32, #tpu.memory_space<vmem>>) offsets(%dma_start3A_136 : memref<128xi32, #tpu.memory_space<vmem>>) semaphore(%arg16 : memref<!tpu.dma_semaphore, #tpu.memory_space<semaphore_mem>>)
      %dma_wait3A_140 = arith.constant 0 : i32
      %dma_wait3A_141 = arith.constant 0 : i32
      %dma_wait3A_142 = tpu.memref_slice %arg7[%dma_wait3A_140, %dma_wait3A_141] : memref<2x128xi32, #tpu.memory_space<vmem>> -> memref<1x128xi32, #tpu.memory_space<vmem>>
      %dma_wait3A_143 = tpu.memref_squeeze %dma_wait3A_142 : memref<1x128xi32, #tpu.memory_space<vmem>> -> memref<128xi32, #tpu.memory_space<vmem>>
      %dma_wait3A_144 = arith.constant 0 : i32
      %dma_wait3A_145 = arith.constant 0 : i32
      %dma_wait3A_146 = tpu.memref_slice %arg2[%dma_wait3A_144, %dma_wait3A_145] : memref<10000x128xf32, #tpu.memory_space<hbm>> -> memref<10000x128xf32, #tpu.memory_space<hbm>>
      tpu.wait_indirect_dma semaphore(%arg17 : memref<!tpu.dma_semaphore, #tpu.memory_space<semaphore_mem>>) src(%dma_wait3A_146 : memref<10000x128xf32, #tpu.memory_space<hbm>>) dst(%arg11 : memref<128x128xf32, #tpu.memory_space<vmem>>)
      %run_scoped3A_147 = arith.constant 1 : i32
      "tpu.region"() ({
        %run_scoped3A_195 = tpu.sem_alloc : memref<!tpu.dma_semaphore, #tpu.memory_space<semaphore_mem>>
        %dma_start3A_196 = arith.constant 0 : i32
        %dma_start3A_197 = tpu.memref_slice %arg7[%run_scoped3A_147, %dma_start3A_196] : memref<2x128xi32, #tpu.memory_space<vmem>> -> memref<1x128xi32, #tpu.memory_space<vmem>>
        %dma_start3A_198 = tpu.memref_squeeze %dma_start3A_197 : memref<1x128xi32, #tpu.memory_space<vmem>> -> memref<128xi32, #tpu.memory_space<vmem>>
        %dma_start3A_199 = arith.constant 0 : i32
        %dma_start3A_200 = arith.constant 0 : i32
        %dma_start3A_201 = tpu.memref_slice %arg5[%dma_start3A_199, %dma_start3A_200] : memref<10240x128xf32, #tpu.memory_space<vmem_shared>> -> memref<10240x128xf32, #tpu.memory_space<vmem_shared>>
        tpu.enqueue_indirect_dma source(%arg11 : memref<128x128xf32, #tpu.memory_space<vmem>>) target(%dma_start3A_201 : memref<10240x128xf32, #tpu.memory_space<vmem_shared>>) offsets(%dma_start3A_198 : memref<128xi32, #tpu.memory_space<vmem>>) semaphore(%run_scoped3A_195 : memref<!tpu.dma_semaphore, #tpu.memory_space<semaphore_mem>>) {add = true}
        %dma_wait3A_202 = arith.constant 0 : i32
        %dma_wait3A_203 = tpu.memref_slice %arg7[%run_scoped3A_147, %dma_wait3A_202] : memref<2x128xi32, #tpu.memory_space<vmem>> -> memref<1x128xi32, #tpu.memory_space<vmem>>
        %dma_wait3A_204 = tpu.memref_squeeze %dma_wait3A_203 : memref<1x128xi32, #tpu.memory_space<vmem>> -> memref<128xi32, #tpu.memory_space<vmem>>
        %dma_wait3A_205 = arith.constant 0 : i32
        %dma_wait3A_206 = arith.constant 0 : i32
        %dma_wait3A_207 = tpu.memref_slice %arg5[%dma_wait3A_205, %dma_wait3A_206] : memref<10240x128xf32, #tpu.memory_space<vmem_shared>> -> memref<10240x128xf32, #tpu.memory_space<vmem_shared>>
        tpu.wait_indirect_dma semaphore(%run_scoped3A_195 : memref<!tpu.dma_semaphore, #tpu.memory_space<semaphore_mem>>) src(%arg11 : memref<128x128xf32, #tpu.memory_space<vmem>>) dst(%dma_wait3A_207 : memref<10240x128xf32, #tpu.memory_space<vmem_shared>>)
        tpu.yield
      }) : () -> ()
      %lt3A = arith.constant 19 : i32
      %lt3A_148 = arith.cmpi slt, %scan3A_68, %lt3A : i32
      %convert_element_type3A = arith.extui %lt3A_148 : i1 to i32
      %cond3A = arith.constant 0 : i32
      %cond3A_149 = arith.cmpi ne, %convert_element_type3A, %cond3A : i32
      scf.if %cond3A_149 {
        %add3A_195 = arith.constant 2 : i32
        %add3A_196 = arith.addi %mul3A_70, %add3A_195 : i32
        %add3A_197 = arith.constant 2 : i32
        %add3A_198 = arith.addi %add3A_196, %add3A_197 : i32
        %dma_start3A_199 = arith.constant 0 : i32
        %dma_start3A_200 = arith.constant 0 : i32
        %dma_start3A_201 = tpu.memref_slice %arg3[%add3A, %add3A_198, %dma_start3A_199, %dma_start3A_200] : memref<32x80x2x128xi32, #tpu.memory_space<hbm>> -> memref<1x1x2x128xi32, #tpu.memory_space<hbm>>
        %dma_start3A_202 = tpu.memref_squeeze %dma_start3A_201 : memref<1x1x2x128xi32, #tpu.memory_space<hbm>> -> memref<2x128xi32, #tpu.memory_space<hbm>>
        %dma_start3A_203 = arith.constant 0 : i32
        %dma_start3A_204 = arith.constant 0 : i32
        %dma_start3A_205 = tpu.memref_slice %arg3[%add3A, %add3A_198, %dma_start3A_203, %dma_start3A_204] : memref<32x80x2x128xi32, #tpu.memory_space<hbm>> -> memref<1x1x2x128xi32, #tpu.memory_space<hbm>>
        %dma_start3A_206 = tpu.memref_squeeze %dma_start3A_205 : memref<1x1x2x128xi32, #tpu.memory_space<hbm>> -> memref<2x128xi32, #tpu.memory_space<hbm>>
        tpu.enqueue_dma source(%dma_start3A_206 : memref<2x128xi32, #tpu.memory_space<hbm>>) target(%arg6 : memref<2x128xi32, #tpu.memory_space<vmem>>) target_semaphore(%arg12 : memref<!tpu.dma_semaphore, #tpu.memory_space<semaphore_mem>>)
      } else {
      }
      %add3A_150 = arith.constant 2 : i32
      %add3A_151 = arith.addi %mul3A_70, %add3A_150 : i32
      %add3A_152 = arith.constant 1 : i32
      %add3A_153 = arith.addi %add3A_151, %add3A_152 : i32
      %dma_wait3A_154 = arith.constant 0 : i32
      %dma_wait3A_155 = arith.constant 0 : i32
      %dma_wait3A_156 = tpu.memref_slice %arg3[%add3A, %add3A_153, %dma_wait3A_154, %dma_wait3A_155] : memref<32x80x2x128xi32, #tpu.memory_space<hbm>> -> memref<1x1x2x128xi32, #tpu.memory_space<hbm>>
      %dma_wait3A_157 = tpu.memref_squeeze %dma_wait3A_156 : memref<1x1x2x128xi32, #tpu.memory_space<hbm>> -> memref<2x128xi32, #tpu.memory_space<hbm>>
      %dma_wait3A_158 = arith.constant 0 : i32
      %dma_wait3A_159 = arith.constant 0 : i32
      %dma_wait3A_160 = tpu.memref_slice %arg3[%add3A, %add3A_153, %dma_wait3A_158, %dma_wait3A_159] : memref<32x80x2x128xi32, #tpu.memory_space<hbm>> -> memref<1x1x2x128xi32, #tpu.memory_space<hbm>>
      %dma_wait3A_161 = tpu.memref_squeeze %dma_wait3A_160 : memref<1x1x2x128xi32, #tpu.memory_space<hbm>> -> memref<2x128xi32, #tpu.memory_space<hbm>>
      tpu.wait_dma2 semaphore(%arg15 : memref<!tpu.dma_semaphore, #tpu.memory_space<semaphore_mem>>) src(%dma_wait3A_161 : memref<2x128xi32, #tpu.memory_space<hbm>>) dst(%arg9 : memref<2x128xi32, #tpu.memory_space<vmem>>)
      %dma_start3A_162 = arith.constant 0 : i32
      %dma_start3A_163 = arith.constant 0 : i32
      %dma_start3A_164 = tpu.memref_slice %arg9[%dma_start3A_162, %dma_start3A_163] : memref<2x128xi32, #tpu.memory_space<vmem>> -> memref<1x128xi32, #tpu.memory_space<vmem>>
      %dma_start3A_165 = tpu.memref_squeeze %dma_start3A_164 : memref<1x128xi32, #tpu.memory_space<vmem>> -> memref<128xi32, #tpu.memory_space<vmem>>
      %dma_start3A_166 = arith.constant 0 : i32
      %dma_start3A_167 = arith.constant 0 : i32
      %dma_start3A_168 = tpu.memref_slice %arg2[%dma_start3A_166, %dma_start3A_167] : memref<10000x128xf32, #tpu.memory_space<hbm>> -> memref<10000x128xf32, #tpu.memory_space<hbm>>
      tpu.enqueue_indirect_dma source(%dma_start3A_168 : memref<10000x128xf32, #tpu.memory_space<hbm>>) target(%arg11 : memref<128x128xf32, #tpu.memory_space<vmem>>) offsets(%dma_start3A_165 : memref<128xi32, #tpu.memory_space<vmem>>) semaphore(%arg17 : memref<!tpu.dma_semaphore, #tpu.memory_space<semaphore_mem>>)
      %dma_wait3A_169 = arith.constant 0 : i32
      %dma_wait3A_170 = arith.constant 0 : i32
      %dma_wait3A_171 = tpu.memref_slice %arg8[%dma_wait3A_169, %dma_wait3A_170] : memref<2x128xi32, #tpu.memory_space<vmem>> -> memref<1x128xi32, #tpu.memory_space<vmem>>
      %dma_wait3A_172 = tpu.memref_squeeze %dma_wait3A_171 : memref<1x128xi32, #tpu.memory_space<vmem>> -> memref<128xi32, #tpu.memory_space<vmem>>
      %dma_wait3A_173 = arith.constant 0 : i32
      %dma_wait3A_174 = arith.constant 0 : i32
      %dma_wait3A_175 = tpu.memref_slice %arg2[%dma_wait3A_173, %dma_wait3A_174] : memref<10000x128xf32, #tpu.memory_space<hbm>> -> memref<10000x128xf32, #tpu.memory_space<hbm>>
      tpu.wait_indirect_dma semaphore(%arg16 : memref<!tpu.dma_semaphore, #tpu.memory_space<semaphore_mem>>) src(%dma_wait3A_175 : memref<10000x128xf32, #tpu.memory_space<hbm>>) dst(%arg10 : memref<128x128xf32, #tpu.memory_space<vmem>>)
      %run_scoped3A_176 = arith.constant 1 : i32
      "tpu.region"() ({
        %run_scoped3A_195 = tpu.sem_alloc : memref<!tpu.dma_semaphore, #tpu.memory_space<semaphore_mem>>
        %dma_start3A_196 = arith.constant 0 : i32
        %dma_start3A_197 = tpu.memref_slice %arg8[%run_scoped3A_176, %dma_start3A_196] : memref<2x128xi32, #tpu.memory_space<vmem>> -> memref<1x128xi32, #tpu.memory_space<vmem>>
        %dma_start3A_198 = tpu.memref_squeeze %dma_start3A_197 : memref<1x128xi32, #tpu.memory_space<vmem>> -> memref<128xi32, #tpu.memory_space<vmem>>
        %dma_start3A_199 = arith.constant 0 : i32
        %dma_start3A_200 = arith.constant 0 : i32
        %dma_start3A_201 = tpu.memref_slice %arg5[%dma_start3A_199, %dma_start3A_200] : memref<10240x128xf32, #tpu.memory_space<vmem_shared>> -> memref<10240x128xf32, #tpu.memory_space<vmem_shared>>
        tpu.enqueue_indirect_dma source(%arg10 : memref<128x128xf32, #tpu.memory_space<vmem>>) target(%dma_start3A_201 : memref<10240x128xf32, #tpu.memory_space<vmem_shared>>) offsets(%dma_start3A_198 : memref<128xi32, #tpu.memory_space<vmem>>) semaphore(%run_scoped3A_195 : memref<!tpu.dma_semaphore, #tpu.memory_space<semaphore_mem>>) {add = true}
        %dma_wait3A_202 = arith.constant 0 : i32
        %dma_wait3A_203 = tpu.memref_slice %arg8[%run_scoped3A_176, %dma_wait3A_202] : memref<2x128xi32, #tpu.memory_space<vmem>> -> memref<1x128xi32, #tpu.memory_space<vmem>>
        %dma_wait3A_204 = tpu.memref_squeeze %dma_wait3A_203 : memref<1x128xi32, #tpu.memory_space<vmem>> -> memref<128xi32, #tpu.memory_space<vmem>>
        %dma_wait3A_205 = arith.constant 0 : i32
        %dma_wait3A_206 = arith.constant 0 : i32
        %dma_wait3A_207 = tpu.memref_slice %arg5[%dma_wait3A_205, %dma_wait3A_206] : memref<10240x128xf32, #tpu.memory_space<vmem_shared>> -> memref<10240x128xf32, #tpu.memory_space<vmem_shared>>
        tpu.wait_indirect_dma semaphore(%run_scoped3A_195 : memref<!tpu.dma_semaphore, #tpu.memory_space<semaphore_mem>>) src(%arg10 : memref<128x128xf32, #tpu.memory_space<vmem>>) dst(%dma_wait3A_207 : memref<10240x128xf32, #tpu.memory_space<vmem_shared>>)
        tpu.yield
      }) : () -> ()
      %lt3A_177 = arith.constant 19 : i32
      %lt3A_178 = arith.cmpi slt, %scan3A_68, %lt3A_177 : i32
      %convert_element_type3A_179 = arith.extui %lt3A_178 : i1 to i32
      %cond3A_180 = arith.constant 0 : i32
      %cond3A_181 = arith.cmpi ne, %convert_element_type3A_179, %cond3A_180 : i32
      scf.if %cond3A_181 {
        %add3A_195 = arith.constant 3 : i32
        %add3A_196 = arith.addi %mul3A_70, %add3A_195 : i32
        %add3A_197 = arith.constant 2 : i32
        %add3A_198 = arith.addi %add3A_196, %add3A_197 : i32
        %dma_start3A_199 = arith.constant 0 : i32
        %dma_start3A_200 = arith.constant 0 : i32
        %dma_start3A_201 = tpu.memref_slice %arg3[%add3A, %add3A_198, %dma_start3A_199, %dma_start3A_200] : memref<32x80x2x128xi32, #tpu.memory_space<hbm>> -> memref<1x1x2x128xi32, #tpu.memory_space<hbm>>
        %dma_start3A_202 = tpu.memref_squeeze %dma_start3A_201 : memref<1x1x2x128xi32, #tpu.memory_space<hbm>> -> memref<2x128xi32, #tpu.memory_space<hbm>>
        %dma_start3A_203 = arith.constant 0 : i32
        %dma_start3A_204 = arith.constant 0 : i32
        %dma_start3A_205 = tpu.memref_slice %arg3[%add3A, %add3A_198, %dma_start3A_203, %dma_start3A_204] : memref<32x80x2x128xi32, #tpu.memory_space<hbm>> -> memref<1x1x2x128xi32, #tpu.memory_space<hbm>>
        %dma_start3A_206 = tpu.memref_squeeze %dma_start3A_205 : memref<1x1x2x128xi32, #tpu.memory_space<hbm>> -> memref<2x128xi32, #tpu.memory_space<hbm>>
        tpu.enqueue_dma source(%dma_start3A_206 : memref<2x128xi32, #tpu.memory_space<hbm>>) target(%arg7 : memref<2x128xi32, #tpu.memory_space<vmem>>) target_semaphore(%arg13 : memref<!tpu.dma_semaphore, #tpu.memory_space<semaphore_mem>>)
      } else {
      }
      %lt3A_182 = arith.constant 19 : i32
      %lt3A_183 = arith.cmpi slt, %scan3A_68, %lt3A_182 : i32
      %convert_element_type3A_184 = arith.extui %lt3A_183 : i1 to i32
      %cond3A_185 = arith.constant 0 : i32
      %cond3A_186 = arith.cmpi ne, %convert_element_type3A_184, %cond3A_185 : i32
      scf.if %cond3A_186 {
        %add3A_195 = arith.constant 4 : i32
        %add3A_196 = arith.addi %mul3A_70, %add3A_195 : i32
        %dma_wait3A_197 = arith.constant 0 : i32
        %dma_wait3A_198 = arith.constant 0 : i32
        %dma_wait3A_199 = tpu.memref_slice %arg3[%add3A, %add3A_196, %dma_wait3A_197, %dma_wait3A_198] : memref<32x80x2x128xi32, #tpu.memory_space<hbm>> -> memref<1x1x2x128xi32, #tpu.memory_space<hbm>>
        %dma_wait3A_200 = tpu.memref_squeeze %dma_wait3A_199 : memref<1x1x2x128xi32, #tpu.memory_space<hbm>> -> memref<2x128xi32, #tpu.memory_space<hbm>>
        %dma_wait3A_201 = arith.constant 0 : i32
        %dma_wait3A_202 = arith.constant 0 : i32
        %dma_wait3A_203 = tpu.memref_slice %arg3[%add3A, %add3A_196, %dma_wait3A_201, %dma_wait3A_202] : memref<32x80x2x128xi32, #tpu.memory_space<hbm>> -> memref<1x1x2x128xi32, #tpu.memory_space<hbm>>
        %dma_wait3A_204 = tpu.memref_squeeze %dma_wait3A_203 : memref<1x1x2x128xi32, #tpu.memory_space<hbm>> -> memref<2x128xi32, #tpu.memory_space<hbm>>
        tpu.wait_dma2 semaphore(%arg12 : memref<!tpu.dma_semaphore, #tpu.memory_space<semaphore_mem>>) src(%dma_wait3A_204 : memref<2x128xi32, #tpu.memory_space<hbm>>) dst(%arg6 : memref<2x128xi32, #tpu.memory_space<vmem>>)
        %dma_start3A_205 = arith.constant 0 : i32
        %dma_start3A_206 = arith.constant 0 : i32
        %dma_start3A_207 = tpu.memref_slice %arg6[%dma_start3A_205, %dma_start3A_206] : memref<2x128xi32, #tpu.memory_space<vmem>> -> memref<1x128xi32, #tpu.memory_space<vmem>>
        %dma_start3A_208 = tpu.memref_squeeze %dma_start3A_207 : memref<1x128xi32, #tpu.memory_space<vmem>> -> memref<128xi32, #tpu.memory_space<vmem>>
        %dma_start3A_209 = arith.constant 0 : i32
        %dma_start3A_210 = arith.constant 0 : i32
        %dma_start3A_211 = tpu.memref_slice %arg2[%dma_start3A_209, %dma_start3A_210] : memref<10000x128xf32, #tpu.memory_space<hbm>> -> memref<10000x128xf32, #tpu.memory_space<hbm>>
        tpu.enqueue_indirect_dma source(%dma_start3A_211 : memref<10000x128xf32, #tpu.memory_space<hbm>>) target(%arg10 : memref<128x128xf32, #tpu.memory_space<vmem>>) offsets(%dma_start3A_208 : memref<128xi32, #tpu.memory_space<vmem>>) semaphore(%arg16 : memref<!tpu.dma_semaphore, #tpu.memory_space<semaphore_mem>>)
      } else {
      }
      %dma_wait3A_187 = arith.constant 0 : i32
      %dma_wait3A_188 = arith.constant 0 : i32
      %dma_wait3A_189 = tpu.memref_slice %arg9[%dma_wait3A_187, %dma_wait3A_188] : memref<2x128xi32, #tpu.memory_space<vmem>> -> memref<1x128xi32, #tpu.memory_space<vmem>>
      %dma_wait3A_190 = tpu.memref_squeeze %dma_wait3A_189 : memref<1x128xi32, #tpu.memory_space<vmem>> -> memref<128xi32, #tpu.memory_space<vmem>>
      %dma_wait3A_191 = arith.constant 0 : i32
      %dma_wait3A_192 = arith.constant 0 : i32
      %dma_wait3A_193 = tpu.memref_slice %arg2[%dma_wait3A_191, %dma_wait3A_192] : memref<10000x128xf32, #tpu.memory_space<hbm>> -> memref<10000x128xf32, #tpu.memory_space<hbm>>
      tpu.wait_indirect_dma semaphore(%arg17 : memref<!tpu.dma_semaphore, #tpu.memory_space<semaphore_mem>>) src(%dma_wait3A_193 : memref<10000x128xf32, #tpu.memory_space<hbm>>) dst(%arg11 : memref<128x128xf32, #tpu.memory_space<vmem>>)
      %run_scoped3A_194 = arith.constant 1 : i32
      "tpu.region"() ({
        %run_scoped3A_195 = tpu.sem_alloc : memref<!tpu.dma_semaphore, #tpu.memory_space<semaphore_mem>>
        %dma_start3A_196 = arith.constant 0 : i32
        %dma_start3A_197 = tpu.memref_slice %arg9[%run_scoped3A_194, %dma_start3A_196] : memref<2x128xi32, #tpu.memory_space<vmem>> -> memref<1x128xi32, #tpu.memory_space<vmem>>
        %dma_start3A_198 = tpu.memref_squeeze %dma_start3A_197 : memref<1x128xi32, #tpu.memory_space<vmem>> -> memref<128xi32, #tpu.memory_space<vmem>>
        %dma_start3A_199 = arith.constant 0 : i32
        %dma_start3A_200 = arith.constant 0 : i32
        %dma_start3A_201 = tpu.memref_slice %arg5[%dma_start3A_199, %dma_start3A_200] : memref<10240x128xf32, #tpu.memory_space<vmem_shared>> -> memref<10240x128xf32, #tpu.memory_space<vmem_shared>>
        tpu.enqueue_indirect_dma source(%arg11 : memref<128x128xf32, #tpu.memory_space<vmem>>) target(%dma_start3A_201 : memref<10240x128xf32, #tpu.memory_space<vmem_shared>>) offsets(%dma_start3A_198 : memref<128xi32, #tpu.memory_space<vmem>>) semaphore(%run_scoped3A_195 : memref<!tpu.dma_semaphore, #tpu.memory_space<semaphore_mem>>) {add = true}
        %dma_wait3A_202 = arith.constant 0 : i32
        %dma_wait3A_203 = tpu.memref_slice %arg9[%run_scoped3A_194, %dma_wait3A_202] : memref<2x128xi32, #tpu.memory_space<vmem>> -> memref<1x128xi32, #tpu.memory_space<vmem>>
        %dma_wait3A_204 = tpu.memref_squeeze %dma_wait3A_203 : memref<1x128xi32, #tpu.memory_space<vmem>> -> memref<128xi32, #tpu.memory_space<vmem>>
        %dma_wait3A_205 = arith.constant 0 : i32
        %dma_wait3A_206 = arith.constant 0 : i32
        %dma_wait3A_207 = tpu.memref_slice %arg5[%dma_wait3A_205, %dma_wait3A_206] : memref<10240x128xf32, #tpu.memory_space<vmem_shared>> -> memref<10240x128xf32, #tpu.memory_space<vmem_shared>>
        tpu.wait_indirect_dma semaphore(%run_scoped3A_195 : memref<!tpu.dma_semaphore, #tpu.memory_space<semaphore_mem>>) src(%arg11 : memref<128x128xf32, #tpu.memory_space<vmem>>) dst(%dma_wait3A_207 : memref<10240x128xf32, #tpu.memory_space<vmem_shared>>)
        tpu.yield
      }) : () -> ()
    }
    %scan3A_46 = arith.constant 20 : i32
    %barrier3A_47 = arith.constant 0 : index
    tpu.barrier barrier_id(%barrier3A_47)
    %mul3A_48 = arith.constant 640 : i32
    %mul3A_49 = arith.muli %arg1, %mul3A_48 : i32
    %add3A_50 = arith.constant 0 : i32
    %add3A_51 = arith.addi %mul3A_49, %add3A_50 : i32
    "tpu.region"() ({
      %run_scoped3A_68 = tpu.sem_alloc : memref<!tpu.dma_semaphore, #tpu.memory_space<semaphore_mem>>
      %dma_start3A_69 = arith.constant 0 : i32
      %dma_start3A_70 = tpu.memref_slice %arg4[%arg0, %add3A_51, %dma_start3A_69] : memref<2x10240x128xf32, #tpu.memory_space<hbm>> -> memref<1x128x128xf32, #tpu.memory_space<hbm>>
      %dma_start3A_71 = tpu.memref_squeeze %dma_start3A_70 : memref<1x128x128xf32, #tpu.memory_space<hbm>> -> memref<128x128xf32, #tpu.memory_space<hbm>>
      %dma_start3A_72 = arith.constant 0 : i32
      %dma_start3A_73 = tpu.memref_slice %arg5[%add3A_51, %dma_start3A_72] : memref<10240x128xf32, #tpu.memory_space<vmem_shared>> -> memref<128x128xf32, #tpu.memory_space<vmem_shared>>
      tpu.enqueue_dma source(%dma_start3A_73 : memref<128x128xf32, #tpu.memory_space<vmem_shared>>) target(%dma_start3A_71 : memref<128x128xf32, #tpu.memory_space<hbm>>) target_semaphore(%run_scoped3A_68 : memref<!tpu.dma_semaphore, #tpu.memory_space<semaphore_mem>>)
      %dma_wait3A = arith.constant 0 : i32
      %dma_wait3A_74 = tpu.memref_slice %arg4[%arg0, %add3A_51, %dma_wait3A] : memref<2x10240x128xf32, #tpu.memory_space<hbm>> -> memref<1x128x128xf32, #tpu.memory_space<hbm>>
      %dma_wait3A_75 = tpu.memref_squeeze %dma_wait3A_74 : memref<1x128x128xf32, #tpu.memory_space<hbm>> -> memref<128x128xf32, #tpu.memory_space<hbm>>
      %dma_wait3A_76 = arith.constant 0 : i32
      %dma_wait3A_77 = tpu.memref_slice %arg5[%add3A_51, %dma_wait3A_76] : memref<10240x128xf32, #tpu.memory_space<vmem_shared>> -> memref<128x128xf32, #tpu.memory_space<vmem_shared>>
      tpu.wait_dma2 semaphore(%run_scoped3A_68 : memref<!tpu.dma_semaphore, #tpu.memory_space<semaphore_mem>>) src(%dma_wait3A_77 : memref<128x128xf32, #tpu.memory_space<vmem_shared>>) dst(%dma_wait3A_75 : memref<128x128xf32, #tpu.memory_space<hbm>>)
      tpu.yield
    }) : () -> ()
    %mul3A_52 = arith.constant 640 : i32
    %mul3A_53 = arith.muli %arg1, %mul3A_52 : i32
    %add3A_54 = arith.constant 128 : i32
    %add3A_55 = arith.addi %mul3A_53, %add3A_54 : i32
    "tpu.region"() ({
      %run_scoped3A_68 = tpu.sem_alloc : memref<!tpu.dma_semaphore, #tpu.memory_space<semaphore_mem>>
      %dma_start3A_69 = arith.constant 0 : i32
      %dma_start3A_70 = tpu.memref_slice %arg4[%arg0, %add3A_55, %dma_start3A_69] : memref<2x10240x128xf32, #tpu.memory_space<hbm>> -> memref<1x128x128xf32, #tpu.memory_space<hbm>>
      %dma_start3A_71 = tpu.memref_squeeze %dma_start3A_70 : memref<1x128x128xf32, #tpu.memory_space<hbm>> -> memref<128x128xf32, #tpu.memory_space<hbm>>
      %dma_start3A_72 = arith.constant 0 : i32
      %dma_start3A_73 = tpu.memref_slice %arg5[%add3A_55, %dma_start3A_72] : memref<10240x128xf32, #tpu.memory_space<vmem_shared>> -> memref<128x128xf32, #tpu.memory_space<vmem_shared>>
      tpu.enqueue_dma source(%dma_start3A_73 : memref<128x128xf32, #tpu.memory_space<vmem_shared>>) target(%dma_start3A_71 : memref<128x128xf32, #tpu.memory_space<hbm>>) target_semaphore(%run_scoped3A_68 : memref<!tpu.dma_semaphore, #tpu.memory_space<semaphore_mem>>)
      %dma_wait3A = arith.constant 0 : i32
      %dma_wait3A_74 = tpu.memref_slice %arg4[%arg0, %add3A_55, %dma_wait3A] : memref<2x10240x128xf32, #tpu.memory_space<hbm>> -> memref<1x128x128xf32, #tpu.memory_space<hbm>>
      %dma_wait3A_75 = tpu.memref_squeeze %dma_wait3A_74 : memref<1x128x128xf32, #tpu.memory_space<hbm>> -> memref<128x128xf32, #tpu.memory_space<hbm>>
      %dma_wait3A_76 = arith.constant 0 : i32
      %dma_wait3A_77 = tpu.memref_slice %arg5[%add3A_55, %dma_wait3A_76] : memref<10240x128xf32, #tpu.memory_space<vmem_shared>> -> memref<128x128xf32, #tpu.memory_space<vmem_shared>>
      tpu.wait_dma2 semaphore(%run_scoped3A_68 : memref<!tpu.dma_semaphore, #tpu.memory_space<semaphore_mem>>) src(%dma_wait3A_77 : memref<128x128xf32, #tpu.memory_space<vmem_shared>>) dst(%dma_wait3A_75 : memref<128x128xf32, #tpu.memory_space<hbm>>)
      tpu.yield
    }) : () -> ()
    %mul3A_56 = arith.constant 640 : i32
    %mul3A_57 = arith.muli %arg1, %mul3A_56 : i32
    %add3A_58 = arith.constant 256 : i32
    %add3A_59 = arith.addi %mul3A_57, %add3A_58 : i32
    "tpu.region"() ({
      %run_scoped3A_68 = tpu.sem_alloc : memref<!tpu.dma_semaphore, #tpu.memory_space<semaphore_mem>>
      %dma_start3A_69 = arith.constant 0 : i32
      %dma_start3A_70 = tpu.memref_slice %arg4[%arg0, %add3A_59, %dma_start3A_69] : memref<2x10240x128xf32, #tpu.memory_space<hbm>> -> memref<1x128x128xf32, #tpu.memory_space<hbm>>
      %dma_start3A_71 = tpu.memref_squeeze %dma_start3A_70 : memref<1x128x128xf32, #tpu.memory_space<hbm>> -> memref<128x128xf32, #tpu.memory_space<hbm>>
      %dma_start3A_72 = arith.constant 0 : i32
      %dma_start3A_73 = tpu.memref_slice %arg5[%add3A_59, %dma_start3A_72] : memref<10240x128xf32, #tpu.memory_space<vmem_shared>> -> memref<128x128xf32, #tpu.memory_space<vmem_shared>>
      tpu.enqueue_dma source(%dma_start3A_73 : memref<128x128xf32, #tpu.memory_space<vmem_shared>>) target(%dma_start3A_71 : memref<128x128xf32, #tpu.memory_space<hbm>>) target_semaphore(%run_scoped3A_68 : memref<!tpu.dma_semaphore, #tpu.memory_space<semaphore_mem>>)
      %dma_wait3A = arith.constant 0 : i32
      %dma_wait3A_74 = tpu.memref_slice %arg4[%arg0, %add3A_59, %dma_wait3A] : memref<2x10240x128xf32, #tpu.memory_space<hbm>> -> memref<1x128x128xf32, #tpu.memory_space<hbm>>
      %dma_wait3A_75 = tpu.memref_squeeze %dma_wait3A_74 : memref<1x128x128xf32, #tpu.memory_space<hbm>> -> memref<128x128xf32, #tpu.memory_space<hbm>>
      %dma_wait3A_76 = arith.constant 0 : i32
      %dma_wait3A_77 = tpu.memref_slice %arg5[%add3A_59, %dma_wait3A_76] : memref<10240x128xf32, #tpu.memory_space<vmem_shared>> -> memref<128x128xf32, #tpu.memory_space<vmem_shared>>
      tpu.wait_dma2 semaphore(%run_scoped3A_68 : memref<!tpu.dma_semaphore, #tpu.memory_space<semaphore_mem>>) src(%dma_wait3A_77 : memref<128x128xf32, #tpu.memory_space<vmem_shared>>) dst(%dma_wait3A_75 : memref<128x128xf32, #tpu.memory_space<hbm>>)
      tpu.yield
    }) : () -> ()
    %mul3A_60 = arith.constant 640 : i32
    %mul3A_61 = arith.muli %arg1, %mul3A_60 : i32
    %add3A_62 = arith.constant 384 : i32
    %add3A_63 = arith.addi %mul3A_61, %add3A_62 : i32
    "tpu.region"() ({
      %run_scoped3A_68 = tpu.sem_alloc : memref<!tpu.dma_semaphore, #tpu.memory_space<semaphore_mem>>
      %dma_start3A_69 = arith.constant 0 : i32
      %dma_start3A_70 = tpu.memref_slice %arg4[%arg0, %add3A_63, %dma_start3A_69] : memref<2x10240x128xf32, #tpu.memory_space<hbm>> -> memref<1x128x128xf32, #tpu.memory_space<hbm>>
      %dma_start3A_71 = tpu.memref_squeeze %dma_start3A_70 : memref<1x128x128xf32, #tpu.memory_space<hbm>> -> memref<128x128xf32, #tpu.memory_space<hbm>>
      %dma_start3A_72 = arith.constant 0 : i32
      %dma_start3A_73 = tpu.memref_slice %arg5[%add3A_63, %dma_start3A_72] : memref<10240x128xf32, #tpu.memory_space<vmem_shared>> -> memref<128x128xf32, #tpu.memory_space<vmem_shared>>
      tpu.enqueue_dma source(%dma_start3A_73 : memref<128x128xf32, #tpu.memory_space<vmem_shared>>) target(%dma_start3A_71 : memref<128x128xf32, #tpu.memory_space<hbm>>) target_semaphore(%run_scoped3A_68 : memref<!tpu.dma_semaphore, #tpu.memory_space<semaphore_mem>>)
      %dma_wait3A = arith.constant 0 : i32
      %dma_wait3A_74 = tpu.memref_slice %arg4[%arg0, %add3A_63, %dma_wait3A] : memref<2x10240x128xf32, #tpu.memory_space<hbm>> -> memref<1x128x128xf32, #tpu.memory_space<hbm>>
      %dma_wait3A_75 = tpu.memref_squeeze %dma_wait3A_74 : memref<1x128x128xf32, #tpu.memory_space<hbm>> -> memref<128x128xf32, #tpu.memory_space<hbm>>
      %dma_wait3A_76 = arith.constant 0 : i32
      %dma_wait3A_77 = tpu.memref_slice %arg5[%add3A_63, %dma_wait3A_76] : memref<10240x128xf32, #tpu.memory_space<vmem_shared>> -> memref<128x128xf32, #tpu.memory_space<vmem_shared>>
      tpu.wait_dma2 semaphore(%run_scoped3A_68 : memref<!tpu.dma_semaphore, #tpu.memory_space<semaphore_mem>>) src(%dma_wait3A_77 : memref<128x128xf32, #tpu.memory_space<vmem_shared>>) dst(%dma_wait3A_75 : memref<128x128xf32, #tpu.memory_space<hbm>>)
      tpu.yield
    }) : () -> ()
    %mul3A_64 = arith.constant 640 : i32
    %mul3A_65 = arith.muli %arg1, %mul3A_64 : i32
    %add3A_66 = arith.constant 512 : i32
    %add3A_67 = arith.addi %mul3A_65, %add3A_66 : i32
    "tpu.region"() ({
      %run_scoped3A_68 = tpu.sem_alloc : memref<!tpu.dma_semaphore, #tpu.memory_space<semaphore_mem>>
      %dma_start3A_69 = arith.constant 0 : i32
      %dma_start3A_70 = tpu.memref_slice %arg4[%arg0, %add3A_67, %dma_start3A_69] : memref<2x10240x128xf32, #tpu.memory_space<hbm>> -> memref<1x128x128xf32, #tpu.memory_space<hbm>>
      %dma_start3A_71 = tpu.memref_squeeze %dma_start3A_70 : memref<1x128x128xf32, #tpu.memory_space<hbm>> -> memref<128x128xf32, #tpu.memory_space<hbm>>
      %dma_start3A_72 = arith.constant 0 : i32
      %dma_start3A_73 = tpu.memref_slice %arg5[%add3A_67, %dma_start3A_72] : memref<10240x128xf32, #tpu.memory_space<vmem_shared>> -> memref<128x128xf32, #tpu.memory_space<vmem_shared>>
      tpu.enqueue_dma source(%dma_start3A_73 : memref<128x128xf32, #tpu.memory_space<vmem_shared>>) target(%dma_start3A_71 : memref<128x128xf32, #tpu.memory_space<hbm>>) target_semaphore(%run_scoped3A_68 : memref<!tpu.dma_semaphore, #tpu.memory_space<semaphore_mem>>)
      %dma_wait3A = arith.constant 0 : i32
      %dma_wait3A_74 = tpu.memref_slice %arg4[%arg0, %add3A_67, %dma_wait3A] : memref<2x10240x128xf32, #tpu.memory_space<hbm>> -> memref<1x128x128xf32, #tpu.memory_space<hbm>>
      %dma_wait3A_75 = tpu.memref_squeeze %dma_wait3A_74 : memref<1x128x128xf32, #tpu.memory_space<hbm>> -> memref<128x128xf32, #tpu.memory_space<hbm>>
      %dma_wait3A_76 = arith.constant 0 : i32
      %dma_wait3A_77 = tpu.memref_slice %arg5[%add3A_67, %dma_wait3A_76] : memref<10240x128xf32, #tpu.memory_space<vmem_shared>> -> memref<128x128xf32, #tpu.memory_space<vmem_shared>>
      tpu.wait_dma2 semaphore(%run_scoped3A_68 : memref<!tpu.dma_semaphore, #tpu.memory_space<semaphore_mem>>) src(%dma_wait3A_77 : memref<128x128xf32, #tpu.memory_space<vmem_shared>>) dst(%dma_wait3A_75 : memref<128x128xf32, #tpu.memory_space<hbm>>)
      tpu.yield
    }) : () -> ()
    return
  }
}

#map = affine_map<(d0, d1) -> (0, 0)>
#map1 = affine_map<(d0, d1) -> (0, 0, 0, 0)>
#map2 = affine_map<(d0, d1) -> (0, 0, 0)>
module attributes {stable_mosaic.version = 14 : i64} {
  func.func @_sc_scatter(%arg0: i32, %arg1: i32, %arg2: memref<10000x128xf32, #tpu.memory_space<hbm>>, %arg3: memref<32x80x2x128xi32, #tpu.memory_space<hbm>>, %arg4: memref<2x10240x128xf32, #tpu.memory_space<hbm>>, %arg5: memref<10240x128xf32, #tpu.memory_space<vmem_shared>>, %arg6: memref<2x128xi32, #tpu.memory_space<vmem>>, %arg7: memref<2x128xi32, #tpu.memory_space<vmem>>, %arg8: memref<2x128xi32, #tpu.memory_space<vmem>>, %arg9: memref<2x128xi32, #tpu.memory_space<vmem>>, %arg10: memref<128x128xf32, #tpu.memory_space<vmem>>, %arg11: memref<128x128xf32, #tpu.memory_space<vmem>>, %arg12: memref<!tpu.dma_semaphore, #tpu.memory_space<semaphore_mem>>, %arg13: memref<!tpu.dma_semaphore, #tpu.memory_space<semaphore_mem>>, %arg14: memref<!tpu.dma_semaphore, #tpu.memory_space<semaphore_mem>>, %arg15: memref<!tpu.dma_semaphore, #tpu.memory_space<semaphore_mem>>, %arg16: memref<!tpu.dma_semaphore, #tpu.memory_space<semaphore_mem>>, %arg17: memref<!tpu.dma_semaphore, #tpu.memory_space<semaphore_mem>>) attributes {dimension_semantics = [#tpu.dimension_semantics<core_parallel>, #tpu.dimension_semantics<subcore_parallel>], iteration_bounds = array<i64: 2, 16>, scalar_prefetch = 0 : i64, scratch_operands = 13 : i64, tpu.core_type = #tpu.core_type<sc_vector_subcore>, window_params = [{transform_indices = #map}, {transform_indices = #map1}, {transform_indices = #map2}]} {
    %mul3A = arith.constant 16 : i32
    %mul3A_0 = arith.muli %arg0, %mul3A : i32
    %add3A = arith.addi %mul3A_0, %arg1 : i32
    %run_scoped3A = arith.constant 0 : i32
    "tpu.region"() ({
      %run_scoped3A_68 = tpu.sem_alloc : memref<!tpu.dma_semaphore, #tpu.memory_space<semaphore_mem>>
      %dma_start3A_69 = arith.constant 0 : i32
      %dma_start3A_70 = arith.constant 0 : i32
      %dma_start3A_71 = tpu.memref_slice %arg3[%add3A, %run_scoped3A, %dma_start3A_69, %dma_start3A_70] : memref<32x80x2x128xi32, #tpu.memory_space<hbm>> -> memref<1x1x2x128xi32, #tpu.memory_space<hbm>>
      %dma_start3A_72 = tpu.memref_squeeze %dma_start3A_71 : memref<1x1x2x128xi32, #tpu.memory_space<hbm>> -> memref<2x128xi32, #tpu.memory_space<hbm>>
      %dma_start3A_73 = arith.constant 0 : i32
      %dma_start3A_74 = arith.constant 0 : i32
      %dma_start3A_75 = tpu.memref_slice %arg3[%add3A, %run_scoped3A, %dma_start3A_73, %dma_start3A_74] : memref<32x80x2x128xi32, #tpu.memory_space<hbm>> -> memref<1x1x2x128xi32, #tpu.memory_space<hbm>>
      %dma_start3A_76 = tpu.memref_squeeze %dma_start3A_75 : memref<1x1x2x128xi32, #tpu.memory_space<hbm>> -> memref<2x128xi32, #tpu.memory_space<hbm>>
      tpu.enqueue_dma source(%dma_start3A_76 : memref<2x128xi32, #tpu.memory_space<hbm>>) target(%arg6 : memref<2x128xi32, #tpu.memory_space<vmem>>) target_semaphore(%run_scoped3A_68 : memref<!tpu.dma_semaphore, #tpu.memory_space<semaphore_mem>>)
      %dma_wait3A = arith.constant 0 : i32
      %dma_wait3A_77 = arith.constant 0 : i32
      %dma_wait3A_78 = tpu.memref_slice %arg3[%add3A, %run_scoped3A, %dma_wait3A, %dma_wait3A_77] : memref<32x80x2x128xi32, #tpu.memory_space<hbm>> -> memref<1x1x2x128xi32, #tpu.memory_space<hbm>>
      %dma_wait3A_79 = tpu.memref_squeeze %dma_wait3A_78 : memref<1x1x2x128xi32, #tpu.memory_space<hbm>> -> memref<2x128xi32, #tpu.memory_space<hbm>>
      %dma_wait3A_80 = arith.constant 0 : i32
      %dma_wait3A_81 = arith.constant 0 : i32
      %dma_wait3A_82 = tpu.memref_slice %arg3[%add3A, %run_scoped3A, %dma_wait3A_80, %dma_wait3A_81] : memref<32x80x2x128xi32, #tpu.memory_space<hbm>> -> memref<1x1x2x128xi32, #tpu.memory_space<hbm>>
      %dma_wait3A_83 = tpu.memref_squeeze %dma_wait3A_82 : memref<1x1x2x128xi32, #tpu.memory_space<hbm>> -> memref<2x128xi32, #tpu.memory_space<hbm>>
      tpu.wait_dma2 semaphore(%run_scoped3A_68 : memref<!tpu.dma_semaphore, #tpu.memory_space<semaphore_mem>>) src(%dma_wait3A_83 : memref<2x128xi32, #tpu.memory_space<hbm>>) dst(%arg6 : memref<2x128xi32, #tpu.memory_space<vmem>>)
      tpu.yield
    }) : () -> ()
    %dma_start3A = arith.constant 0 : i32
    %dma_start3A_1 = arith.constant 0 : i32
    %dma_start3A_2 = tpu.memref_slice %arg6[%dma_start3A, %dma_start3A_1] : memref<2x128xi32, #tpu.memory_space<vmem>> -> memref<1x128xi32, #tpu.memory_space<vmem>>
    %dma_start3A_3 = tpu.memref_squeeze %dma_start3A_2 : memref<1x128xi32, #tpu.memory_space<vmem>> -> memref<128xi32, #tpu.memory_space<vmem>>
    %dma_start3A_4 = arith.constant 0 : i32
    %dma_start3A_5 = arith.constant 0 : i32
    %dma_start3A_6 = tpu.memref_slice %arg2[%dma_start3A_4, %dma_start3A_5] : memref<10000x128xf32, #tpu.memory_space<hbm>> -> memref<10000x128xf32, #tpu.memory_space<hbm>>
    tpu.enqueue_indirect_dma source(%dma_start3A_6 : memref<10000x128xf32, #tpu.memory_space<hbm>>) target(%arg10 : memref<128x128xf32, #tpu.memory_space<vmem>>) offsets(%dma_start3A_3 : memref<128xi32, #tpu.memory_space<vmem>>) semaphore(%arg16 : memref<!tpu.dma_semaphore, #tpu.memory_space<semaphore_mem>>)
    %dma_start3A_7 = arith.constant 1 : i32
    %dma_start3A_8 = arith.constant 0 : i32
    %dma_start3A_9 = arith.constant 0 : i32
    %dma_start3A_10 = tpu.memref_slice %arg3[%add3A, %dma_start3A_7, %dma_start3A_8, %dma_start3A_9] : memref<32x80x2x128xi32, #tpu.memory_space<hbm>> -> memref<1x1x2x128xi32, #tpu.memory_space<hbm>>
    %dma_start3A_11 = tpu.memref_squeeze %dma_start3A_10 : memref<1x1x2x128xi32, #tpu.memory_space<hbm>> -> memref<2x128xi32, #tpu.memory_space<hbm>>
    %dma_start3A_12 = arith.constant 0 : i32
    %dma_start3A_13 = arith.constant 0 : i32
    %dma_start3A_14 = tpu.memref_slice %arg3[%add3A, %dma_start3A_7, %dma_start3A_12, %dma_start3A_13] : memref<32x80x2x128xi32, #tpu.memory_space<hbm>> -> memref<1x1x2x128xi32, #tpu.memory_space<hbm>>
    %dma_start3A_15 = tpu.memref_squeeze %dma_start3A_14 : memref<1x1x2x128xi32, #tpu.memory_space<hbm>> -> memref<2x128xi32, #tpu.memory_space<hbm>>
    tpu.enqueue_dma source(%dma_start3A_15 : memref<2x128xi32, #tpu.memory_space<hbm>>) target(%arg7 : memref<2x128xi32, #tpu.memory_space<vmem>>) target_semaphore(%arg13 : memref<!tpu.dma_semaphore, #tpu.memory_space<semaphore_mem>>)
    %scan3A = arith.constant 0 : i32
    %scan3A_16 = arith.constant 0 : i32
    %scan3A_17 = arith.constant 128 : i32
    %scan3A_18 = arith.addi %scan3A_16, %scan3A_17 : i32
    %scan3A_19 = arith.constant 1 : i32
    scf.for %scan3A_68 = %scan3A_16 to %scan3A_18 step %scan3A_19  : i32 {
      %broadcast_in_dim3A = arith.constant 0.000000e+00 : f32
      %broadcast_in_dim3A_69 = vector.broadcast %broadcast_in_dim3A : f32 to vector<16xf32>
      %swap3A = arith.index_cast %scan3A_68 : i32 to index
      %swap3A_70 = arith.constant 0 : index
      %swap3A_71 = tpu.vector_load %arg11[%swap3A, %swap3A_70] {strides = array<i32>} : memref<128x128xf32, #tpu.memory_space<vmem>>, vector<1x16xf32>,
      %swap3A_72 = vector.shape_cast %swap3A_71 : vector<1x16xf32> to vector<16xf32>
      %swap3A_73 = vector.shape_cast %broadcast_in_dim3A_69 : vector<16xf32> to vector<1x16xf32>
      tpu.vector_store %arg11[%swap3A, %swap3A_70], %swap3A_73 {strides = array<i32>} : memref<128x128xf32, #tpu.memory_space<vmem>>, vector<1x16xf32>,
      %broadcast_in_dim3A_74 = arith.constant 0.000000e+00 : f32
      %broadcast_in_dim3A_75 = vector.broadcast %broadcast_in_dim3A_74 : f32 to vector<16xf32>
      %swap3A_76 = arith.index_cast %scan3A_68 : i32 to index
      %swap3A_77 = arith.constant 16 : index
      %swap3A_78 = tpu.vector_load %arg11[%swap3A_76, %swap3A_77] {strides = array<i32>} : memref<128x128xf32, #tpu.memory_space<vmem>>, vector<1x16xf32>,
      %swap3A_79 = vector.shape_cast %swap3A_78 : vector<1x16xf32> to vector<16xf32>
      %swap3A_80 = vector.shape_cast %broadcast_in_dim3A_75 : vector<16xf32> to vector<1x16xf32>
      tpu.vector_store %arg11[%swap3A_76, %swap3A_77], %swap3A_80 {strides = array<i32>} : memref<128x128xf32, #tpu.memory_space<vmem>>, vector<1x16xf32>,
      %broadcast_in_dim3A_81 = arith.constant 0.000000e+00 : f32
      %broadcast_in_dim3A_82 = vector.broadcast %broadcast_in_dim3A_81 : f32 to vector<16xf32>
      %swap3A_83 = arith.index_cast %scan3A_68 : i32 to index
      %swap3A_84 = arith.constant 32 : index
      %swap3A_85 = tpu.vector_load %arg11[%swap3A_83, %swap3A_84] {strides = array<i32>} : memref<128x128xf32, #tpu.memory_space<vmem>>, vector<1x16xf32>,
      %swap3A_86 = vector.shape_cast %swap3A_85 : vector<1x16xf32> to vector<16xf32>
      %swap3A_87 = vector.shape_cast %broadcast_in_dim3A_82 : vector<16xf32> to vector<1x16xf32>
      tpu.vector_store %arg11[%swap3A_83, %swap3A_84], %swap3A_87 {strides = array<i32>} : memref<128x128xf32, #tpu.memory_space<vmem>>, vector<1x16xf32>,
      %broadcast_in_dim3A_88 = arith.constant 0.000000e+00 : f32
      %broadcast_in_dim3A_89 = vector.broadcast %broadcast_in_dim3A_88 : f32 to vector<16xf32>
      %swap3A_90 = arith.index_cast %scan3A_68 : i32 to index
      %swap3A_91 = arith.constant 48 : index
      %swap3A_92 = tpu.vector_load %arg11[%swap3A_90, %swap3A_91] {strides = array<i32>} : memref<128x128xf32, #tpu.memory_space<vmem>>, vector<1x16xf32>,
      %swap3A_93 = vector.shape_cast %swap3A_92 : vector<1x16xf32> to vector<16xf32>
      %swap3A_94 = vector.shape_cast %broadcast_in_dim3A_89 : vector<16xf32> to vector<1x16xf32>
      tpu.vector_store %arg11[%swap3A_90, %swap3A_91], %swap3A_94 {strides = array<i32>} : memref<128x128xf32, #tpu.memory_space<vmem>>, vector<1x16xf32>,
      %broadcast_in_dim3A_95 = arith.constant 0.000000e+00 : f32
      %broadcast_in_dim3A_96 = vector.broadcast %broadcast_in_dim3A_95 : f32 to vector<16xf32>
      %swap3A_97 = arith.index_cast %scan3A_68 : i32 to index
      %swap3A_98 = arith.constant 64 : index
      %swap3A_99 = tpu.vector_load %arg11[%swap3A_97, %swap3A_98] {strides = array<i32>} : memref<128x128xf32, #tpu.memory_space<vmem>>, vector<1x16xf32>,
      %swap3A_100 = vector.shape_cast %swap3A_99 : vector<1x16xf32> to vector<16xf32>
      %swap3A_101 = vector.shape_cast %broadcast_in_dim3A_96 : vector<16xf32> to vector<1x16xf32>
      tpu.vector_store %arg11[%swap3A_97, %swap3A_98], %swap3A_101 {strides = array<i32>} : memref<128x128xf32, #tpu.memory_space<vmem>>, vector<1x16xf32>,
      %broadcast_in_dim3A_102 = arith.constant 0.000000e+00 : f32
      %broadcast_in_dim3A_103 = vector.broadcast %broadcast_in_dim3A_102 : f32 to vector<16xf32>
      %swap3A_104 = arith.index_cast %scan3A_68 : i32 to index
      %swap3A_105 = arith.constant 80 : index
      %swap3A_106 = tpu.vector_load %arg11[%swap3A_104, %swap3A_105] {strides = array<i32>} : memref<128x128xf32, #tpu.memory_space<vmem>>, vector<1x16xf32>,
      %swap3A_107 = vector.shape_cast %swap3A_106 : vector<1x16xf32> to vector<16xf32>
      %swap3A_108 = vector.shape_cast %broadcast_in_dim3A_103 : vector<16xf32> to vector<1x16xf32>
      tpu.vector_store %arg11[%swap3A_104, %swap3A_105], %swap3A_108 {strides = array<i32>} : memref<128x128xf32, #tpu.memory_space<vmem>>, vector<1x16xf32>,
      %broadcast_in_dim3A_109 = arith.constant 0.000000e+00 : f32
      %broadcast_in_dim3A_110 = vector.broadcast %broadcast_in_dim3A_109 : f32 to vector<16xf32>
      %swap3A_111 = arith.index_cast %scan3A_68 : i32 to index
      %swap3A_112 = arith.constant 96 : index
      %swap3A_113 = tpu.vector_load %arg11[%swap3A_111, %swap3A_112] {strides = array<i32>} : memref<128x128xf32, #tpu.memory_space<vmem>>, vector<1x16xf32>,
      %swap3A_114 = vector.shape_cast %swap3A_113 : vector<1x16xf32> to vector<16xf32>
      %swap3A_115 = vector.shape_cast %broadcast_in_dim3A_110 : vector<16xf32> to vector<1x16xf32>
      tpu.vector_store %arg11[%swap3A_111, %swap3A_112], %swap3A_115 {strides = array<i32>} : memref<128x128xf32, #tpu.memory_space<vmem>>, vector<1x16xf32>,
      %broadcast_in_dim3A_116 = arith.constant 0.000000e+00 : f32
      %broadcast_in_dim3A_117 = vector.broadcast %broadcast_in_dim3A_116 : f32 to vector<16xf32>
      %swap3A_118 = arith.index_cast %scan3A_68 : i32 to index
      %swap3A_119 = arith.constant 112 : index
      %swap3A_120 = tpu.vector_load %arg11[%swap3A_118, %swap3A_119] {strides = array<i32>} : memref<128x128xf32, #tpu.memory_space<vmem>>, vector<1x16xf32>,
      %swap3A_121 = vector.shape_cast %swap3A_120 : vector<1x16xf32> to vector<16xf32>
      %swap3A_122 = vector.shape_cast %broadcast_in_dim3A_117 : vector<16xf32> to vector<1x16xf32>
      tpu.vector_store %arg11[%swap3A_118, %swap3A_119], %swap3A_122 {strides = array<i32>} : memref<128x128xf32, #tpu.memory_space<vmem>>, vector<1x16xf32>,
    }
    %scan3A_20 = arith.constant 128 : i32
    %mul3A_21 = arith.constant 640 : i32
    %mul3A_22 = arith.muli %arg1, %mul3A_21 : i32
    %add3A_23 = arith.constant 0 : i32
    %add3A_24 = arith.addi %mul3A_22, %add3A_23 : i32
    "tpu.region"() ({
      %run_scoped3A_68 = tpu.sem_alloc : memref<!tpu.dma_semaphore, #tpu.memory_space<semaphore_mem>>
      %dma_start3A_69 = arith.constant 0 : i32
      %dma_start3A_70 = tpu.memref_slice %arg5[%add3A_24, %dma_start3A_69] : memref<10240x128xf32, #tpu.memory_space<vmem_shared>> -> memref<128x128xf32, #tpu.memory_space<vmem_shared>>
      %dma_start3A_71 = arith.constant 0 : i32
      %dma_start3A_72 = tpu.memref_slice %arg5[%add3A_24, %dma_start3A_71] : memref<10240x128xf32, #tpu.memory_space<vmem_shared>> -> memref<128x128xf32, #tpu.memory_space<vmem_shared>>
      tpu.enqueue_dma source(%arg11 : memref<128x128xf32, #tpu.memory_space<vmem>>) target(%dma_start3A_72 : memref<128x128xf32, #tpu.memory_space<vmem_shared>>) target_semaphore(%run_scoped3A_68 : memref<!tpu.dma_semaphore, #tpu.memory_space<semaphore_mem>>)
      %dma_wait3A = arith.constant 0 : i32
      %dma_wait3A_73 = tpu.memref_slice %arg5[%add3A_24, %dma_wait3A] : memref<10240x128xf32, #tpu.memory_space<vmem_shared>> -> memref<128x128xf32, #tpu.memory_space<vmem_shared>>
      %dma_wait3A_74 = arith.constant 0 : i32
      %dma_wait3A_75 = tpu.memref_slice %arg5[%add3A_24, %dma_wait3A_74] : memref<10240x128xf32, #tpu.memory_space<vmem_shared>> -> memref<128x128xf32, #tpu.memory_space<vmem_shared>>
      tpu.wait_dma2 semaphore(%run_scoped3A_68 : memref<!tpu.dma_semaphore, #tpu.memory_space<semaphore_mem>>) src(%arg11 : memref<128x128xf32, #tpu.memory_space<vmem>>) dst(%dma_wait3A_75 : memref<128x128xf32, #tpu.memory_space<vmem_shared>>)
      tpu.yield
    }) : () -> ()
    %mul3A_25 = arith.constant 640 : i32
    %mul3A_26 = arith.muli %arg1, %mul3A_25 : i32
    %add3A_27 = arith.constant 128 : i32
    %add3A_28 = arith.addi %mul3A_26, %add3A_27 : i32
    "tpu.region"() ({
      %run_scoped3A_68 = tpu.sem_alloc : memref<!tpu.dma_semaphore, #tpu.memory_space<semaphore_mem>>
      %dma_start3A_69 = arith.constant 0 : i32
      %dma_start3A_70 = tpu.memref_slice %arg5[%add3A_28, %dma_start3A_69] : memref<10240x128xf32, #tpu.memory_space<vmem_shared>> -> memref<128x128xf32, #tpu.memory_space<vmem_shared>>
      %dma_start3A_71 = arith.constant 0 : i32
      %dma_start3A_72 = tpu.memref_slice %arg5[%add3A_28, %dma_start3A_71] : memref<10240x128xf32, #tpu.memory_space<vmem_shared>> -> memref<128x128xf32, #tpu.memory_space<vmem_shared>>
      tpu.enqueue_dma source(%arg11 : memref<128x128xf32, #tpu.memory_space<vmem>>) target(%dma_start3A_72 : memref<128x128xf32, #tpu.memory_space<vmem_shared>>) target_semaphore(%run_scoped3A_68 : memref<!tpu.dma_semaphore, #tpu.memory_space<semaphore_mem>>)
      %dma_wait3A = arith.constant 0 : i32
      %dma_wait3A_73 = tpu.memref_slice %arg5[%add3A_28, %dma_wait3A] : memref<10240x128xf32, #tpu.memory_space<vmem_shared>> -> memref<128x128xf32, #tpu.memory_space<vmem_shared>>
      %dma_wait3A_74 = arith.constant 0 : i32
      %dma_wait3A_75 = tpu.memref_slice %arg5[%add3A_28, %dma_wait3A_74] : memref<10240x128xf32, #tpu.memory_space<vmem_shared>> -> memref<128x128xf32, #tpu.memory_space<vmem_shared>>
      tpu.wait_dma2 semaphore(%run_scoped3A_68 : memref<!tpu.dma_semaphore, #tpu.memory_space<semaphore_mem>>) src(%arg11 : memref<128x128xf32, #tpu.memory_space<vmem>>) dst(%dma_wait3A_75 : memref<128x128xf32, #tpu.memory_space<vmem_shared>>)
      tpu.yield
    }) : () -> ()
    %mul3A_29 = arith.constant 640 : i32
    %mul3A_30 = arith.muli %arg1, %mul3A_29 : i32
    %add3A_31 = arith.constant 256 : i32
    %add3A_32 = arith.addi %mul3A_30, %add3A_31 : i32
    "tpu.region"() ({
      %run_scoped3A_68 = tpu.sem_alloc : memref<!tpu.dma_semaphore, #tpu.memory_space<semaphore_mem>>
      %dma_start3A_69 = arith.constant 0 : i32
      %dma_start3A_70 = tpu.memref_slice %arg5[%add3A_32, %dma_start3A_69] : memref<10240x128xf32, #tpu.memory_space<vmem_shared>> -> memref<128x128xf32, #tpu.memory_space<vmem_shared>>
      %dma_start3A_71 = arith.constant 0 : i32
      %dma_start3A_72 = tpu.memref_slice %arg5[%add3A_32, %dma_start3A_71] : memref<10240x128xf32, #tpu.memory_space<vmem_shared>> -> memref<128x128xf32, #tpu.memory_space<vmem_shared>>
      tpu.enqueue_dma source(%arg11 : memref<128x128xf32, #tpu.memory_space<vmem>>) target(%dma_start3A_72 : memref<128x128xf32, #tpu.memory_space<vmem_shared>>) target_semaphore(%run_scoped3A_68 : memref<!tpu.dma_semaphore, #tpu.memory_space<semaphore_mem>>)
      %dma_wait3A = arith.constant 0 : i32
      %dma_wait3A_73 = tpu.memref_slice %arg5[%add3A_32, %dma_wait3A] : memref<10240x128xf32, #tpu.memory_space<vmem_shared>> -> memref<128x128xf32, #tpu.memory_space<vmem_shared>>
      %dma_wait3A_74 = arith.constant 0 : i32
      %dma_wait3A_75 = tpu.memref_slice %arg5[%add3A_32, %dma_wait3A_74] : memref<10240x128xf32, #tpu.memory_space<vmem_shared>> -> memref<128x128xf32, #tpu.memory_space<vmem_shared>>
      tpu.wait_dma2 semaphore(%run_scoped3A_68 : memref<!tpu.dma_semaphore, #tpu.memory_space<semaphore_mem>>) src(%arg11 : memref<128x128xf32, #tpu.memory_space<vmem>>) dst(%dma_wait3A_75 : memref<128x128xf32, #tpu.memory_space<vmem_shared>>)
      tpu.yield
    }) : () -> ()
    %mul3A_33 = arith.constant 640 : i32
    %mul3A_34 = arith.muli %arg1, %mul3A_33 : i32
    %add3A_35 = arith.constant 384 : i32
    %add3A_36 = arith.addi %mul3A_34, %add3A_35 : i32
    "tpu.region"() ({
      %run_scoped3A_68 = tpu.sem_alloc : memref<!tpu.dma_semaphore, #tpu.memory_space<semaphore_mem>>
      %dma_start3A_69 = arith.constant 0 : i32
      %dma_start3A_70 = tpu.memref_slice %arg5[%add3A_36, %dma_start3A_69] : memref<10240x128xf32, #tpu.memory_space<vmem_shared>> -> memref<128x128xf32, #tpu.memory_space<vmem_shared>>
      %dma_start3A_71 = arith.constant 0 : i32
      %dma_start3A_72 = tpu.memref_slice %arg5[%add3A_36, %dma_start3A_71] : memref<10240x128xf32, #tpu.memory_space<vmem_shared>> -> memref<128x128xf32, #tpu.memory_space<vmem_shared>>
      tpu.enqueue_dma source(%arg11 : memref<128x128xf32, #tpu.memory_space<vmem>>) target(%dma_start3A_72 : memref<128x128xf32, #tpu.memory_space<vmem_shared>>) target_semaphore(%run_scoped3A_68 : memref<!tpu.dma_semaphore, #tpu.memory_space<semaphore_mem>>)
      %dma_wait3A = arith.constant 0 : i32
      %dma_wait3A_73 = tpu.memref_slice %arg5[%add3A_36, %dma_wait3A] : memref<10240x128xf32, #tpu.memory_space<vmem_shared>> -> memref<128x128xf32, #tpu.memory_space<vmem_shared>>
      %dma_wait3A_74 = arith.constant 0 : i32
      %dma_wait3A_75 = tpu.memref_slice %arg5[%add3A_36, %dma_wait3A_74] : memref<10240x128xf32, #tpu.memory_space<vmem_shared>> -> memref<128x128xf32, #tpu.memory_space<vmem_shared>>
      tpu.wait_dma2 semaphore(%run_scoped3A_68 : memref<!tpu.dma_semaphore, #tpu.memory_space<semaphore_mem>>) src(%arg11 : memref<128x128xf32, #tpu.memory_space<vmem>>) dst(%dma_wait3A_75 : memref<128x128xf32, #tpu.memory_space<vmem_shared>>)
      tpu.yield
    }) : () -> ()
    %mul3A_37 = arith.constant 640 : i32
    %mul3A_38 = arith.muli %arg1, %mul3A_37 : i32
    %add3A_39 = arith.constant 512 : i32
    %add3A_40 = arith.addi %mul3A_38, %add3A_39 : i32
    "tpu.region"() ({
      %run_scoped3A_68 = tpu.sem_alloc : memref<!tpu.dma_semaphore, #tpu.memory_space<semaphore_mem>>
      %dma_start3A_69 = arith.constant 0 : i32
      %dma_start3A_70 = tpu.memref_slice %arg5[%add3A_40, %dma_start3A_69] : memref<10240x128xf32, #tpu.memory_space<vmem_shared>> -> memref<128x128xf32, #tpu.memory_space<vmem_shared>>
      %dma_start3A_71 = arith.constant 0 : i32
      %dma_start3A_72 = tpu.memref_slice %arg5[%add3A_40, %dma_start3A_71] : memref<10240x128xf32, #tpu.memory_space<vmem_shared>> -> memref<128x128xf32, #tpu.memory_space<vmem_shared>>
      tpu.enqueue_dma source(%arg11 : memref<128x128xf32, #tpu.memory_space<vmem>>) target(%dma_start3A_72 : memref<128x128xf32, #tpu.memory_space<vmem_shared>>) target_semaphore(%run_scoped3A_68 : memref<!tpu.dma_semaphore, #tpu.memory_space<semaphore_mem>>)
      %dma_wait3A = arith.constant 0 : i32
      %dma_wait3A_73 = tpu.memref_slice %arg5[%add3A_40, %dma_wait3A] : memref<10240x128xf32, #tpu.memory_space<vmem_shared>> -> memref<128x128xf32, #tpu.memory_space<vmem_shared>>
      %dma_wait3A_74 = arith.constant 0 : i32
      %dma_wait3A_75 = tpu.memref_slice %arg5[%add3A_40, %dma_wait3A_74] : memref<10240x128xf32, #tpu.memory_space<vmem_shared>> -> memref<128x128xf32, #tpu.memory_space<vmem_shared>>
      tpu.wait_dma2 semaphore(%run_scoped3A_68 : memref<!tpu.dma_semaphore, #tpu.memory_space<semaphore_mem>>) src(%arg11 : memref<128x128xf32, #tpu.memory_space<vmem>>) dst(%dma_wait3A_75 : memref<128x128xf32, #tpu.memory_space<vmem_shared>>)
      tpu.yield
    }) : () -> ()
    %barrier3A = arith.constant 0 : index
    tpu.barrier barrier_id(%barrier3A)
    %scan3A_41 = arith.constant 0 : i32
    %scan3A_42 = arith.constant 0 : i32
    %scan3A_43 = arith.constant 20 : i32
    %scan3A_44 = arith.addi %scan3A_42, %scan3A_43 : i32
    %scan3A_45 = arith.constant 1 : i32
    scf.for %scan3A_68 = %scan3A_42 to %scan3A_44 step %scan3A_45  : i32 {
      %mul3A_69 = arith.constant 4 : i32
      %mul3A_70 = arith.muli %mul3A_69, %scan3A_68 : i32
      %add3A_71 = arith.constant 0 : i32
      %add3A_72 = arith.addi %mul3A_70, %add3A_71 : i32
      %add3A_73 = arith.constant 2 : i32
      %add3A_74 = arith.addi %add3A_72, %add3A_73 : i32
      %dma_start3A_75 = arith.constant 0 : i32
      %dma_start3A_76 = arith.constant 0 : i32
      %dma_start3A_77 = tpu.memref_slice %arg3[%add3A, %add3A_74, %dma_start3A_75, %dma_start3A_76] : memref<32x80x2x128xi32, #tpu.memory_space<hbm>> -> memref<1x1x2x128xi32, #tpu.memory_space<hbm>>
      %dma_start3A_78 = tpu.memref_squeeze %dma_start3A_77 : memref<1x1x2x128xi32, #tpu.memory_space<hbm>> -> memref<2x128xi32, #tpu.memory_space<hbm>>
      %dma_start3A_79 = arith.constant 0 : i32
      %dma_start3A_80 = arith.constant 0 : i32
      %dma_start3A_81 = tpu.memref_slice %arg3[%add3A, %add3A_74, %dma_start3A_79, %dma_start3A_80] : memref<32x80x2x128xi32, #tpu.memory_space<hbm>> -> memref<1x1x2x128xi32, #tpu.memory_space<hbm>>
      %dma_start3A_82 = tpu.memref_squeeze %dma_start3A_81 : memref<1x1x2x128xi32, #tpu.memory_space<hbm>> -> memref<2x128xi32, #tpu.memory_space<hbm>>
      tpu.enqueue_dma source(%dma_start3A_82 : memref<2x128xi32, #tpu.memory_space<hbm>>) target(%arg8 : memref<2x128xi32, #tpu.memory_space<vmem>>) target_semaphore(%arg14 : memref<!tpu.dma_semaphore, #tpu.memory_space<semaphore_mem>>)
      %add3A_83 = arith.constant 0 : i32
      %add3A_84 = arith.addi %mul3A_70, %add3A_83 : i32
      %add3A_85 = arith.constant 1 : i32
      %add3A_86 = arith.addi %add3A_84, %add3A_85 : i32
      %dma_wait3A = arith.constant 0 : i32
      %dma_wait3A_87 = arith.constant 0 : i32
      %dma_wait3A_88 = tpu.memref_slice %arg3[%add3A, %add3A_86, %dma_wait3A, %dma_wait3A_87] : memref<32x80x2x128xi32, #tpu.memory_space<hbm>> -> memref<1x1x2x128xi32, #tpu.memory_space<hbm>>
      %dma_wait3A_89 = tpu.memref_squeeze %dma_wait3A_88 : memref<1x1x2x128xi32, #tpu.memory_space<hbm>> -> memref<2x128xi32, #tpu.memory_space<hbm>>
      %dma_wait3A_90 = arith.constant 0 : i32
      %dma_wait3A_91 = arith.constant 0 : i32
      %dma_wait3A_92 = tpu.memref_slice %arg3[%add3A, %add3A_86, %dma_wait3A_90, %dma_wait3A_91] : memref<32x80x2x128xi32, #tpu.memory_space<hbm>> -> memref<1x1x2x128xi32, #tpu.memory_space<hbm>>
      %dma_wait3A_93 = tpu.memref_squeeze %dma_wait3A_92 : memref<1x1x2x128xi32, #tpu.memory_space<hbm>> -> memref<2x128xi32, #tpu.memory_space<hbm>>
      tpu.wait_dma2 semaphore(%arg13 : memref<!tpu.dma_semaphore, #tpu.memory_space<semaphore_mem>>) src(%dma_wait3A_93 : memref<2x128xi32, #tpu.memory_space<hbm>>) dst(%arg7 : memref<2x128xi32, #tpu.memory_space<vmem>>)
      %dma_start3A_94 = arith.constant 0 : i32
      %dma_start3A_95 = arith.constant 0 : i32
      %dma_start3A_96 = tpu.memref_slice %arg7[%dma_start3A_94, %dma_start3A_95] : memref<2x128xi32, #tpu.memory_space<vmem>> -> memref<1x128xi32, #tpu.memory_space<vmem>>
      %dma_start3A_97 = tpu.memref_squeeze %dma_start3A_96 : memref<1x128xi32, #tpu.memory_space<vmem>> -> memref<128xi32, #tpu.memory_space<vmem>>
      %dma_start3A_98 = arith.constant 0 : i32
      %dma_start3A_99 = arith.constant 0 : i32
      %dma_start3A_100 = tpu.memref_slice %arg2[%dma_start3A_98, %dma_start3A_99] : memref<10000x128xf32, #tpu.memory_space<hbm>> -> memref<10000x128xf32, #tpu.memory_space<hbm>>
      tpu.enqueue_indirect_dma source(%dma_start3A_100 : memref<10000x128xf32, #tpu.memory_space<hbm>>) target(%arg11 : memref<128x128xf32, #tpu.memory_space<vmem>>) offsets(%dma_start3A_97 : memref<128xi32, #tpu.memory_space<vmem>>) semaphore(%arg17 : memref<!tpu.dma_semaphore, #tpu.memory_space<semaphore_mem>>)
      %dma_wait3A_101 = arith.constant 0 : i32
      %dma_wait3A_102 = arith.constant 0 : i32
      %dma_wait3A_103 = tpu.memref_slice %arg6[%dma_wait3A_101, %dma_wait3A_102] : memref<2x128xi32, #tpu.memory_space<vmem>> -> memref<1x128xi32, #tpu.memory_space<vmem>>
      %dma_wait3A_104 = tpu.memref_squeeze %dma_wait3A_103 : memref<1x128xi32, #tpu.memory_space<vmem>> -> memref<128xi32, #tpu.memory_space<vmem>>
      %dma_wait3A_105 = arith.constant 0 : i32
      %dma_wait3A_106 = arith.constant 0 : i32
      %dma_wait3A_107 = tpu.memref_slice %arg2[%dma_wait3A_105, %dma_wait3A_106] : memref<10000x128xf32, #tpu.memory_space<hbm>> -> memref<10000x128xf32, #tpu.memory_space<hbm>>
      tpu.wait_indirect_dma semaphore(%arg16 : memref<!tpu.dma_semaphore, #tpu.memory_space<semaphore_mem>>) src(%dma_wait3A_107 : memref<10000x128xf32, #tpu.memory_space<hbm>>) dst(%arg10 : memref<128x128xf32, #tpu.memory_space<vmem>>)
      %run_scoped3A_108 = arith.constant 1 : i32
      "tpu.region"() ({
        %run_scoped3A_195 = tpu.sem_alloc : memref<!tpu.dma_semaphore, #tpu.memory_space<semaphore_mem>>
        %dma_start3A_196 = arith.constant 0 : i32
        %dma_start3A_197 = tpu.memref_slice %arg6[%run_scoped3A_108, %dma_start3A_196] : memref<2x128xi32, #tpu.memory_space<vmem>> -> memref<1x128xi32, #tpu.memory_space<vmem>>
        %dma_start3A_198 = tpu.memref_squeeze %dma_start3A_197 : memref<1x128xi32, #tpu.memory_space<vmem>> -> memref<128xi32, #tpu.memory_space<vmem>>
        %dma_start3A_199 = arith.constant 0 : i32
        %dma_start3A_200 = arith.constant 0 : i32
        %dma_start3A_201 = tpu.memref_slice %arg5[%dma_start3A_199, %dma_start3A_200] : memref<10240x128xf32, #tpu.memory_space<vmem_shared>> -> memref<10240x128xf32, #tpu.memory_space<vmem_shared>>
        tpu.enqueue_indirect_dma source(%arg10 : memref<128x128xf32, #tpu.memory_space<vmem>>) target(%dma_start3A_201 : memref<10240x128xf32, #tpu.memory_space<vmem_shared>>) offsets(%dma_start3A_198 : memref<128xi32, #tpu.memory_space<vmem>>) semaphore(%run_scoped3A_195 : memref<!tpu.dma_semaphore, #tpu.memory_space<semaphore_mem>>) {add = true}
        %dma_wait3A_202 = arith.constant 0 : i32
        %dma_wait3A_203 = tpu.memref_slice %arg6[%run_scoped3A_108, %dma_wait3A_202] : memref<2x128xi32, #tpu.memory_space<vmem>> -> memref<1x128xi32, #tpu.memory_space<vmem>>
        %dma_wait3A_204 = tpu.memref_squeeze %dma_wait3A_203 : memref<1x128xi32, #tpu.memory_space<vmem>> -> memref<128xi32, #tpu.memory_space<vmem>>
        %dma_wait3A_205 = arith.constant 0 : i32
        %dma_wait3A_206 = arith.constant 0 : i32
        %dma_wait3A_207 = tpu.memref_slice %arg5[%dma_wait3A_205, %dma_wait3A_206] : memref<10240x128xf32, #tpu.memory_space<vmem_shared>> -> memref<10240x128xf32, #tpu.memory_space<vmem_shared>>
        tpu.wait_indirect_dma semaphore(%run_scoped3A_195 : memref<!tpu.dma_semaphore, #tpu.memory_space<semaphore_mem>>) src(%arg10 : memref<128x128xf32, #tpu.memory_space<vmem>>) dst(%dma_wait3A_207 : memref<10240x128xf32, #tpu.memory_space<vmem_shared>>)
        tpu.yield
      }) : () -> ()
      %add3A_109 = arith.constant 1 : i32
      %add3A_110 = arith.addi %mul3A_70, %add3A_109 : i32
      %add3A_111 = arith.constant 2 : i32
      %add3A_112 = arith.addi %add3A_110, %add3A_111 : i32
      %dma_start3A_113 = arith.constant 0 : i32
      %dma_start3A_114 = arith.constant 0 : i32
      %dma_start3A_115 = tpu.memref_slice %arg3[%add3A, %add3A_112, %dma_start3A_113, %dma_start3A_114] : memref<32x80x2x128xi32, #tpu.memory_space<hbm>> -> memref<1x1x2x128xi32, #tpu.memory_space<hbm>>
      %dma_start3A_116 = tpu.memref_squeeze %dma_start3A_115 : memref<1x1x2x128xi32, #tpu.memory_space<hbm>> -> memref<2x128xi32, #tpu.memory_space<hbm>>
      %dma_start3A_117 = arith.constant 0 : i32
      %dma_start3A_118 = arith.constant 0 : i32
      %dma_start3A_119 = tpu.memref_slice %arg3[%add3A, %add3A_112, %dma_start3A_117, %dma_start3A_118] : memref<32x80x2x128xi32, #tpu.memory_space<hbm>> -> memref<1x1x2x128xi32, #tpu.memory_space<hbm>>
      %dma_start3A_120 = tpu.memref_squeeze %dma_start3A_119 : memref<1x1x2x128xi32, #tpu.memory_space<hbm>> -> memref<2x128xi32, #tpu.memory_space<hbm>>
      tpu.enqueue_dma source(%dma_start3A_120 : memref<2x128xi32, #tpu.memory_space<hbm>>) target(%arg9 : memref<2x128xi32, #tpu.memory_space<vmem>>) target_semaphore(%arg15 : memref<!tpu.dma_semaphore, #tpu.memory_space<semaphore_mem>>)
      %add3A_121 = arith.constant 1 : i32
      %add3A_122 = arith.addi %mul3A_70, %add3A_121 : i32
      %add3A_123 = arith.constant 1 : i32
      %add3A_124 = arith.addi %add3A_122, %add3A_123 : i32
      %dma_wait3A_125 = arith.constant 0 : i32
      %dma_wait3A_126 = arith.constant 0 : i32
      %dma_wait3A_127 = tpu.memref_slice %arg3[%add3A, %add3A_124, %dma_wait3A_125, %dma_wait3A_126] : memref<32x80x2x128xi32, #tpu.memory_space<hbm>> -> memref<1x1x2x128xi32, #tpu.memory_space<hbm>>
      %dma_wait3A_128 = tpu.memref_squeeze %dma_wait3A_127 : memref<1x1x2x128xi32, #tpu.memory_space<hbm>> -> memref<2x128xi32, #tpu.memory_space<hbm>>
      %dma_wait3A_129 = arith.constant 0 : i32
      %dma_wait3A_130 = arith.constant 0 : i32
      %dma_wait3A_131 = tpu.memref_slice %arg3[%add3A, %add3A_124, %dma_wait3A_129, %dma_wait3A_130] : memref<32x80x2x128xi32, #tpu.memory_space<hbm>> -> memref<1x1x2x128xi32, #tpu.memory_space<hbm>>
      %dma_wait3A_132 = tpu.memref_squeeze %dma_wait3A_131 : memref<1x1x2x128xi32, #tpu.memory_space<hbm>> -> memref<2x128xi32, #tpu.memory_space<hbm>>
      tpu.wait_dma2 semaphore(%arg14 : memref<!tpu.dma_semaphore, #tpu.memory_space<semaphore_mem>>) src(%dma_wait3A_132 : memref<2x128xi32, #tpu.memory_space<hbm>>) dst(%arg8 : memref<2x128xi32, #tpu.memory_space<vmem>>)
      %dma_start3A_133 = arith.constant 0 : i32
      %dma_start3A_134 = arith.constant 0 : i32
      %dma_start3A_135 = tpu.memref_slice %arg8[%dma_start3A_133, %dma_start3A_134] : memref<2x128xi32, #tpu.memory_space<vmem>> -> memref<1x128xi32, #tpu.memory_space<vmem>>
      %dma_start3A_136 = tpu.memref_squeeze %dma_start3A_135 : memref<1x128xi32, #tpu.memory_space<vmem>> -> memref<128xi32, #tpu.memory_space<vmem>>
      %dma_start3A_137 = arith.constant 0 : i32
      %dma_start3A_138 = arith.constant 0 : i32
      %dma_start3A_139 = tpu.memref_slice %arg2[%dma_start3A_137, %dma_start3A_138] : memref<10000x128xf32, #tpu.memory_space<hbm>> -> memref<10000x128xf32, #tpu.memory_space<hbm>>
      tpu.enqueue_indirect_dma source(%dma_start3A_139 : memref<10000x128xf32, #tpu.memory_space<hbm>>) target(%arg10 : memref<128x128xf32, #tpu.memory_space<vmem>>) offsets(%dma_start3A_136 : memref<128xi32, #tpu.memory_space<vmem>>) semaphore(%arg16 : memref<!tpu.dma_semaphore, #tpu.memory_space<semaphore_mem>>)
      %dma_wait3A_140 = arith.constant 0 : i32
      %dma_wait3A_141 = arith.constant 0 : i32
      %dma_wait3A_142 = tpu.memref_slice %arg7[%dma_wait3A_140, %dma_wait3A_141] : memref<2x128xi32, #tpu.memory_space<vmem>> -> memref<1x128xi32, #tpu.memory_space<vmem>>
      %dma_wait3A_143 = tpu.memref_squeeze %dma_wait3A_142 : memref<1x128xi32, #tpu.memory_space<vmem>> -> memref<128xi32, #tpu.memory_space<vmem>>
      %dma_wait3A_144 = arith.constant 0 : i32
      %dma_wait3A_145 = arith.constant 0 : i32
      %dma_wait3A_146 = tpu.memref_slice %arg2[%dma_wait3A_144, %dma_wait3A_145] : memref<10000x128xf32, #tpu.memory_space<hbm>> -> memref<10000x128xf32, #tpu.memory_space<hbm>>
      tpu.wait_indirect_dma semaphore(%arg17 : memref<!tpu.dma_semaphore, #tpu.memory_space<semaphore_mem>>) src(%dma_wait3A_146 : memref<10000x128xf32, #tpu.memory_space<hbm>>) dst(%arg11 : memref<128x128xf32, #tpu.memory_space<vmem>>)
      %run_scoped3A_147 = arith.constant 1 : i32
      "tpu.region"() ({
        %run_scoped3A_195 = tpu.sem_alloc : memref<!tpu.dma_semaphore, #tpu.memory_space<semaphore_mem>>
        %dma_start3A_196 = arith.constant 0 : i32
        %dma_start3A_197 = tpu.memref_slice %arg7[%run_scoped3A_147, %dma_start3A_196] : memref<2x128xi32, #tpu.memory_space<vmem>> -> memref<1x128xi32, #tpu.memory_space<vmem>>
        %dma_start3A_198 = tpu.memref_squeeze %dma_start3A_197 : memref<1x128xi32, #tpu.memory_space<vmem>> -> memref<128xi32, #tpu.memory_space<vmem>>
        %dma_start3A_199 = arith.constant 0 : i32
        %dma_start3A_200 = arith.constant 0 : i32
        %dma_start3A_201 = tpu.memref_slice %arg5[%dma_start3A_199, %dma_start3A_200] : memref<10240x128xf32, #tpu.memory_space<vmem_shared>> -> memref<10240x128xf32, #tpu.memory_space<vmem_shared>>
        tpu.enqueue_indirect_dma source(%arg11 : memref<128x128xf32, #tpu.memory_space<vmem>>) target(%dma_start3A_201 : memref<10240x128xf32, #tpu.memory_space<vmem_shared>>) offsets(%dma_start3A_198 : memref<128xi32, #tpu.memory_space<vmem>>) semaphore(%run_scoped3A_195 : memref<!tpu.dma_semaphore, #tpu.memory_space<semaphore_mem>>) {add = true}
        %dma_wait3A_202 = arith.constant 0 : i32
        %dma_wait3A_203 = tpu.memref_slice %arg7[%run_scoped3A_147, %dma_wait3A_202] : memref<2x128xi32, #tpu.memory_space<vmem>> -> memref<1x128xi32, #tpu.memory_space<vmem>>
        %dma_wait3A_204 = tpu.memref_squeeze %dma_wait3A_203 : memref<1x128xi32, #tpu.memory_space<vmem>> -> memref<128xi32, #tpu.memory_space<vmem>>
        %dma_wait3A_205 = arith.constant 0 : i32
        %dma_wait3A_206 = arith.constant 0 : i32
        %dma_wait3A_207 = tpu.memref_slice %arg5[%dma_wait3A_205, %dma_wait3A_206] : memref<10240x128xf32, #tpu.memory_space<vmem_shared>> -> memref<10240x128xf32, #tpu.memory_space<vmem_shared>>
        tpu.wait_indirect_dma semaphore(%run_scoped3A_195 : memref<!tpu.dma_semaphore, #tpu.memory_space<semaphore_mem>>) src(%arg11 : memref<128x128xf32, #tpu.memory_space<vmem>>) dst(%dma_wait3A_207 : memref<10240x128xf32, #tpu.memory_space<vmem_shared>>)
        tpu.yield
      }) : () -> ()
      %lt3A = arith.constant 19 : i32
      %lt3A_148 = arith.cmpi slt, %scan3A_68, %lt3A : i32
      %convert_element_type3A = arith.extui %lt3A_148 : i1 to i32
      %cond3A = arith.constant 0 : i32
      %cond3A_149 = arith.cmpi ne, %convert_element_type3A, %cond3A : i32
      scf.if %cond3A_149 {
        %add3A_195 = arith.constant 2 : i32
        %add3A_196 = arith.addi %mul3A_70, %add3A_195 : i32
        %add3A_197 = arith.constant 2 : i32
        %add3A_198 = arith.addi %add3A_196, %add3A_197 : i32
        %dma_start3A_199 = arith.constant 0 : i32
        %dma_start3A_200 = arith.constant 0 : i32
        %dma_start3A_201 = tpu.memref_slice %arg3[%add3A, %add3A_198, %dma_start3A_199, %dma_start3A_200] : memref<32x80x2x128xi32, #tpu.memory_space<hbm>> -> memref<1x1x2x128xi32, #tpu.memory_space<hbm>>
        %dma_start3A_202 = tpu.memref_squeeze %dma_start3A_201 : memref<1x1x2x128xi32, #tpu.memory_space<hbm>> -> memref<2x128xi32, #tpu.memory_space<hbm>>
        %dma_start3A_203 = arith.constant 0 : i32
        %dma_start3A_204 = arith.constant 0 : i32
        %dma_start3A_205 = tpu.memref_slice %arg3[%add3A, %add3A_198, %dma_start3A_203, %dma_start3A_204] : memref<32x80x2x128xi32, #tpu.memory_space<hbm>> -> memref<1x1x2x128xi32, #tpu.memory_space<hbm>>
        %dma_start3A_206 = tpu.memref_squeeze %dma_start3A_205 : memref<1x1x2x128xi32, #tpu.memory_space<hbm>> -> memref<2x128xi32, #tpu.memory_space<hbm>>
        tpu.enqueue_dma source(%dma_start3A_206 : memref<2x128xi32, #tpu.memory_space<hbm>>) target(%arg6 : memref<2x128xi32, #tpu.memory_space<vmem>>) target_semaphore(%arg12 : memref<!tpu.dma_semaphore, #tpu.memory_space<semaphore_mem>>)
      } else {
      }
      %add3A_150 = arith.constant 2 : i32
      %add3A_151 = arith.addi %mul3A_70, %add3A_150 : i32
      %add3A_152 = arith.constant 1 : i32
      %add3A_153 = arith.addi %add3A_151, %add3A_152 : i32
      %dma_wait3A_154 = arith.constant 0 : i32
      %dma_wait3A_155 = arith.constant 0 : i32
      %dma_wait3A_156 = tpu.memref_slice %arg3[%add3A, %add3A_153, %dma_wait3A_154, %dma_wait3A_155] : memref<32x80x2x128xi32, #tpu.memory_space<hbm>> -> memref<1x1x2x128xi32, #tpu.memory_space<hbm>>
      %dma_wait3A_157 = tpu.memref_squeeze %dma_wait3A_156 : memref<1x1x2x128xi32, #tpu.memory_space<hbm>> -> memref<2x128xi32, #tpu.memory_space<hbm>>
      %dma_wait3A_158 = arith.constant 0 : i32
      %dma_wait3A_159 = arith.constant 0 : i32
      %dma_wait3A_160 = tpu.memref_slice %arg3[%add3A, %add3A_153, %dma_wait3A_158, %dma_wait3A_159] : memref<32x80x2x128xi32, #tpu.memory_space<hbm>> -> memref<1x1x2x128xi32, #tpu.memory_space<hbm>>
      %dma_wait3A_161 = tpu.memref_squeeze %dma_wait3A_160 : memref<1x1x2x128xi32, #tpu.memory_space<hbm>> -> memref<2x128xi32, #tpu.memory_space<hbm>>
      tpu.wait_dma2 semaphore(%arg15 : memref<!tpu.dma_semaphore, #tpu.memory_space<semaphore_mem>>) src(%dma_wait3A_161 : memref<2x128xi32, #tpu.memory_space<hbm>>) dst(%arg9 : memref<2x128xi32, #tpu.memory_space<vmem>>)
      %dma_start3A_162 = arith.constant 0 : i32
      %dma_start3A_163 = arith.constant 0 : i32
      %dma_start3A_164 = tpu.memref_slice %arg9[%dma_start3A_162, %dma_start3A_163] : memref<2x128xi32, #tpu.memory_space<vmem>> -> memref<1x128xi32, #tpu.memory_space<vmem>>
      %dma_start3A_165 = tpu.memref_squeeze %dma_start3A_164 : memref<1x128xi32, #tpu.memory_space<vmem>> -> memref<128xi32, #tpu.memory_space<vmem>>
      %dma_start3A_166 = arith.constant 0 : i32
      %dma_start3A_167 = arith.constant 0 : i32
      %dma_start3A_168 = tpu.memref_slice %arg2[%dma_start3A_166, %dma_start3A_167] : memref<10000x128xf32, #tpu.memory_space<hbm>> -> memref<10000x128xf32, #tpu.memory_space<hbm>>
      tpu.enqueue_indirect_dma source(%dma_start3A_168 : memref<10000x128xf32, #tpu.memory_space<hbm>>) target(%arg11 : memref<128x128xf32, #tpu.memory_space<vmem>>) offsets(%dma_start3A_165 : memref<128xi32, #tpu.memory_space<vmem>>) semaphore(%arg17 : memref<!tpu.dma_semaphore, #tpu.memory_space<semaphore_mem>>)
      %dma_wait3A_169 = arith.constant 0 : i32
      %dma_wait3A_170 = arith.constant 0 : i32
      %dma_wait3A_171 = tpu.memref_slice %arg8[%dma_wait3A_169, %dma_wait3A_170] : memref<2x128xi32, #tpu.memory_space<vmem>> -> memref<1x128xi32, #tpu.memory_space<vmem>>
      %dma_wait3A_172 = tpu.memref_squeeze %dma_wait3A_171 : memref<1x128xi32, #tpu.memory_space<vmem>> -> memref<128xi32, #tpu.memory_space<vmem>>
      %dma_wait3A_173 = arith.constant 0 : i32
      %dma_wait3A_174 = arith.constant 0 : i32
      %dma_wait3A_175 = tpu.memref_slice %arg2[%dma_wait3A_173, %dma_wait3A_174] : memref<10000x128xf32, #tpu.memory_space<hbm>> -> memref<10000x128xf32, #tpu.memory_space<hbm>>
      tpu.wait_indirect_dma semaphore(%arg16 : memref<!tpu.dma_semaphore, #tpu.memory_space<semaphore_mem>>) src(%dma_wait3A_175 : memref<10000x128xf32, #tpu.memory_space<hbm>>) dst(%arg10 : memref<128x128xf32, #tpu.memory_space<vmem>>)
      %run_scoped3A_176 = arith.constant 1 : i32
      "tpu.region"() ({
        %run_scoped3A_195 = tpu.sem_alloc : memref<!tpu.dma_semaphore, #tpu.memory_space<semaphore_mem>>
        %dma_start3A_196 = arith.constant 0 : i32
        %dma_start3A_197 = tpu.memref_slice %arg8[%run_scoped3A_176, %dma_start3A_196] : memref<2x128xi32, #tpu.memory_space<vmem>> -> memref<1x128xi32, #tpu.memory_space<vmem>>
        %dma_start3A_198 = tpu.memref_squeeze %dma_start3A_197 : memref<1x128xi32, #tpu.memory_space<vmem>> -> memref<128xi32, #tpu.memory_space<vmem>>
        %dma_start3A_199 = arith.constant 0 : i32
        %dma_start3A_200 = arith.constant 0 : i32
        %dma_start3A_201 = tpu.memref_slice %arg5[%dma_start3A_199, %dma_start3A_200] : memref<10240x128xf32, #tpu.memory_space<vmem_shared>> -> memref<10240x128xf32, #tpu.memory_space<vmem_shared>>
        tpu.enqueue_indirect_dma source(%arg10 : memref<128x128xf32, #tpu.memory_space<vmem>>) target(%dma_start3A_201 : memref<10240x128xf32, #tpu.memory_space<vmem_shared>>) offsets(%dma_start3A_198 : memref<128xi32, #tpu.memory_space<vmem>>) semaphore(%run_scoped3A_195 : memref<!tpu.dma_semaphore, #tpu.memory_space<semaphore_mem>>) {add = true}
        %dma_wait3A_202 = arith.constant 0 : i32
        %dma_wait3A_203 = tpu.memref_slice %arg8[%run_scoped3A_176, %dma_wait3A_202] : memref<2x128xi32, #tpu.memory_space<vmem>> -> memref<1x128xi32, #tpu.memory_space<vmem>>
        %dma_wait3A_204 = tpu.memref_squeeze %dma_wait3A_203 : memref<1x128xi32, #tpu.memory_space<vmem>> -> memref<128xi32, #tpu.memory_space<vmem>>
        %dma_wait3A_205 = arith.constant 0 : i32
        %dma_wait3A_206 = arith.constant 0 : i32
        %dma_wait3A_207 = tpu.memref_slice %arg5[%dma_wait3A_205, %dma_wait3A_206] : memref<10240x128xf32, #tpu.memory_space<vmem_shared>> -> memref<10240x128xf32, #tpu.memory_space<vmem_shared>>
        tpu.wait_indirect_dma semaphore(%run_scoped3A_195 : memref<!tpu.dma_semaphore, #tpu.memory_space<semaphore_mem>>) src(%arg10 : memref<128x128xf32, #tpu.memory_space<vmem>>) dst(%dma_wait3A_207 : memref<10240x128xf32, #tpu.memory_space<vmem_shared>>)
        tpu.yield
      }) : () -> ()
      %lt3A_177 = arith.constant 19 : i32
      %lt3A_178 = arith.cmpi slt, %scan3A_68, %lt3A_177 : i32
      %convert_element_type3A_179 = arith.extui %lt3A_178 : i1 to i32
      %cond3A_180 = arith.constant 0 : i32
      %cond3A_181 = arith.cmpi ne, %convert_element_type3A_179, %cond3A_180 : i32
      scf.if %cond3A_181 {
        %add3A_195 = arith.constant 3 : i32
        %add3A_196 = arith.addi %mul3A_70, %add3A_195 : i32
        %add3A_197 = arith.constant 2 : i32
        %add3A_198 = arith.addi %add3A_196, %add3A_197 : i32
        %dma_start3A_199 = arith.constant 0 : i32
        %dma_start3A_200 = arith.constant 0 : i32
        %dma_start3A_201 = tpu.memref_slice %arg3[%add3A, %add3A_198, %dma_start3A_199, %dma_start3A_200] : memref<32x80x2x128xi32, #tpu.memory_space<hbm>> -> memref<1x1x2x128xi32, #tpu.memory_space<hbm>>
        %dma_start3A_202 = tpu.memref_squeeze %dma_start3A_201 : memref<1x1x2x128xi32, #tpu.memory_space<hbm>> -> memref<2x128xi32, #tpu.memory_space<hbm>>
        %dma_start3A_203 = arith.constant 0 : i32
        %dma_start3A_204 = arith.constant 0 : i32
        %dma_start3A_205 = tpu.memref_slice %arg3[%add3A, %add3A_198, %dma_start3A_203, %dma_start3A_204] : memref<32x80x2x128xi32, #tpu.memory_space<hbm>> -> memref<1x1x2x128xi32, #tpu.memory_space<hbm>>
        %dma_start3A_206 = tpu.memref_squeeze %dma_start3A_205 : memref<1x1x2x128xi32, #tpu.memory_space<hbm>> -> memref<2x128xi32, #tpu.memory_space<hbm>>
        tpu.enqueue_dma source(%dma_start3A_206 : memref<2x128xi32, #tpu.memory_space<hbm>>) target(%arg7 : memref<2x128xi32, #tpu.memory_space<vmem>>) target_semaphore(%arg13 : memref<!tpu.dma_semaphore, #tpu.memory_space<semaphore_mem>>)
      } else {
      }
      %lt3A_182 = arith.constant 19 : i32
      %lt3A_183 = arith.cmpi slt, %scan3A_68, %lt3A_182 : i32
      %convert_element_type3A_184 = arith.extui %lt3A_183 : i1 to i32
      %cond3A_185 = arith.constant 0 : i32
      %cond3A_186 = arith.cmpi ne, %convert_element_type3A_184, %cond3A_185 : i32
      scf.if %cond3A_186 {
        %add3A_195 = arith.constant 4 : i32
        %add3A_196 = arith.addi %mul3A_70, %add3A_195 : i32
        %dma_wait3A_197 = arith.constant 0 : i32
        %dma_wait3A_198 = arith.constant 0 : i32
        %dma_wait3A_199 = tpu.memref_slice %arg3[%add3A, %add3A_196, %dma_wait3A_197, %dma_wait3A_198] : memref<32x80x2x128xi32, #tpu.memory_space<hbm>> -> memref<1x1x2x128xi32, #tpu.memory_space<hbm>>
        %dma_wait3A_200 = tpu.memref_squeeze %dma_wait3A_199 : memref<1x1x2x128xi32, #tpu.memory_space<hbm>> -> memref<2x128xi32, #tpu.memory_space<hbm>>
        %dma_wait3A_201 = arith.constant 0 : i32
        %dma_wait3A_202 = arith.constant 0 : i32
        %dma_wait3A_203 = tpu.memref_slice %arg3[%add3A, %add3A_196, %dma_wait3A_201, %dma_wait3A_202] : memref<32x80x2x128xi32, #tpu.memory_space<hbm>> -> memref<1x1x2x128xi32, #tpu.memory_space<hbm>>
        %dma_wait3A_204 = tpu.memref_squeeze %dma_wait3A_203 : memref<1x1x2x128xi32, #tpu.memory_space<hbm>> -> memref<2x128xi32, #tpu.memory_space<hbm>>
        tpu.wait_dma2 semaphore(%arg12 : memref<!tpu.dma_semaphore, #tpu.memory_space<semaphore_mem>>) src(%dma_wait3A_204 : memref<2x128xi32, #tpu.memory_space<hbm>>) dst(%arg6 : memref<2x128xi32, #tpu.memory_space<vmem>>)
        %dma_start3A_205 = arith.constant 0 : i32
        %dma_start3A_206 = arith.constant 0 : i32
        %dma_start3A_207 = tpu.memref_slice %arg6[%dma_start3A_205, %dma_start3A_206] : memref<2x128xi32, #tpu.memory_space<vmem>> -> memref<1x128xi32, #tpu.memory_space<vmem>>
        %dma_start3A_208 = tpu.memref_squeeze %dma_start3A_207 : memref<1x128xi32, #tpu.memory_space<vmem>> -> memref<128xi32, #tpu.memory_space<vmem>>
        %dma_start3A_209 = arith.constant 0 : i32
        %dma_start3A_210 = arith.constant 0 : i32
        %dma_start3A_211 = tpu.memref_slice %arg2[%dma_start3A_209, %dma_start3A_210] : memref<10000x128xf32, #tpu.memory_space<hbm>> -> memref<10000x128xf32, #tpu.memory_space<hbm>>
        tpu.enqueue_indirect_dma source(%dma_start3A_211 : memref<10000x128xf32, #tpu.memory_space<hbm>>) target(%arg10 : memref<128x128xf32, #tpu.memory_space<vmem>>) offsets(%dma_start3A_208 : memref<128xi32, #tpu.memory_space<vmem>>) semaphore(%arg16 : memref<!tpu.dma_semaphore, #tpu.memory_space<semaphore_mem>>)
      } else {
      }
      %dma_wait3A_187 = arith.constant 0 : i32
      %dma_wait3A_188 = arith.constant 0 : i32
      %dma_wait3A_189 = tpu.memref_slice %arg9[%dma_wait3A_187, %dma_wait3A_188] : memref<2x128xi32, #tpu.memory_space<vmem>> -> memref<1x128xi32, #tpu.memory_space<vmem>>
      %dma_wait3A_190 = tpu.memref_squeeze %dma_wait3A_189 : memref<1x128xi32, #tpu.memory_space<vmem>> -> memref<128xi32, #tpu.memory_space<vmem>>
      %dma_wait3A_191 = arith.constant 0 : i32
      %dma_wait3A_192 = arith.constant 0 : i32
      %dma_wait3A_193 = tpu.memref_slice %arg2[%dma_wait3A_191, %dma_wait3A_192] : memref<10000x128xf32, #tpu.memory_space<hbm>> -> memref<10000x128xf32, #tpu.memory_space<hbm>>
      tpu.wait_indirect_dma semaphore(%arg17 : memref<!tpu.dma_semaphore, #tpu.memory_space<semaphore_mem>>) src(%dma_wait3A_193 : memref<10000x128xf32, #tpu.memory_space<hbm>>) dst(%arg11 : memref<128x128xf32, #tpu.memory_space<vmem>>)
      %run_scoped3A_194 = arith.constant 1 : i32
      "tpu.region"() ({
        %run_scoped3A_195 = tpu.sem_alloc : memref<!tpu.dma_semaphore, #tpu.memory_space<semaphore_mem>>
        %dma_start3A_196 = arith.constant 0 : i32
        %dma_start3A_197 = tpu.memref_slice %arg9[%run_scoped3A_194, %dma_start3A_196] : memref<2x128xi32, #tpu.memory_space<vmem>> -> memref<1x128xi32, #tpu.memory_space<vmem>>
        %dma_start3A_198 = tpu.memref_squeeze %dma_start3A_197 : memref<1x128xi32, #tpu.memory_space<vmem>> -> memref<128xi32, #tpu.memory_space<vmem>>
        %dma_start3A_199 = arith.constant 0 : i32
        %dma_start3A_200 = arith.constant 0 : i32
        %dma_start3A_201 = tpu.memref_slice %arg5[%dma_start3A_199, %dma_start3A_200] : memref<10240x128xf32, #tpu.memory_space<vmem_shared>> -> memref<10240x128xf32, #tpu.memory_space<vmem_shared>>
        tpu.enqueue_indirect_dma source(%arg11 : memref<128x128xf32, #tpu.memory_space<vmem>>) target(%dma_start3A_201 : memref<10240x128xf32, #tpu.memory_space<vmem_shared>>) offsets(%dma_start3A_198 : memref<128xi32, #tpu.memory_space<vmem>>) semaphore(%run_scoped3A_195 : memref<!tpu.dma_semaphore, #tpu.memory_space<semaphore_mem>>) {add = true}
        %dma_wait3A_202 = arith.constant 0 : i32
        %dma_wait3A_203 = tpu.memref_slice %arg9[%run_scoped3A_194, %dma_wait3A_202] : memref<2x128xi32, #tpu.memory_space<vmem>> -> memref<1x128xi32, #tpu.memory_space<vmem>>
        %dma_wait3A_204 = tpu.memref_squeeze %dma_wait3A_203 : memref<1x128xi32, #tpu.memory_space<vmem>> -> memref<128xi32, #tpu.memory_space<vmem>>
        %dma_wait3A_205 = arith.constant 0 : i32
        %dma_wait3A_206 = arith.constant 0 : i32
        %dma_wait3A_207 = tpu.memref_slice %arg5[%dma_wait3A_205, %dma_wait3A_206] : memref<10240x128xf32, #tpu.memory_space<vmem_shared>> -> memref<10240x128xf32, #tpu.memory_space<vmem_shared>>
        tpu.wait_indirect_dma semaphore(%run_scoped3A_195 : memref<!tpu.dma_semaphore, #tpu.memory_space<semaphore_mem>>) src(%arg11 : memref<128x128xf32, #tpu.memory_space<vmem>>) dst(%dma_wait3A_207 : memref<10240x128xf32, #tpu.memory_space<vmem_shared>>)
        tpu.yield
      }) : () -> ()
    }
    %scan3A_46 = arith.constant 20 : i32
    %barrier3A_47 = arith.constant 0 : index
    tpu.barrier barrier_id(%barrier3A_47)
    %mul3A_48 = arith.constant 640 : i32
    %mul3A_49 = arith.muli %arg1, %mul3A_48 : i32
    %add3A_50 = arith.constant 0 : i32
    %add3A_51 = arith.addi %mul3A_49, %add3A_50 : i32
    "tpu.region"() ({
      %run_scoped3A_68 = tpu.sem_alloc : memref<!tpu.dma_semaphore, #tpu.memory_space<semaphore_mem>>
      %dma_start3A_69 = arith.constant 0 : i32
      %dma_start3A_70 = tpu.memref_slice %arg4[%arg0, %add3A_51, %dma_start3A_69] : memref<2x10240x128xf32, #tpu.memory_space<hbm>> -> memref<1x128x128xf32, #tpu.memory_space<hbm>>
      %dma_start3A_71 = tpu.memref_squeeze %dma_start3A_70 : memref<1x128x128xf32, #tpu.memory_space<hbm>> -> memref<128x128xf32, #tpu.memory_space<hbm>>
      %dma_start3A_72 = arith.constant 0 : i32
      %dma_start3A_73 = tpu.memref_slice %arg5[%add3A_51, %dma_start3A_72] : memref<10240x128xf32, #tpu.memory_space<vmem_shared>> -> memref<128x128xf32, #tpu.memory_space<vmem_shared>>
      tpu.enqueue_dma source(%dma_start3A_73 : memref<128x128xf32, #tpu.memory_space<vmem_shared>>) target(%dma_start3A_71 : memref<128x128xf32, #tpu.memory_space<hbm>>) target_semaphore(%run_scoped3A_68 : memref<!tpu.dma_semaphore, #tpu.memory_space<semaphore_mem>>)
      %dma_wait3A = arith.constant 0 : i32
      %dma_wait3A_74 = tpu.memref_slice %arg4[%arg0, %add3A_51, %dma_wait3A] : memref<2x10240x128xf32, #tpu.memory_space<hbm>> -> memref<1x128x128xf32, #tpu.memory_space<hbm>>
      %dma_wait3A_75 = tpu.memref_squeeze %dma_wait3A_74 : memref<1x128x128xf32, #tpu.memory_space<hbm>> -> memref<128x128xf32, #tpu.memory_space<hbm>>
      %dma_wait3A_76 = arith.constant 0 : i32
      %dma_wait3A_77 = tpu.memref_slice %arg5[%add3A_51, %dma_wait3A_76] : memref<10240x128xf32, #tpu.memory_space<vmem_shared>> -> memref<128x128xf32, #tpu.memory_space<vmem_shared>>
      tpu.wait_dma2 semaphore(%run_scoped3A_68 : memref<!tpu.dma_semaphore, #tpu.memory_space<semaphore_mem>>) src(%dma_wait3A_77 : memref<128x128xf32, #tpu.memory_space<vmem_shared>>) dst(%dma_wait3A_75 : memref<128x128xf32, #tpu.memory_space<hbm>>)
      tpu.yield
    }) : () -> ()
    %mul3A_52 = arith.constant 640 : i32
    %mul3A_53 = arith.muli %arg1, %mul3A_52 : i32
    %add3A_54 = arith.constant 128 : i32
    %add3A_55 = arith.addi %mul3A_53, %add3A_54 : i32
    "tpu.region"() ({
      %run_scoped3A_68 = tpu.sem_alloc : memref<!tpu.dma_semaphore, #tpu.memory_space<semaphore_mem>>
      %dma_start3A_69 = arith.constant 0 : i32
      %dma_start3A_70 = tpu.memref_slice %arg4[%arg0, %add3A_55, %dma_start3A_69] : memref<2x10240x128xf32, #tpu.memory_space<hbm>> -> memref<1x128x128xf32, #tpu.memory_space<hbm>>
      %dma_start3A_71 = tpu.memref_squeeze %dma_start3A_70 : memref<1x128x128xf32, #tpu.memory_space<hbm>> -> memref<128x128xf32, #tpu.memory_space<hbm>>
      %dma_start3A_72 = arith.constant 0 : i32
      %dma_start3A_73 = tpu.memref_slice %arg5[%add3A_55, %dma_start3A_72] : memref<10240x128xf32, #tpu.memory_space<vmem_shared>> -> memref<128x128xf32, #tpu.memory_space<vmem_shared>>
      tpu.enqueue_dma source(%dma_start3A_73 : memref<128x128xf32, #tpu.memory_space<vmem_shared>>) target(%dma_start3A_71 : memref<128x128xf32, #tpu.memory_space<hbm>>) target_semaphore(%run_scoped3A_68 : memref<!tpu.dma_semaphore, #tpu.memory_space<semaphore_mem>>)
      %dma_wait3A = arith.constant 0 : i32
      %dma_wait3A_74 = tpu.memref_slice %arg4[%arg0, %add3A_55, %dma_wait3A] : memref<2x10240x128xf32, #tpu.memory_space<hbm>> -> memref<1x128x128xf32, #tpu.memory_space<hbm>>
      %dma_wait3A_75 = tpu.memref_squeeze %dma_wait3A_74 : memref<1x128x128xf32, #tpu.memory_space<hbm>> -> memref<128x128xf32, #tpu.memory_space<hbm>>
      %dma_wait3A_76 = arith.constant 0 : i32
      %dma_wait3A_77 = tpu.memref_slice %arg5[%add3A_55, %dma_wait3A_76] : memref<10240x128xf32, #tpu.memory_space<vmem_shared>> -> memref<128x128xf32, #tpu.memory_space<vmem_shared>>
      tpu.wait_dma2 semaphore(%run_scoped3A_68 : memref<!tpu.dma_semaphore, #tpu.memory_space<semaphore_mem>>) src(%dma_wait3A_77 : memref<128x128xf32, #tpu.memory_space<vmem_shared>>) dst(%dma_wait3A_75 : memref<128x128xf32, #tpu.memory_space<hbm>>)
      tpu.yield
    }) : () -> ()
    %mul3A_56 = arith.constant 640 : i32
    %mul3A_57 = arith.muli %arg1, %mul3A_56 : i32
    %add3A_58 = arith.constant 256 : i32
    %add3A_59 = arith.addi %mul3A_57, %add3A_58 : i32
    "tpu.region"() ({
      %run_scoped3A_68 = tpu.sem_alloc : memref<!tpu.dma_semaphore, #tpu.memory_space<semaphore_mem>>
      %dma_start3A_69 = arith.constant 0 : i32
      %dma_start3A_70 = tpu.memref_slice %arg4[%arg0, %add3A_59, %dma_start3A_69] : memref<2x10240x128xf32, #tpu.memory_space<hbm>> -> memref<1x128x128xf32, #tpu.memory_space<hbm>>
      %dma_start3A_71 = tpu.memref_squeeze %dma_start3A_70 : memref<1x128x128xf32, #tpu.memory_space<hbm>> -> memref<128x128xf32, #tpu.memory_space<hbm>>
      %dma_start3A_72 = arith.constant 0 : i32
      %dma_start3A_73 = tpu.memref_slice %arg5[%add3A_59, %dma_start3A_72] : memref<10240x128xf32, #tpu.memory_space<vmem_shared>> -> memref<128x128xf32, #tpu.memory_space<vmem_shared>>
      tpu.enqueue_dma source(%dma_start3A_73 : memref<128x128xf32, #tpu.memory_space<vmem_shared>>) target(%dma_start3A_71 : memref<128x128xf32, #tpu.memory_space<hbm>>) target_semaphore(%run_scoped3A_68 : memref<!tpu.dma_semaphore, #tpu.memory_space<semaphore_mem>>)
      %dma_wait3A = arith.constant 0 : i32
      %dma_wait3A_74 = tpu.memref_slice %arg4[%arg0, %add3A_59, %dma_wait3A] : memref<2x10240x128xf32, #tpu.memory_space<hbm>> -> memref<1x128x128xf32, #tpu.memory_space<hbm>>
      %dma_wait3A_75 = tpu.memref_squeeze %dma_wait3A_74 : memref<1x128x128xf32, #tpu.memory_space<hbm>> -> memref<128x128xf32, #tpu.memory_space<hbm>>
      %dma_wait3A_76 = arith.constant 0 : i32
      %dma_wait3A_77 = tpu.memref_slice %arg5[%add3A_59, %dma_wait3A_76] : memref<10240x128xf32, #tpu.memory_space<vmem_shared>> -> memref<128x128xf32, #tpu.memory_space<vmem_shared>>
      tpu.wait_dma2 semaphore(%run_scoped3A_68 : memref<!tpu.dma_semaphore, #tpu.memory_space<semaphore_mem>>) src(%dma_wait3A_77 : memref<128x128xf32, #tpu.memory_space<vmem_shared>>) dst(%dma_wait3A_75 : memref<128x128xf32, #tpu.memory_space<hbm>>)
      tpu.yield
    }) : () -> ()
    %mul3A_60 = arith.constant 640 : i32
    %mul3A_61 = arith.muli %arg1, %mul3A_60 : i32
    %add3A_62 = arith.constant 384 : i32
    %add3A_63 = arith.addi %mul3A_61, %add3A_62 : i32
    "tpu.region"() ({
      %run_scoped3A_68 = tpu.sem_alloc : memref<!tpu.dma_semaphore, #tpu.memory_space<semaphore_mem>>
      %dma_start3A_69 = arith.constant 0 : i32
      %dma_start3A_70 = tpu.memref_slice %arg4[%arg0, %add3A_63, %dma_start3A_69] : memref<2x10240x128xf32, #tpu.memory_space<hbm>> -> memref<1x128x128xf32, #tpu.memory_space<hbm>>
      %dma_start3A_71 = tpu.memref_squeeze %dma_start3A_70 : memref<1x128x128xf32, #tpu.memory_space<hbm>> -> memref<128x128xf32, #tpu.memory_space<hbm>>
      %dma_start3A_72 = arith.constant 0 : i32
      %dma_start3A_73 = tpu.memref_slice %arg5[%add3A_63, %dma_start3A_72] : memref<10240x128xf32, #tpu.memory_space<vmem_shared>> -> memref<128x128xf32, #tpu.memory_space<vmem_shared>>
      tpu.enqueue_dma source(%dma_start3A_73 : memref<128x128xf32, #tpu.memory_space<vmem_shared>>) target(%dma_start3A_71 : memref<128x128xf32, #tpu.memory_space<hbm>>) target_semaphore(%run_scoped3A_68 : memref<!tpu.dma_semaphore, #tpu.memory_space<semaphore_mem>>)
      %dma_wait3A = arith.constant 0 : i32
      %dma_wait3A_74 = tpu.memref_slice %arg4[%arg0, %add3A_63, %dma_wait3A] : memref<2x10240x128xf32, #tpu.memory_space<hbm>> -> memref<1x128x128xf32, #tpu.memory_space<hbm>>
      %dma_wait3A_75 = tpu.memref_squeeze %dma_wait3A_74 : memref<1x128x128xf32, #tpu.memory_space<hbm>> -> memref<128x128xf32, #tpu.memory_space<hbm>>
      %dma_wait3A_76 = arith.constant 0 : i32
      %dma_wait3A_77 = tpu.memref_slice %arg5[%add3A_63, %dma_wait3A_76] : memref<10240x128xf32, #tpu.memory_space<vmem_shared>> -> memref<128x128xf32, #tpu.memory_space<vmem_shared>>
      tpu.wait_dma2 semaphore(%run_scoped3A_68 : memref<!tpu.dma_semaphore, #tpu.memory_space<semaphore_mem>>) src(%dma_wait3A_77 : memref<128x128xf32, #tpu.memory_space<vmem_shared>>) dst(%dma_wait3A_75 : memref<128x128xf32, #tpu.memory_space<hbm>>)
      tpu.yield
    }) : () -> ()
    %mul3A_64 = arith.constant 640 : i32
    %mul3A_65 = arith.muli %arg1, %mul3A_64 : i32
    %add3A_66 = arith.constant 512 : i32
    %add3A_67 = arith.addi %mul3A_65, %add3A_66 : i32
    "tpu.region"() ({
      %run_scoped3A_68 = tpu.sem_alloc : memref<!tpu.dma_semaphore, #tpu.memory_space<semaphore_mem>>
      %dma_start3A_69 = arith.constant 0 : i32
      %dma_start3A_70 = tpu.memref_slice %arg4[%arg0, %add3A_67, %dma_start3A_69] : memref<2x10240x128xf32, #tpu.memory_space<hbm>> -> memref<1x128x128xf32, #tpu.memory_space<hbm>>
      %dma_start3A_71 = tpu.memref_squeeze %dma_start3A_70 : memref<1x128x128xf32, #tpu.memory_space<hbm>> -> memref<128x128xf32, #tpu.memory_space<hbm>>
      %dma_start3A_72 = arith.constant 0 : i32
      %dma_start3A_73 = tpu.memref_slice %arg5[%add3A_67, %dma_start3A_72] : memref<10240x128xf32, #tpu.memory_space<vmem_shared>> -> memref<128x128xf32, #tpu.memory_space<vmem_shared>>
      tpu.enqueue_dma source(%dma_start3A_73 : memref<128x128xf32, #tpu.memory_space<vmem_shared>>) target(%dma_start3A_71 : memref<128x128xf32, #tpu.memory_space<hbm>>) target_semaphore(%run_scoped3A_68 : memref<!tpu.dma_semaphore, #tpu.memory_space<semaphore_mem>>)
      %dma_wait3A = arith.constant 0 : i32
      %dma_wait3A_74 = tpu.memref_slice %arg4[%arg0, %add3A_67, %dma_wait3A] : memref<2x10240x128xf32, #tpu.memory_space<hbm>> -> memref<1x128x128xf32, #tpu.memory_space<hbm>>
      %dma_wait3A_75 = tpu.memref_squeeze %dma_wait3A_74 : memref<1x128x128xf32, #tpu.memory_space<hbm>> -> memref<128x128xf32, #tpu.memory_space<hbm>>
      %dma_wait3A_76 = arith.constant 0 : i32
      %dma_wait3A_77 = tpu.memref_slice %arg5[%add3A_67, %dma_wait3A_76] : memref<10240x128xf32, #tpu.memory_space<vmem_shared>> -> memref<128x128xf32, #tpu.memory_space<vmem_shared>>
      tpu.wait_dma2 semaphore(%run_scoped3A_68 : memref<!tpu.dma_semaphore, #tpu.memory_space<semaphore_mem>>) src(%dma_wait3A_77 : memref<128x128xf32, #tpu.memory_space<vmem_shared>>) dst(%dma_wait3A_75 : memref<128x128xf32, #tpu.memory_space<hbm>>)
      tpu.yield
    }) : () -> ()
    return
  }
}

module attributes {stable_mosaic.version = 14 : i64} {
  func.func @_tc1_body(%arg0: i32, %arg1: memref<2000x128xf32, #tpu.memory_space<vmem>>, %arg2: memref<128x128xf32, #tpu.memory_space<vmem>>, %arg3: memref<2000x1xf32, #tpu.memory_space<vmem>>, %arg4: memref<2000x1xf32, #tpu.memory_space<vmem>>, %arg5: memref<2000x128xf32, #tpu.memory_space<vmem>>, %arg6: memref<2000x1xf32, #tpu.memory_space<vmem>>) attributes {dimension_semantics = [#tpu.dimension_semantics<arbitrary>], iteration_bounds = array<i64: 5>, scalar_prefetch = 0 : i64, scratch_operands = 0 : i64, tpu.core_type = #tpu.core_type<tc>, window_params = [{transform_indices = @transform_0, window_bounds = array<i64: 2000, 128>}, {pipeline_mode = #tpu.pipeline_mode<synchronous>, transform_indices = @transform_1, window_bounds = array<i64: 128, 128>}, {transform_indices = @transform_2, window_bounds = array<i64: 2000, 1>}, {transform_indices = @transform_3, window_bounds = array<i64: 2000, 1>}, {transform_indices = @transform_4, window_bounds = array<i64: 2000, 128>}, {transform_indices = @transform_5, window_bounds = array<i64: 2000, 1>}]} {
    %get3A = arith.constant 0 : index
    %get3A_0 = arith.constant 0 : index
    %get3A_1 = vector.load %arg3[%get3A, %get3A_0] : memref<2000x1xf32, #tpu.memory_space<vmem>>, vector<2000x1xf32>
    %get3A_2 = arith.constant 0 : index
    %get3A_3 = arith.constant 0 : index
    %get3A_4 = vector.load %arg4[%get3A_2, %get3A_3] : memref<2000x1xf32, #tpu.memory_space<vmem>>, vector<2000x1xf32>
    %add3A = arith.addf %get3A_1, %get3A_4 : vector<2000x1xf32>
    %gt3A = arith.constant 0.000000e+00 : f32
    %gt3A_5 = vector.broadcast %gt3A : f32 to vector<2000x1xf32>
    %gt3A_6 = arith.cmpf ogt, %add3A, %gt3A_5 : vector<2000x1xf32>
    %rsqrt3A = math.rsqrt %add3A : vector<2000x1xf32>
    %jit3A = arith.constant 0.000000e+00 : f32
    %broadcast_in_dim3A = vector.broadcast %jit3A : f32 to vector<2000x1xf32>
    %select_n3A = arith.select %gt3A_6, %rsqrt3A, %broadcast_in_dim3A : vector<2000x1xi1>, vector<2000x1xf32>
    %get3A_7 = arith.constant 0 : index
    %get3A_8 = arith.constant 0 : index
    %get3A_9 = vector.load %arg1[%get3A_7, %get3A_8] : memref<2000x128xf32, #tpu.memory_space<vmem>>, vector<2000x128xf32>
    %get3A_10 = arith.constant 0 : index
    %get3A_11 = arith.constant 0 : index
    %get3A_12 = vector.load %arg2[%get3A_10, %get3A_11] : memref<128x128xf32, #tpu.memory_space<vmem>>, vector<128x128xf32>
    %dot_general3A = arith.constant dense<0.000000e+00> : vector<2000x128xf32>
    %dot_general3A_13 = tpu.matmul %get3A_9, %get3A_12, %dot_general3A {dimension_numbers = #tpu.dot_dimension_numbers<[1], [0], [0], [1], [0, 0, 1, 1], [], []>, transpose_lhs_hint = false} : vector<2000x128xf32>, vector<128x128xf32>, vector<2000x128xf32> -> vector<2000x128xf32>
    %mul3A = vector.broadcast %select_n3A : vector<2000x1xf32> to vector<2000x128xf32>
    %mul3A_14 = arith.mulf %dot_general3A_13, %mul3A : vector<2000x128xf32>
    %swap3A = arith.constant 0 : index
    %swap3A_15 = arith.constant 0 : index
    %swap3A_16 = vector.load %arg5[%swap3A, %swap3A_15] : memref<2000x128xf32, #tpu.memory_space<vmem>>, vector<2000x128xf32>
    tpu.vector_store %arg5[%swap3A, %swap3A_15], %mul3A_14 {strides = array<i32>} : memref<2000x128xf32, #tpu.memory_space<vmem>>, vector<2000x128xf32>,
    %swap3A_17 = arith.constant 0 : index
    %swap3A_18 = arith.constant 0 : index
    %swap3A_19 = vector.load %arg6[%swap3A_17, %swap3A_18] : memref<2000x1xf32, #tpu.memory_space<vmem>>, vector<2000x1xf32>
    tpu.vector_store %arg6[%swap3A_17, %swap3A_18], %select_n3A {strides = array<i32>} : memref<2000x1xf32, #tpu.memory_space<vmem>>, vector<2000x1xf32>,
    return
  }
  func.func @transform_0(%arg0: i32) -> (i32, i32) {
    %c0_i32 = arith.constant 0 : i32
    %c0_i32_0 = arith.constant 0 : i32
    return %arg0, %c0_i32 : i32, i32
  }
  func.func @transform_1(%arg0: i32) -> (i32, i32) {
    %c0_i32 = arith.constant 0 : i32
    %c0_i32_0 = arith.constant 0 : i32
    %c0_i32_1 = arith.constant 0 : i32
    return %c0_i32, %c0_i32_0 : i32, i32
  }
  func.func @transform_2(%arg0: i32) -> (i32, i32) {
    %c0_i32 = arith.constant 0 : i32
    %c0_i32_0 = arith.constant 0 : i32
    return %arg0, %c0_i32 : i32, i32
  }
  func.func @transform_3(%arg0: i32) -> (i32, i32) {
    %c0_i32 = arith.constant 0 : i32
    %c0_i32_0 = arith.constant 0 : i32
    return %arg0, %c0_i32 : i32, i32
  }
  func.func @transform_4(%arg0: i32) -> (i32, i32) {
    %c0_i32 = arith.constant 0 : i32
    %c0_i32_0 = arith.constant 0 : i32
    return %arg0, %c0_i32 : i32, i32
  }
  func.func @transform_5(%arg0: i32) -> (i32, i32) {
    %c0_i32 = arith.constant 0 : i32
    %c0_i32_0 = arith.constant 0 : i32
    return %arg0, %c0_i32 : i32, i32
  }
}

module attributes {stable_mosaic.version = 14 : i64} {
  func.func @_tc2_body(%arg0: i32, %arg1: memref<2x2000x128xf32, #tpu.memory_space<vmem>>, %arg2: memref<2000x1xf32, #tpu.memory_space<vmem>>, %arg3: memref<1x128xf32, #tpu.memory_space<vmem>>, %arg4: memref<128x128xf32, #tpu.memory_space<vmem>>, %arg5: memref<2000x128xf32, #tpu.memory_space<vmem>>) attributes {dimension_semantics = [#tpu.dimension_semantics<arbitrary>], iteration_bounds = array<i64: 5>, scalar_prefetch = 0 : i64, scratch_operands = 0 : i64, tpu.core_type = #tpu.core_type<tc>, window_params = [{transform_indices = @transform_0, window_bounds = array<i64: 2, 2000, 128>}, {transform_indices = @transform_1, window_bounds = array<i64: 2000, 1>}, {pipeline_mode = #tpu.pipeline_mode<synchronous>, transform_indices = @transform_2, window_bounds = array<i64: 1, 128>}, {pipeline_mode = #tpu.pipeline_mode<synchronous>, transform_indices = @transform_3, window_bounds = array<i64: 128, 128>}, {transform_indices = @transform_4, window_bounds = array<i64: 2000, 128>}]} {
    %get3A = arith.constant 0 : index
    %get3A_0 = arith.constant 0 : index
    %get3A_1 = vector.load %arg2[%get3A, %get3A_0] : memref<2000x1xf32, #tpu.memory_space<vmem>>, vector<2000x1xf32>
    %get3A_2 = arith.constant 0 : index
    %get3A_3 = arith.constant 0 : index
    %get3A_4 = arith.constant 0 : index
    %get3A_5 = vector.load %arg1[%get3A_2, %get3A_3, %get3A_4] : memref<2x2000x128xf32, #tpu.memory_space<vmem>>, vector<1x2000x128xf32>
    %get3A_6 = vector.shape_cast %get3A_5 : vector<1x2000x128xf32> to vector<2000x128xf32>
    %get3A_7 = arith.constant 1 : index
    %get3A_8 = arith.constant 0 : index
    %get3A_9 = arith.constant 0 : index
    %get3A_10 = vector.load %arg1[%get3A_7, %get3A_8, %get3A_9] : memref<2x2000x128xf32, #tpu.memory_space<vmem>>, vector<1x2000x128xf32>
    %get3A_11 = vector.shape_cast %get3A_10 : vector<1x2000x128xf32> to vector<2000x128xf32>
    %add3A = arith.addf %get3A_6, %get3A_11 : vector<2000x128xf32>
    %mul3A = vector.broadcast %get3A_1 : vector<2000x1xf32> to vector<2000x128xf32>
    %mul3A_12 = arith.mulf %add3A, %mul3A : vector<2000x128xf32>
    %get3A_13 = arith.constant 0 : index
    %get3A_14 = arith.constant 0 : index
    %get3A_15 = vector.load %arg3[%get3A_13, %get3A_14] : memref<1x128xf32, #tpu.memory_space<vmem>>, vector<1x128xf32>
    %add3A_16 = vector.broadcast %get3A_15 : vector<1x128xf32> to vector<2000x128xf32>
    %add3A_17 = arith.addf %mul3A_12, %add3A_16 : vector<2000x128xf32>
    %get3A_18 = arith.constant 0 : index
    %get3A_19 = arith.constant 0 : index
    %get3A_20 = vector.load %arg4[%get3A_18, %get3A_19] : memref<128x128xf32, #tpu.memory_space<vmem>>, vector<128x128xf32>
    %dot_general3A = arith.constant dense<0.000000e+00> : vector<2000x128xf32>
    %dot_general3A_21 = tpu.matmul %add3A_17, %get3A_20, %dot_general3A {dimension_numbers = #tpu.dot_dimension_numbers<[1], [0], [0], [1], [0, 0, 1, 1], [], []>, transpose_lhs_hint = false} : vector<2000x128xf32>, vector<128x128xf32>, vector<2000x128xf32> -> vector<2000x128xf32>
    %mul3A_22 = vector.broadcast %get3A_1 : vector<2000x1xf32> to vector<2000x128xf32>
    %mul3A_23 = arith.mulf %dot_general3A_21, %mul3A_22 : vector<2000x128xf32>
    %swap3A = arith.constant 0 : index
    %swap3A_24 = arith.constant 0 : index
    %swap3A_25 = vector.load %arg5[%swap3A, %swap3A_24] : memref<2000x128xf32, #tpu.memory_space<vmem>>, vector<2000x128xf32>
    tpu.vector_store %arg5[%swap3A, %swap3A_24], %mul3A_23 {strides = array<i32>} : memref<2000x128xf32, #tpu.memory_space<vmem>>, vector<2000x128xf32>,
    return
  }
  func.func @transform_0(%arg0: i32) -> (i32, i32, i32) {
    %c0_i32 = arith.constant 0 : i32
    %c0_i32_0 = arith.constant 0 : i32
    %c0_i32_1 = arith.constant 0 : i32
    return %c0_i32, %arg0, %c0_i32_0 : i32, i32, i32
  }
  func.func @transform_1(%arg0: i32) -> (i32, i32) {
    %c0_i32 = arith.constant 0 : i32
    %c0_i32_0 = arith.constant 0 : i32
    return %arg0, %c0_i32 : i32, i32
  }
  func.func @transform_2(%arg0: i32) -> (i32, i32) {
    %c0_i32 = arith.constant 0 : i32
    %c0_i32_0 = arith.constant 0 : i32
    %c0_i32_1 = arith.constant 0 : i32
    return %c0_i32, %c0_i32_0 : i32, i32
  }
  func.func @transform_3(%arg0: i32) -> (i32, i32) {
    %c0_i32 = arith.constant 0 : i32
    %c0_i32_0 = arith.constant 0 : i32
    %c0_i32_1 = arith.constant 0 : i32
    return %c0_i32, %c0_i32_0 : i32, i32
  }
  func.func @transform_4(%arg0: i32) -> (i32, i32) {
    %c0_i32 = arith.constant 0 : i32
    %c0_i32_0 = arith.constant 0 : i32
    return %arg0, %c0_i32 : i32, i32
  }
}

module attributes {stable_mosaic.version = 14 : i64} {
  func.func @_tc3_body(%arg0: i32, %arg1: memref<2x2000x128xf32, #tpu.memory_space<vmem>>, %arg2: memref<2000x1xf32, #tpu.memory_space<vmem>>, %arg3: memref<1x128xf32, #tpu.memory_space<vmem>>, %arg4: memref<2000x128xf32, #tpu.memory_space<vmem>>) attributes {dimension_semantics = [#tpu.dimension_semantics<arbitrary>], iteration_bounds = array<i64: 5>, scalar_prefetch = 0 : i64, scratch_operands = 0 : i64, tpu.core_type = #tpu.core_type<tc>, window_params = [{transform_indices = @transform_0, window_bounds = array<i64: 2, 2000, 128>}, {transform_indices = @transform_1, window_bounds = array<i64: 2000, 1>}, {pipeline_mode = #tpu.pipeline_mode<synchronous>, transform_indices = @transform_2, window_bounds = array<i64: 1, 128>}, {transform_indices = @transform_3, window_bounds = array<i64: 2000, 128>}]} {
    %get3A = arith.constant 0 : index
    %get3A_0 = arith.constant 0 : index
    %get3A_1 = arith.constant 0 : index
    %get3A_2 = vector.load %arg1[%get3A, %get3A_0, %get3A_1] : memref<2x2000x128xf32, #tpu.memory_space<vmem>>, vector<1x2000x128xf32>
    %get3A_3 = vector.shape_cast %get3A_2 : vector<1x2000x128xf32> to vector<2000x128xf32>
    %get3A_4 = arith.constant 1 : index
    %get3A_5 = arith.constant 0 : index
    %get3A_6 = arith.constant 0 : index
    %get3A_7 = vector.load %arg1[%get3A_4, %get3A_5, %get3A_6] : memref<2x2000x128xf32, #tpu.memory_space<vmem>>, vector<1x2000x128xf32>
    %get3A_8 = vector.shape_cast %get3A_7 : vector<1x2000x128xf32> to vector<2000x128xf32>
    %add3A = arith.addf %get3A_3, %get3A_8 : vector<2000x128xf32>
    %get3A_9 = arith.constant 0 : index
    %get3A_10 = arith.constant 0 : index
    %get3A_11 = vector.load %arg2[%get3A_9, %get3A_10] : memref<2000x1xf32, #tpu.memory_space<vmem>>, vector<2000x1xf32>
    %mul3A = vector.broadcast %get3A_11 : vector<2000x1xf32> to vector<2000x128xf32>
    %mul3A_12 = arith.mulf %add3A, %mul3A : vector<2000x128xf32>
    %get3A_13 = arith.constant 0 : index
    %get3A_14 = arith.constant 0 : index
    %get3A_15 = vector.load %arg3[%get3A_13, %get3A_14] : memref<1x128xf32, #tpu.memory_space<vmem>>, vector<1x128xf32>
    %add3A_16 = vector.broadcast %get3A_15 : vector<1x128xf32> to vector<2000x128xf32>
    %add3A_17 = arith.addf %mul3A_12, %add3A_16 : vector<2000x128xf32>
    %swap3A = arith.constant 0 : index
    %swap3A_18 = arith.constant 0 : index
    %swap3A_19 = vector.load %arg4[%swap3A, %swap3A_18] : memref<2000x128xf32, #tpu.memory_space<vmem>>, vector<2000x128xf32>
    tpu.vector_store %arg4[%swap3A, %swap3A_18], %add3A_17 {strides = array<i32>} : memref<2000x128xf32, #tpu.memory_space<vmem>>, vector<2000x128xf32>,
    return
  }
  func.func @transform_0(%arg0: i32) -> (i32, i32, i32) {
    %c0_i32 = arith.constant 0 : i32
    %c0_i32_0 = arith.constant 0 : i32
    %c0_i32_1 = arith.constant 0 : i32
    return %c0_i32, %arg0, %c0_i32_0 : i32, i32, i32
  }
  func.func @transform_1(%arg0: i32) -> (i32, i32) {
    %c0_i32 = arith.constant 0 : i32
    %c0_i32_0 = arith.constant 0 : i32
    return %arg0, %c0_i32 : i32, i32
  }
  func.func @transform_2(%arg0: i32) -> (i32, i32) {
    %c0_i32 = arith.constant 0 : i32
    %c0_i32_0 = arith.constant 0 : i32
    %c0_i32_1 = arith.constant 0 : i32
    return %c0_i32, %c0_i32_0 : i32, i32
  }
  func.func @transform_3(%arg0: i32) -> (i32, i32) {
    %c0_i32 = arith.constant 0 : i32
    %c0_i32_0 = arith.constant 0 : i32
    return %arg0, %c0_i32 : i32, i32
  }
}

</mosaic_0001>

<sc_bundles>
// kernel: kernel.11.cloned.1.call-start
scs
__scs_entry_jumppad:
0x0: {  	(pc) =	sbr.rel $0x88, $3  }
0x1: {  	(tag) =	ssettag $0x0;
	lr =	simm.s32 $0x1  }
0x2: {  	[smem:$0x3F9B] =	sst lr;
	_ =	strace $0xD0000000  }
0x3: {  	_ = 	snop  }
0x4: {  	_ = 	snop  }
0x5: {  	_ = 	snop  }
0x6: {  	_ = 	snop  }
0x7: {  	_ = 	snop  }
__scs_overlays_trampoline_lowered:
0x8: {  	[smem:$0x3FAA] =	sst s0  }
0x9: {  	[smem:$0x3FAB] =	sst s1  }
0xa: {  	[smem:$0x3FAC] =	sst s2  }
0xb: {  	[smem:$0x3FAD] =	sst s3  }
0xc: {  	[smem:$0x3FAE] =	sst s4  }
0xd: {  	[smem:$0x3FAF] =	sst s5  }
0xe: {  	[smem:$0x3FB0] =	sst s6  }
0xf: {  	[smem:$0x3FB1] =	sst s7  }
0x10: {  	[smem:$0x3FB2] =	sst s8  }
0x11: {  	[smem:$0x3FB3] =	sst s9;
	s0 =	simm.s32 @!p0 $0x0  }
0x12: {  	s1 =	sld [smem:$0x3F99];
	s0 =	simm.s32 @p0 $0x1  }
0x13: {  	[smem:$0x3FB4] =	sst s0;
	s0 =	simm.s32 @!p1 $0x0  }
0x14: {  	s2 =	sld [smem:$0x3F98];
	s0 =	simm.s32 @p1 $0x1  }
0x15: {  	[smem:$0x3FB5] =	sst s0;
	s0 =	simm.s32 @!p2 $0x0  }
0x16: {  	s3 =	sld [smem:$0x3FDB];
	s0 =	simm.s32 @p2 $0x1  }
0x17: {  	s4 =	simm.s32 $0x1BF5;
	[smem:$0x3FB7] =	sst s0  }
0x18: {  	s0 =	sld [smem:$0x3F9A];
	_ =	swait.ge [sflag:s4], $0x0  }
0x19: {  	s7 =	sld [smem:$0x3F9B]  }
0x1a: {  	s8 =	sadd.s32 $0xFFFFE003, lr  }
0x1b: {  	s9 =	sadd.s32 $0xFFFFFEF7, lr;
	s5 =	simm.s32 $0xFFFFFFFF;
	p2 =	slt.u32 s8, $0xFFFFF086  }
0x1c: {  	p1 =	slt.u32 s9, $0xF7A;
	s5 =	simm.s32 @!p2 $0x0  }
0x1d: {  	s5 =	simm.s32 @p1 $0x1;
	p0 =	seq.s32 s7, s2  }
0x1e: {  	s7 =	smul.u32 @!p0 $0xF7A, s2;
	p2 =	seq.s32 @!p0 s5, $0x0  }
0x1f: {  	s9 =	smul.u32 $0xF7A, s1;
	s8 =	simm.s32 @!p0 $0x1BF5;
	p2 =	por !p2, p0  }
0x20: {  	[sflag:s8] =	ssyncset.s32 @!p0 $0xFFFFF086;
	s6 =	sadd.s32 @!p0 s3, s7;
	s7 =	simm.s32 @!p0 $0x108  }
0x21: {  	s3 =	sadd.s32 s3, s9;
	s6 =	sadd.s32 @!p0 $0x88, s6;
	s7 =	simm.s32 @p2 $0x1082  }
0x22: {  	[simem:s7], [sflag:s8] =	dma.local @!p0 [hbm:s6], $0xF7A  }
0x23: {  	s9 =	sor.u32 $0xD0000000, s2;
	s6 =	simm.s32 $0x108;
	_ =	swait.ge @!p0 [sflag:s8], $0x0  }
0x24: {  	s3 =	sadd.s32 $0x88, s3;
	s6 =	simm.s32 @!p1 $0x1082;
	[sflag:s4] =	ssyncset.s32 $0xFFFFF086  }
0x25: {  	[simem:s6], [sflag:s4] =	dma.local [hbm:s3], $0xF7A  }
0x26: {  	[smem:$0x3F9B] =	sst s1;
	(tag) =	ssettag s2;
	_ =	strace s9  }
0x27: {  	s1 =	sld [smem:$0x3FAB]  }
0x28: {  	s2 =	sld [smem:$0x3FAC]  }
0x29: {  	s4 =	sld [smem:$0x3FAE]  }
0x2a: {  	p0 =	seq.s32 s5, $0x0;
	s5 =	sld [smem:$0x3FAF]  }
0x2b: {  	s6 =	sld [smem:$0x3FB0]  }
0x2c: {  	s7 =	sld [smem:$0x3FB1]  }
0x2d: {  	s3 =	simm.s32 $0x108;
	s8 =	sld [smem:$0x3FB2]  }
0x2e: {  	s3 =	simm.s32 @!p0 $0x1082;
	s9 =	sld [smem:$0x3FB3]  }
0x2f: {  	lr =	sadd.s32 s0, s3;
	s0 =	sld [smem:$0x3FAA]  }
0x30: {  	s3 =	sld [smem:$0x3FAD]  }
0x31: {  	[smem:$0x3FB6] =	sst s10  }
0x32: {  	s10 =	sld [smem:$0x3FB4];
	_ =	sdelay $0x3  }
0x33: {  	p0 =	seq.s32 s10, $0x1;
	s10 =	sld [smem:$0x3FB6];
	_ =	sdelay $0x3  }
0x34: {  	[smem:$0x3FB6] =	sst s10  }
0x35: {  	s10 =	sld [smem:$0x3FB5];
	_ =	sdelay $0x3  }
0x36: {  	p1 =	seq.s32 s10, $0x1;
	s10 =	sld [smem:$0x3FB6];
	_ =	sdelay $0x3  }
0x37: {  	[smem:$0x3FB6] =	sst s10  }
0x38: {  	s10 =	sld [smem:$0x3FB7]  }
0x39: {  	_ = 	snop;
	(pc) =	sbr.ind lr, $3  }
0x3a: {  	_ = 	snop  }
0x3b: {  	_ = 	snop  }
0x3c: {  	p2 =	seq.s32 s10, $0x1;
	s10 =	sld [smem:$0x3FB6]  }
0x3d: {  	_ =	shalt  }
0x3e: {  	_ =	shalt  }
0x3f: {  	_ =	shalt  }
0x40: {  	_ =	shalt  }
0x41: {  	_ =	shalt  }
0x42: {  	_ =	shalt  }
0x43: {  	_ =	shalt  }
0x44: {  	_ =	shalt  }
0x45: {  	_ =	shalt  }
0x46: {  	_ =	shalt  }
0x47: {  	_ =	shalt  }
0x48: {  	_ =	shalt  }
0x49: {  	_ =	shalt  }
0x4a: {  	_ =	shalt  }
0x4b: {  	_ =	shalt  }
0x4c: {  	_ =	shalt  }
0x4d: {  	_ =	shalt  }
0x4e: {  	_ =	shalt  }
0x4f: {  	_ =	shalt  }
0x50: {  	_ =	shalt  }
0x51: {  	_ =	shalt  }
0x52: {  	_ =	shalt  }
0x53: {  	_ =	shalt  }
0x54: {  	_ =	shalt  }
0x55: {  	_ =	shalt  }
0x56: {  	_ =	shalt  }
0x57: {  	_ =	shalt  }
0x58: {  	_ =	shalt  }
0x59: {  	_ =	shalt  }
0x5a: {  	_ =	shalt  }
0x5b: {  	_ =	shalt  }
0x5c: {  	_ =	shalt  }
0x5d: {  	_ =	shalt  }
0x5e: {  	_ =	shalt  }
0x5f: {  	_ =	shalt  }
0x60: {  	_ =	shalt  }
0x61: {  	_ =	shalt  }
0x62: {  	_ =	shalt  }
0x63: {  	_ =	shalt  }
0x64: {  	_ =	shalt  }
0x65: {  	_ =	shalt  }
0x66: {  	_ =	shalt  }
0x67: {  	_ =	shalt  }
0x68: {  	_ =	shalt  }
0x69: {  	_ =	shalt  }
0x6a: {  	_ =	shalt  }
0x6b: {  	_ =	shalt  }
0x6c: {  	_ =	shalt  }
0x6d: {  	_ =	shalt  }
0x6e: {  	_ =	shalt  }
0x6f: {  	_ =	shalt  }
0x70: {  	_ =	shalt  }
0x71: {  	_ =	shalt  }
0x72: {  	_ =	shalt  }
0x73: {  	_ =	shalt  }
0x74: {  	_ =	shalt  }
0x75: {  	_ =	shalt  }
0x76: {  	_ =	shalt  }
0x77: {  	_ =	shalt  }
0x78: {  	_ =	shalt  }
0x79: {  	_ =	shalt  }
0x7a: {  	_ =	shalt  }
0x7b: {  	_ =	shalt  }
0x7c: {  	_ =	shalt  }
0x7d: {  	_ =	shalt  }
0x7e: {  	_ =	shalt  }
0x7f: {  	_ =	shalt  }
0x80: {  	_ =	shalt  }
0x81: {  	_ =	shalt  }
0x82: {  	_ =	shalt  }
0x83: {  	_ =	shalt  }
0x84: {  	_ =	shalt  }
0x85: {  	_ =	shalt  }
0x86: {  	_ =	shalt  }
0x87: {  	_ =	shalt  }
.Lfunc_end0:
.L_simem_size_0:
called_computation.1_lowered:
.L_overlay_start_0:
0x88: {  	s2 =	sld [smem:$0x3FD9]  }
0x89: {  	s3 =	sld [smem:$0x3FFE];
	_ =	sdelay $0x1  }
0x8a: {  	s1 =	srdreg.scid  }
0x8b: {  	s0 =	sand.u32 $0x1, s1  }
0x8c: {  	s17 =	sshll.u32 s0, $0xA;
	s2 =	sadd.s32 s3, s2  }
0x8d: {  	s2 =	sadd.s32 s2, s17  }
0x8e: {  	[smem:$0x3FC2] =	sst s2  }
0x8f: {  	_ = 	snop  }
0x90: {  	s2 =	sld [smem:$0x3FD0];
	(tm) =	ssettm $0x1  }
0x91: {  	s18 =	sld [smem:$0x3FFB];
	_ =	sdelay $0x3  }
0x92: {  	_ =	strace s18  }
0x93: {  	s3 =	sld [smem:$0x3FFC];
	_ =	sdelay $0x3  }
0x94: {  	_ =	strace s3  }
0x95: {  	s3 =	sld [smem:$0x3FFD];
	_ =	sdelay $0x3  }
0x96: {  	_ =	strace s3  }
0x97: {  	_ =	strace $0x8FFFFFFF  }
0x98: {  	s19 =	sld [smem:$0x3FDB];
	_ =	sdelay $0x1  }
0x99: {  	s4 =	simm.s32 $_scs_section_size  }
0x9a: {  	s5 =	simm.s32 $_size__tile_overlayer_lowered;
	s6 =	simm.s32 $_tile_overlayer_lowered  }
0x9b: {  	s22 =	simm.s32 $0x1BFF;
	s21 =	sshll.u32 s6, $0x1;
	s3 =	sadd.s32 s4, s19  }
0x9c: {  	s7 =	simm.s32 $0x0;
	s20 =	sshll.u32 s5, $0x1;
	s5 =	sadd.s32 s21, s3  }
0x9d: {  	[timem:s7], [sflag:s22] =	dma.local [hbm:s5], s20  }
0x9e: {  	_ =	swait.ge [sflag:s22], s20  }
0x9f: {  	s4 =	ssub.s32 $0x0, s20;
	[sflag:s22] =	ssyncset.done $0x0  }
0xa0: {  	[sflag:s22] =	ssyncadd.s32 s4;
	_ =	sdelay $0x1  }
0xa1: {  	s23 =	simm.s32 $0x1B8B  }
0xa2: {  	_ =	swait.ge [sflag:s23], $0x1  }
0xa3: {  	[sflag:s23] =	ssyncset.done $0x0  }
0xa4: {  	s25 =	simm.s32 $0x1B8E;
	s24 =	sld [smem:$0x3FFE];
	[sflag:s23] =	ssyncadd.s32 $0xFFFFFFFF  }
0xa5: {  	s26 =	simm.s32 $execute0_lowered;
	[smem:$0x3FD2] =	sst s25  }
0xa6: {  	s5 =	sshll.u32 s26, $0x1;
	_ =	strace $0x80000049;
	[dreg:$0x1] =	wrdreg $0xFFFFFFFF  }
0xa7: {  	s28 =	simm.s32 $_size_execute0_lowered;
	s3 =	sadd.s32 s3, s5;
	[dreg:$0x0] =	wrdreg $0x0  }
0xa8: {  	s5 =	sshll.u32 s28, $0x1;
	[dreg:$0x2] =	wrdreg s3  }
0xa9: {  	[dreg:$0x3] =	wrdreg s5  }
0xaa: {  	[dreg:$0x4] =	wrdreg $0xC0  }
0xab: {  	_ =	task [dreg:s7], $0x5FFFF  }
0xac: {  	[dreg:$0x1] =	wrdreg $0xFFFFFFFF  }
0xad: {  	[dreg:$0x0] =	wrdreg $0x60  }
0xae: {  	[dreg:$0x2] =	wrdreg s2  }
0xaf: {  	[dreg:$0x3] =	wrdreg s24  }
0xb0: {  	[dreg:$0x4] =	wrdreg $0x0  }
0xb1: {  	[dreg:$0x5] =	wrdreg $0x9  }
0xb2: {  	_ =	task.clear_ibuf [dreg:s7], $0x6FFFF;
	_ =	strace $0x90000049  }
0xb3: {  	s29 =	simm.s32 $0x9;
	_ =	strace $0x8000004B  }
0xb4: {  	_ =	swait.ge [sflag:s29], $0x1  }
0xb5: {  	[sflag:s29] =	ssyncadd.s32 $0xFFFFFFFF  }
0xb6: {  	_ =	strace $0x9000004B  }
0xb7: {  	_ =	sfence  }
0xb8: {  	s30 =	sld [smem:$0x0];
	_ =	sdelay $0x2  }
0xb9: {  	s31 =	sshll.u32 s1, $0xD;
	s1 =	sshrl.u32 s1, $0x2  }
0xba: {  	s3 =	sand.u32 $0x4000, s31;
	s1 =	sadd.s32 s1, s30  }
0xbb: {  	s0 =	sor.u32 s3, s0;
	s1 =	sshll.u32 s1, $0x11  }
0xbc: {  	s0 =	sor.u32 s1, s0  }
0xbd: {  	s0 =	sadd.s32 $0x8F2B, s0  }
0xbe: {  	[sflag:s0] =	ssyncadd.remote.s32 $0x1  }
0xbf: {  	_ =	sfence.sel $0xFFFF  }
0xc0: {  	[dreg:$0x0] =	wrdreg $0xFFFFFFFF;
	(pc) =	sbr.abs _section_cstart, $3  }
0xc1: {  	[dreg:$0x1] =	wrdreg $0xFFFFFFFF  }
0xc2: {  	_ =	task.clear_ibuf [dreg:s7], $0x2FFFF;
	_ =	strace $0x9FFFFFFF  }
0xc3: {  	(tm) =	ssettm $0x7FFFFFFF  }
tec
execute0_lowered:
.L_overlay_start_1:
0x0: {  	(tag) =	ssettag $0x1  }
0x1: {  	s1 =	rddreg [dreg:$0x0]  }
0x2: {  	s0 =	rddreg [dreg:$0x1]  }
0x3: {  	s2 =	rddreg [dreg:$0x2];
	s3 =	srdreg.scid;
	s4 =	simm.s32 $0x0  }
0x4: {  	s10 =	stileid.u32;
	s28 =	simm.s32 $0x2;
	s29 =	simm.s32 $0x5  }
0x5: {  	s30 =	simm.s32 $0x14080;
	s31 =	simm.s32 $0x14300;
	s8 =	smul.u32 $0x50000, s10  }
0x6: {  	s3 =	sand.u32 $0x1, s3;
	[smem:$0x7FF] =	sst s4;
	s11 =	smul.u32 $0x14000, s10  }
0x7: {  	s6 =	sadd.s32 $0x2200, s0;
	s0 =	sadd.s32 $0x16200, s0;
	s18 =	smul.u32 $0x5000, s10  }
0x8: {  	s5 =	sshll.u32 s3, $0x4;
	_ =	strace $0x8000004A;
	s14 =	smul.u32 $0x140000, s3  }
0x9: {  	s7 =	ssub.s32 $0x2, s3;
	s3 =	smul.u32 $0x50000, s3;
	s5 =	sor.u32 s10, s5  }
0xa: {  	s9 =	sshrl.u32 s7, $0x1;
	s21 =	sshrl.u32 s8, $0x2;
	s23 =	sadd.s32 $0x4000, s11  }
0xb: {  	s24 =	sadd.s32 $0x8000, s11;
	s15 =	sadd.s32 $0xC000, s11;
	s16 =	sadd.s32 $0x10000, s11  }
0xc: {  	s5 =	smul.u32 $0x5000, s5;
	s12 =	ssub.s32 s7, s9;
	s9 =	sadd.s32 s21, s2  }
0xd: {  	s20 =	sadd.s32 s23, s2;
	s25 =	sadd.s32 s24, s2;
	s26 =	sadd.s32 s15, s2  }
0xe: {  	s17 =	sadd.s32 s11, s14;
	s8 =	sadd.s32 s16, s2;
	[dreg:$0x9] =	wrdreg s25  }
0xf: {  	s3 =	sadd.s32 s18, s3;
	s19 =	sadd.s32 s14, s15;
	[dreg:$0xa] =	wrdreg s26  }
0x10: {  	s21 =	sadd.s32 s14, s16;
	[dreg:$0xb] =	wrdreg s8;
	s17 =	sshrl.u32 s17, $0x3  }
0x11: {  	[dreg:$0x8] =	wrdreg s20;
	s5 =	sshrl.u32 s5, $0x3;
	s11 =	sadd.s32 s0, s17  }
0x12: {  	s25 =	sor.u32 $0x400, s3;
	s13 =	sadd.s32 s6, s5;
	[dreg:$0xc] =	wrdreg s11  }
0x13: {  	s26 =	sor.u32 $0x300, s3;
	s5 =	sadd.s32 s14, s23;
	[dreg:$0x6] =	wrdreg s13  }
0x14: {  	s22 =	sadd.s32 $0x20, s13;
	s13 =	sadd.s32 s14, s24;
	s5 =	sshrl.u32 s5, $0x3  }
0x15: {  	s24 =	smax.u32 s12, $0x1;
	s12 =	simm.s32 $0x14280;
	[dreg:$0x7] =	wrdreg s22  }
0x16: {  	s13 =	sshrl.u32 s13, $0x3;
	s5 =	sadd.s32 s0, s5;
	s22 =	sor.u32 $0x500, s3  }
0x17: {  	[dreg:$0x11] =	wrdreg s24;
	s3 =	sor.u32 $0x200, s3;
	s24 =	simm.s32 $0x14100  }
0x18: {  	[dreg:$0xd] =	wrdreg s5;
	s17 =	sadd.s32 s0, s13;
	s5 =	sshrl.u32 s19, $0x3  }
0x19: {  	s13 =	sshrl.u32 s21, $0x3;
	s14 =	sshrl.u32 s22, $0x3;
	s3 =	sshrl.u32 s3, $0x3  }
0x1a: {  	s21 =	simm.s32 $0x7;
	s22 =	simm.s32 $0x80;
	[dreg:$0xe] =	wrdreg s17  }
0x1b: {  	s5 =	sadd.s32 s0, s5;
	s0 =	sadd.s32 s0, s13;
	s23 =	sadd.s32 s14, s6  }
0x1c: {  	s19 =	sadd.s32 s3, s6;
	s3 =	simm.s32 $0x6;
	[dreg:$0xf] =	wrdreg s5  }
0x1d: {  	s13 =	simm.s32 $0x14380;
	s14 =	simm.s32 $0x0;
	[dreg:$0x10] =	wrdreg s0  }
0x1e: {  	[dreg:$0x4] =	wrdreg s23;
	s0 =	sshrl.u32 s25, $0x3;
	s5 =	sshrl.u32 s26, $0x3  }
0x1f: {  	s23 =	simm.s32 $0x14400;
	s25 =	simm.s32 $0x18400;
	s26 =	simm.s32 $0x14200  }
0x20: {  	s0 =	sadd.s32 s0, s6;
	s18 =	sadd.s32 s5, s6;
	s6 =	simm.s32 $0x14180  }
0x21: {  	v0 =	vimm.f32 $0.0e+00;
	s5 =	simm.s32 $0x4;
	[dreg:$0x5] =	wrdreg s0;
	s0 =	simm.s32 $0x3  }
.LBB2_1:
0x22: {  	s7 =	rddreg [dreg:$0x6];
	s8 =	simm.s32 $0x14000  }
0x23: {  	[tilespmem:s8], [sflag:$0x7] =	stream.linear.gather [hbm4b:s7+s4], $0x100, $0x38;
	[tilespmem:$0x1C400] =	vst v63  }
0x24: {  	_ =	swait.ge [sflag:s21], $0x100  }
0x25: {  	[sflag:s21] =	ssyncset.done $0x0  }
0x26: {  	[sflag:s21] =	ssyncadd.s32 $0xFFFFFF00  }
0x27: {  	[tilespmem:s23], [sflag:$0x5] =	stream.indirect.gather [hbm4b:s1+s22], $0x80, s8, s22, $0xb8;
	[tilespmem:$0x1C400] =	vst v63  }
0x28: {  	s15 =	simm.s32 $0x0;
	s16 =	simm.s32 $0x200;
	s17 =	rddreg [dreg:$0x7]  }
0x29: {  	[tilespmem:s24], [sflag:$0x2] =	stream.linear.gather [hbm4b:s17+s4], $0x100, $0x38;
	[tilespmem:$0x1C400] =	vst v63  }
.LBB2_2:
0x2a: {  	p0 =	sne.s32 s16, $0xFE00;
	[tilespmem:s15+$0x18470] =	vst v0  }
0x2b: {  	[tilespmem:s15+$0x18400] =	vst v0  }
0x2c: {  	[tilespmem:s15+$0x18410] =	vst v0  }
.Ltmp0:
0x2d: {  	[tilespmem:s15+$0x18420] =	vst v0;
	(pc) =	sbr.rel @p0 .LBB2_2-.Ltmp0, $4  }
0x2e: {  	[tilespmem:s15+$0x18430] =	vst v0  }
0x2f: {  	[tilespmem:s15+$0x18440] =	vst v0  }
0x30: {  	[tilespmem:s15+$0x18450] =	vst v0  }
0x31: {  	[tilespmem:s15+$0x18460] =	vst v0;
	s15 =	sshra.s32 s16, $0x2;
	s16 =	sadd.s32 $0x200, s16  }
0x32: {  	[tilespmem:s15+$0x18470] =	vst v0  }
0x33: {  	[tilespmem:s15+$0x18400] =	vst v0  }
0x34: {  	[tilespmem:s15+$0x18410] =	vst v0  }
0x35: {  	[tilespmem:s15+$0x18420] =	vst v0  }
0x36: {  	[tilespmem:s15+$0x18430] =	vst v0  }
0x37: {  	[tilespmem:s15+$0x18440] =	vst v0  }
0x38: {  	[tilespmem:s15+$0x18450] =	vst v0  }
0x39: {  	[tilespmem:s15+$0x18460] =	vst v0  }
0x3a: {  	[spmem:s9] =	stream.linear.scatter [tilespmem:s25], [sflag:$0x7], $0x4000, $0x38;
	[tilespmem:$0x1C400] =	vst v63  }
0x3b: {  	_ =	swait.ge [sflag:s21], $0x4000  }
0x3c: {  	[sflag:s21] =	ssyncset.done $0x0  }
0x3d: {  	[sflag:s21] =	ssyncadd.s32 $0xFFFFC000  }
0x3e: {  	[spmem:s20] =	stream.linear.scatter [tilespmem:s25], [sflag:$0x7], $0x4000, $0x38;
	[tilespmem:$0x1C400] =	vst v63  }
0x3f: {  	_ =	swait.ge [sflag:s21], $0x4000  }
0x40: {  	[sflag:s21] =	ssyncset.done $0x0  }
0x41: {  	s7 =	rddreg [dreg:$0x9];
	[sflag:s21] =	ssyncadd.s32 $0xFFFFC000  }
0x42: {  	[spmem:s7] =	stream.linear.scatter [tilespmem:s25], [sflag:$0x7], $0x4000, $0x38;
	[tilespmem:$0x1C400] =	vst v63  }
0x43: {  	_ =	swait.ge [sflag:s21], $0x4000  }
0x44: {  	[sflag:s21] =	ssyncset.done $0x0  }
0x45: {  	s15 =	rddreg [dreg:$0xa];
	[sflag:s21] =	ssyncadd.s32 $0xFFFFC000  }
0x46: {  	[spmem:s15] =	stream.linear.scatter [tilespmem:s25], [sflag:$0x7], $0x4000, $0x38;
	[tilespmem:$0x1C400] =	vst v63  }
0x47: {  	_ =	swait.ge [sflag:s21], $0x4000  }
0x48: {  	[sflag:s21] =	ssyncset.done $0x0  }
0x49: {  	s16 =	rddreg [dreg:$0xb];
	[sflag:s21] =	ssyncadd.s32 $0xFFFFC000  }
0x4a: {  	[spmem:s16] =	stream.linear.scatter [tilespmem:s25], [sflag:$0x7], $0x4000, $0x38;
	[tilespmem:$0x1C400] =	vst v63  }
0x4b: {  	_ =	swait.ge [sflag:s21], $0x4000  }
0x4c: {  	[sflag:s21] =	ssyncset.done $0x0  }
0x4d: {  	[sflag:s21] =	ssyncadd.s32 $0xFFFFC000  }
0x4e: {  	s17 =	sadd.s32 $0x0, s19;
	[bflag:$0x0] =	sbarrier.arrive $0xFFFF  }
0x4f: {  	[tilespmem:s26], [sflag:$0x3] =	stream.linear.gather [hbm4b:s17+s4], $0x100, $0x38;
	[tilespmem:$0x1C400] =	vst v63  }
0x50: {  	_ =	swait.ge [sflag:s28], $0x100  }
0x51: {  	[sflag:s28] =	ssyncset.done $0x0  }
0x52: {  	[sflag:s28] =	ssyncadd.s32 $0xFFFFFF00  }
0x53: {  	[tilespmem:s25], [sflag:$0x6] =	stream.indirect.gather [hbm4b:s1+s22], $0x80, s24, s22, $0xb8;
	[tilespmem:$0x1C400] =	vst v63  }
0x54: {  	_ =	swait.ge [sflag:s29], $0x4000  }
0x55: {  	[sflag:s29] =	ssyncset.done $0x0  }
0x56: {  	[sflag:s29] =	ssyncadd.s32 $0xFFFFC000  }
0x57: {  	[spmem:s2] =	stream.indirect.scatter.add.f32 [tilespmem:s23], [sflag:$0x7], $0x80, s30, s22, $0xb8;
	[tilespmem:$0x1C400] =	vst v63  }
0x58: {  	_ =	swait.ge [sflag:s21], $0x4000  }
0x59: {  	[sflag:s21] =	ssyncset.done $0x0  }
0x5a: {  	s20 =	sadd.s32 $0x0, s18;
	[sflag:s21] =	ssyncadd.s32 $0xFFFFC000  }
0x5b: {  	[tilespmem:s31], [sflag:$0x4] =	stream.linear.gather [hbm4b:s20+s4], $0x100, $0x38;
	[tilespmem:$0x1C400] =	vst v63  }
0x5c: {  	_ =	swait.ge [sflag:s0], $0x100  }
0x5d: {  	[sflag:s0] =	ssyncset.done $0x0  }
0x5e: {  	[sflag:s0] =	ssyncadd.s32 $0xFFFFFF00  }
0x5f: {  	[tilespmem:s23], [sflag:$0x5] =	stream.indirect.gather [hbm4b:s1+s22], $0x80, s26, s22, $0xb8;
	[tilespmem:$0x1C400] =	vst v63  }
0x60: {  	_ =	swait.ge [sflag:s3], $0x4000  }
0x61: {  	[sflag:s3] =	ssyncset.done $0x0  }
0x62: {  	[sflag:s3] =	ssyncadd.s32 $0xFFFFC000  }
0x63: {  	[spmem:s2] =	stream.indirect.scatter.add.f32 [tilespmem:s25], [sflag:$0x7], $0x80, s6, s22, $0xb8;
	[tilespmem:$0x1C400] =	vst v63  }
0x64: {  	p0 =	por $0x0, $0x0;
	_ =	swait.ge [sflag:s21], $0x4000  }
0x65: {  	s16 =	simm.s32 @!p0 $0x0;
	s15 =	rddreg [dreg:$0x5];
	[sflag:s21] =	ssyncset.done $0x0  }
0x66: {  	s17 =	simm.s32 @!p0 $0x14000;
	[sflag:s21] =	ssyncadd.s32 $0xFFFFC000;
	s15 =	sadd.s32 @!p0 $0x0, s15  }
0x67: {  	[tilespmem:s17], [sflag:$0x1] =	stream.linear.gather @!p0 [hbm4b:s15+s16], $0x100, $0x38;
	[tilespmem:$0x1C400] =	vst v63  }
0x68: {  	_ =	swait.ge [sflag:s5], $0x100  }
0x69: {  	[sflag:s5] =	ssyncset.done $0x0  }
0x6a: {  	[sflag:s5] =	ssyncadd.s32 $0xFFFFFF00  }
0x6b: {  	[tilespmem:s25], [sflag:$0x6] =	stream.indirect.gather [hbm4b:s1+s22], $0x80, s31, s22, $0xb8;
	[tilespmem:$0x1C400] =	vst v63  }
0x6c: {  	_ =	swait.ge [sflag:s29], $0x4000  }
0x6d: {  	[sflag:s29] =	ssyncset.done $0x0  }
0x6e: {  	[sflag:s29] =	ssyncadd.s32 $0xFFFFC000  }
0x6f: {  	[spmem:s2] =	stream.indirect.scatter.add.f32 [tilespmem:s23], [sflag:$0x7], $0x80, s12, s22, $0xb8;
	[tilespmem:$0x1C400] =	vst v63  }
0x70: {  	_ =	swait.ge [sflag:s21], $0x4000  }
0x71: {  	s15 =	rddreg [dreg:$0x4];
	[sflag:s21] =	ssyncset.done $0x0  }
0x72: {  	s20 =	simm.s32 @!p0 $0x14100;
	[sflag:s21] =	ssyncadd.s32 $0xFFFFC000;
	s15 =	sadd.s32 @!p0 $0x0, s15  }
0x73: {  	[tilespmem:s20], [sflag:$0x2] =	stream.linear.gather @!p0 [hbm4b:s15+s16], $0x100, $0x38;
	[tilespmem:$0x1C400] =	vst v63  }
0x74: {  	s15 =	simm.s32 @!p0 $0x1  }
0x75: {  	_ =	swait.ge @!p0 [sflag:s15], $0x100  }
0x76: {  	[sflag:s15] =	ssyncset.done @!p0 $0x0  }
0x77: {  	s16 =	simm.s32 @!p0 $0x80;
	[sflag:s15] =	ssyncadd.s32 @!p0 $0xFFFFFF00;
	s15 =	simm.s32 @!p0 $0x14400  }
0x78: {  	[tilespmem:s15], [sflag:$0x5] =	stream.indirect.gather @!p0 [hbm4b:s1+s16], $0x80, s17, s16, $0xb8;
	[tilespmem:$0x1C400] =	vst v63  }
0x79: {  	_ =	swait.ge [sflag:s3], $0x4000  }
0x7a: {  	[sflag:s3] =	ssyncset.done $0x0  }
0x7b: {  	s11 =	smov.u32 s9;
	[sflag:s3] =	ssyncadd.s32 $0xFFFFC000  }
0x7c: {  	[spmem:s2] =	stream.indirect.scatter.add.f32 [tilespmem:s25], [sflag:$0x7], $0x80, s13, s22, $0xb8;
	[tilespmem:$0x1C400] =	vst v63  }
0x7d: {  	s15 =	simm.s32 $0x80;
	s16 =	simm.s32 $0x100;
	_ =	swait.ge [sflag:s21], $0x4000  }
.LBB2_4:
0x7e: {  	[sflag:s21] =	ssyncset.done $0x0  }
0x7f: {  	s20 =	sadd.s32 s15, s19;
	[sflag:s21] =	ssyncadd.s32 $0xFFFFC000  }
0x80: {  	[tilespmem:s26], [sflag:$0x3] =	stream.linear.gather [hbm4b:s20+s4], $0x100, $0x38;
	[tilespmem:$0x1C400] =	vst v63  }
0x81: {  	_ =	swait.ge [sflag:s28], $0x100  }
0x82: {  	[sflag:s28] =	ssyncset.done $0x0  }
0x83: {  	[sflag:s28] =	ssyncadd.s32 $0xFFFFFF00  }
0x84: {  	[tilespmem:s25], [sflag:$0x6] =	stream.indirect.gather [hbm4b:s1+s22], $0x80, s24, s22, $0xb8;
	[tilespmem:$0x1C400] =	vst v63  }
0x85: {  	_ =	swait.ge [sflag:s29], $0x4000  }
0x86: {  	[sflag:s29] =	ssyncset.done $0x0  }
0x87: {  	[sflag:s29] =	ssyncadd.s32 $0xFFFFC000  }
0x88: {  	[spmem:s2] =	stream.indirect.scatter.add.f32 [tilespmem:s23], [sflag:$0x7], $0x80, s30, s22, $0xb8;
	[tilespmem:$0x1C400] =	vst v63  }
0x89: {  	_ =	swait.ge [sflag:s21], $0x4000  }
0x8a: {  	[sflag:s21] =	ssyncset.done $0x0  }
0x8b: {  	s10 =	sadd.s32 s15, s18;
	[sflag:s21] =	ssyncadd.s32 $0xFFFFC000  }
0x8c: {  	[tilespmem:s31], [sflag:$0x4] =	stream.linear.gather [hbm4b:s10+s4], $0x100, $0x38;
	[tilespmem:$0x1C400] =	vst v63  }
0x8d: {  	_ =	swait.ge [sflag:s0], $0x100  }
0x8e: {  	[sflag:s0] =	ssyncset.done $0x0  }
0x8f: {  	[sflag:s0] =	ssyncadd.s32 $0xFFFFFF00  }
0x90: {  	[tilespmem:s23], [sflag:$0x5] =	stream.indirect.gather [hbm4b:s1+s22], $0x80, s26, s22, $0xb8;
	[tilespmem:$0x1C400] =	vst v63  }
0x91: {  	_ =	swait.ge [sflag:s3], $0x4000  }
0x92: {  	[sflag:s3] =	ssyncset.done $0x0  }
0x93: {  	[sflag:s3] =	ssyncadd.s32 $0xFFFFC000  }
0x94: {  	[spmem:s2] =	stream.indirect.scatter.add.f32 [tilespmem:s25], [sflag:$0x7], $0x80, s6, s22, $0xb8;
	[tilespmem:$0x1C400] =	vst v63  }
0x95: {  	p1 =	seq.s32 s15, $0x980;
	_ =	swait.ge [sflag:s21], $0x4000  }
0x96: {  	s7 =	simm.s32 @!p1 $0x0;
	s20 =	rddreg [dreg:$0x5];
	[sflag:s21] =	ssyncset.done $0x0  }
0x97: {  	s8 =	simm.s32 @!p1 $0x14000;
	[sflag:s21] =	ssyncadd.s32 $0xFFFFC000;
	s20 =	sadd.s32 @!p1 s15, s20  }
0x98: {  	[tilespmem:s8], [sflag:$0x1] =	stream.linear.gather @!p1 [hbm4b:s20+s7], $0x100, $0x38;
	[tilespmem:$0x1C400] =	vst v63  }
0x99: {  	_ =	swait.ge [sflag:s5], $0x100  }
0x9a: {  	[sflag:s5] =	ssyncset.done $0x0  }
0x9b: {  	[sflag:s5] =	ssyncadd.s32 $0xFFFFFF00  }
0x9c: {  	[tilespmem:s25], [sflag:$0x6] =	stream.indirect.gather [hbm4b:s1+s22], $0x80, s31, s22, $0xb8;
	[tilespmem:$0x1C400] =	vst v63  }
0x9d: {  	_ =	swait.ge [sflag:s29], $0x4000  }
0x9e: {  	[sflag:s29] =	ssyncset.done $0x0  }
0x9f: {  	[sflag:s29] =	ssyncadd.s32 $0xFFFFC000  }
0xa0: {  	[spmem:s2] =	stream.indirect.scatter.add.f32 [tilespmem:s23], [sflag:$0x7], $0x80, s12, s22, $0xb8;
	[tilespmem:$0x1C400] =	vst v63  }
0xa1: {  	_ =	swait.ge [sflag:s21], $0x4000  }
0xa2: {  	s9 =	simm.s32 @!p1 $0x14100;
	[sflag:s21] =	ssyncset.done $0x0;
	s20 =	rddreg [dreg:$0x4]  }
0xa3: {  	s10 =	simm.s32 @!p1 $0x1;
	[sflag:s21] =	ssyncadd.s32 $0xFFFFC000;
	s20 =	sadd.s32 @!p1 s15, s20  }
0xa4: {  	[tilespmem:s9], [sflag:$0x2] =	stream.linear.gather @!p1 [hbm4b:s20+s7], $0x100, $0x38;
	[tilespmem:$0x1C400] =	vst v63  }
0xa5: {  	s17 =	smov.u32 s16;
	s16 =	sadd.s32 $0x80, s16;
	_ =	swait.ge @!p1 [sflag:s10], $0x100  }
0xa6: {  	p0 =	sne.s32 s16, $0xA00;
	[sflag:s10] =	ssyncset.done @!p1 $0x0  }
0xa7: {  	s7 =	simm.s32 @!p1 $0x80;
	s9 =	simm.s32 @!p1 $0x14400;
	[sflag:s10] =	ssyncadd.s32 @!p1 $0xFFFFFF00  }
0xa8: {  	[tilespmem:s9], [sflag:$0x5] =	stream.indirect.gather @!p1 [hbm4b:s1+s7], $0x80, s8, s7, $0xb8;
	[tilespmem:$0x1C400] =	vst v63  }
.Ltmp1:
0xa9: {  	_ =	swait.ge [sflag:s3], $0x4000;
	(pc) =	sbr.rel @p0 .LBB2_4-.Ltmp1, $4  }
0xaa: {  	[sflag:s3] =	ssyncset.done $0x0  }
0xab: {  	[sflag:s3] =	ssyncadd.s32 $0xFFFFC000  }
0xac: {  	[spmem:s2] =	stream.indirect.scatter.add.f32 [tilespmem:s25], [sflag:$0x7], $0x80, s13, s22, $0xb8;
	[tilespmem:$0x1C400] =	vst v63  }
0xad: {  	s15 =	smov.u32 s17;
	_ =	swait.ge [sflag:s21], $0x4000  }
0xae: {  	[sflag:s21] =	ssyncset.done $0x0  }
0xaf: {  	s7 =	sadd.s32 s15, s19;
	[sflag:s21] =	ssyncadd.s32 $0xFFFFC000  }
0xb0: {  	[tilespmem:s26], [sflag:$0x3] =	stream.linear.gather [hbm4b:s7+s4], $0x100, $0x38;
	[tilespmem:$0x1C400] =	vst v63  }
0xb1: {  	_ =	swait.ge [sflag:s28], $0x100  }
0xb2: {  	[sflag:s28] =	ssyncset.done $0x0  }
0xb3: {  	[sflag:s28] =	ssyncadd.s32 $0xFFFFFF00  }
0xb4: {  	[tilespmem:s25], [sflag:$0x6] =	stream.indirect.gather [hbm4b:s1+s22], $0x80, s24, s22, $0xb8;
	[tilespmem:$0x1C400] =	vst v63  }
0xb5: {  	_ =	swait.ge [sflag:s29], $0x4000  }
0xb6: {  	[sflag:s29] =	ssyncset.done $0x0  }
0xb7: {  	[sflag:s29] =	ssyncadd.s32 $0xFFFFC000  }
0xb8: {  	[spmem:s2] =	stream.indirect.scatter.add.f32 [tilespmem:s23], [sflag:$0x7], $0x80, s30, s22, $0xb8;
	[tilespmem:$0x1C400] =	vst v63  }
0xb9: {  	_ =	swait.ge [sflag:s21], $0x4000  }
0xba: {  	[sflag:s21] =	ssyncset.done $0x0  }
0xbb: {  	s10 =	sadd.s32 s15, s18;
	[sflag:s21] =	ssyncadd.s32 $0xFFFFC000  }
0xbc: {  	[tilespmem:s31], [sflag:$0x4] =	stream.linear.gather [hbm4b:s10+s4], $0x100, $0x38;
	[tilespmem:$0x1C400] =	vst v63  }
0xbd: {  	_ =	swait.ge [sflag:s0], $0x100  }
0xbe: {  	[sflag:s0] =	ssyncset.done $0x0  }
0xbf: {  	[sflag:s0] =	ssyncadd.s32 $0xFFFFFF00  }
0xc0: {  	[tilespmem:s23], [sflag:$0x5] =	stream.indirect.gather [hbm4b:s1+s22], $0x80, s26, s22, $0xb8;
	[tilespmem:$0x1C400] =	vst v63  }
0xc1: {  	_ =	swait.ge [sflag:s3], $0x4000  }
0xc2: {  	[sflag:s3] =	ssyncset.done $0x0  }
0xc3: {  	[sflag:s3] =	ssyncadd.s32 $0xFFFFC000  }
0xc4: {  	[spmem:s2] =	stream.indirect.scatter.add.f32 [tilespmem:s25], [sflag:$0x7], $0x80, s6, s22, $0xb8;
	[tilespmem:$0x1C400] =	vst v63  }
0xc5: {  	p0 =	seq.s32 s15, $0x980;
	_ =	swait.ge [sflag:s21], $0x4000  }
0xc6: {  	s8 =	simm.s32 @!p0 $0x0;
	s7 =	rddreg [dreg:$0x5];
	[sflag:s21] =	ssyncset.done $0x0  }
0xc7: {  	s9 =	simm.s32 @!p0 $0x14000;
	[sflag:s21] =	ssyncadd.s32 $0xFFFFC000;
	s7 =	sadd.s32 @!p0 s15, s7  }
0xc8: {  	[tilespmem:s9], [sflag:$0x1] =	stream.linear.gather @!p0 [hbm4b:s7+s8], $0x100, $0x38;
	[tilespmem:$0x1C400] =	vst v63  }
0xc9: {  	_ =	swait.ge [sflag:s5], $0x100  }
0xca: {  	[sflag:s5] =	ssyncset.done $0x0  }
0xcb: {  	[sflag:s5] =	ssyncadd.s32 $0xFFFFFF00  }
0xcc: {  	[tilespmem:s25], [sflag:$0x6] =	stream.indirect.gather [hbm4b:s1+s22], $0x80, s31, s22, $0xb8;
	[tilespmem:$0x1C400] =	vst v63  }
0xcd: {  	_ =	swait.ge [sflag:s29], $0x4000  }
0xce: {  	[sflag:s29] =	ssyncset.done $0x0  }
0xcf: {  	[sflag:s29] =	ssyncadd.s32 $0xFFFFC000  }
0xd0: {  	[spmem:s2] =	stream.indirect.scatter.add.f32 [tilespmem:s23], [sflag:$0x7], $0x80, s12, s22, $0xb8;
	[tilespmem:$0x1C400] =	vst v63  }
0xd1: {  	_ =	swait.ge [sflag:s21], $0x4000  }
0xd2: {  	s7 =	rddreg [dreg:$0x4];
	[sflag:s21] =	ssyncset.done $0x0  }
0xd3: {  	s10 =	simm.s32 @!p0 $0x14100;
	[sflag:s21] =	ssyncadd.s32 $0xFFFFC000;
	s7 =	sadd.s32 @!p0 s15, s7  }
0xd4: {  	[tilespmem:s10], [sflag:$0x2] =	stream.linear.gather @!p0 [hbm4b:s7+s8], $0x100, $0x38;
	[tilespmem:$0x1C400] =	vst v63  }
0xd5: {  	s7 =	simm.s32 @!p0 $0x1  }
0xd6: {  	_ =	swait.ge @!p0 [sflag:s7], $0x100  }
0xd7: {  	[sflag:s7] =	ssyncset.done @!p0 $0x0  }
0xd8: {  	s8 =	simm.s32 @!p0 $0x80;
	[sflag:s7] =	ssyncadd.s32 @!p0 $0xFFFFFF00;
	s7 =	simm.s32 @!p0 $0x14400  }
0xd9: {  	[tilespmem:s7], [sflag:$0x5] =	stream.indirect.gather @!p0 [hbm4b:s1+s8], $0x80, s9, s8, $0xb8;
	[tilespmem:$0x1C400] =	vst v63  }
0xda: {  	_ =	swait.ge [sflag:s3], $0x4000  }
0xdb: {  	[sflag:s3] =	ssyncset.done $0x0  }
0xdc: {  	[sflag:s3] =	ssyncadd.s32 $0xFFFFC000  }
0xdd: {  	[spmem:s2] =	stream.indirect.scatter.add.f32 [tilespmem:s25], [sflag:$0x7], $0x80, s13, s22, $0xb8;
	[tilespmem:$0x1C400] =	vst v63  }
0xde: {  	_ =	swait.ge [sflag:s21], $0x4000  }
0xdf: {  	[sflag:s21] =	ssyncset.done $0x0  }
0xe0: {  	s16 =	stileid.u32;
	[sflag:s21] =	ssyncadd.s32 $0xFFFFC000  }
0xe1: {  	s7 =	sshll.u32 s16, $0x6;
	[bflag:$0x0] =	sbarrier.arrive $0xFFFF  }
0xe2: {  	s17 =	sshrl.u32 s11, $0x3;
	s7 =	sor.u32 $0x1C07, s7;
	s20 =	rddreg [dreg:$0xc]  }
0xe3: {  	[hbm:s20], [sflag:s7] =	dma.local [spmem:s17], $0x800  }
0xe4: {  	_ =	swait.ge [sflag:s21], $0x800  }
0xe5: {  	s9 =	smov.u32 s11;
	[sflag:s21] =	ssyncset.done $0x0;
	s20 =	rddreg [dreg:$0x8]  }
0xe6: {  	s15 =	rddreg [dreg:$0xd];
	[sflag:s21] =	ssyncadd.s32 $0xFFFFF800;
	s11 =	sshrl.u32 s20, $0x3  }
0xe7: {  	[hbm:s15], [sflag:s7] =	dma.local [spmem:s11], $0x800  }
0xe8: {  	_ =	swait.ge [sflag:s21], $0x800  }
0xe9: {  	[sflag:s21] =	ssyncset.done $0x0;
	s16 =	rddreg [dreg:$0x9]  }
0xea: {  	s17 =	rddreg [dreg:$0xe];
	[sflag:s21] =	ssyncadd.s32 $0xFFFFF800;
	s8 =	sshrl.u32 s16, $0x3  }
0xeb: {  	[hbm:s17], [sflag:s7] =	dma.local [spmem:s8], $0x800  }
0xec: {  	_ =	swait.ge [sflag:s21], $0x800  }
0xed: {  	[sflag:s21] =	ssyncset.done $0x0;
	s10 =	rddreg [dreg:$0xa]  }
0xee: {  	s11 =	rddreg [dreg:$0xf];
	[sflag:s21] =	ssyncadd.s32 $0xFFFFF800;
	s8 =	sshrl.u32 s10, $0x3  }
0xef: {  	[hbm:s11], [sflag:s7] =	dma.local [spmem:s8], $0x800  }
0xf0: {  	_ =	swait.ge [sflag:s21], $0x800  }
0xf1: {  	[sflag:s21] =	ssyncset.done $0x0;
	s15 =	rddreg [dreg:$0xb]  }
0xf2: {  	s16 =	rddreg [dreg:$0x10];
	[sflag:s21] =	ssyncadd.s32 $0xFFFFF800;
	s8 =	sshrl.u32 s15, $0x3  }
0xf3: {  	[hbm:s16], [sflag:s7] =	dma.local [spmem:s8], $0x800  }
0xf4: {  	_ =	swait.ge [sflag:s21], $0x800  }
0xf5: {  	s14 =	sadd.s32 $0x1, s14;
	s17 =	rddreg [dreg:$0x11]  }
0xf6: {  	p0 =	sne.s32 s14, s17  }
.Ltmp2:
0xf7: {  	_ = 	snop;
	(pc) =	sbr.rel @p0 .LBB2_1-.Ltmp2, $3  }
0xf8: {  	_ =	sdelay $0x1  }
0xf9: {  	[sflag:s21] =	ssyncset.done $0x0  }
0xfa: {  	[sflag:s21] =	ssyncadd.s32 $0xFFFFF800  }
0xfb: {  	_ =	sfence.sel $0x180000  }
0xfc: {  	[bflag:$0x0] =	sbarrier.arrive $0xFFFF  }
0xfd: {  	_ =	strace $0x9000004A  }
0xfe: {  	s0 =	stileid.u32;
	[bflag:$0x2] =	sbarrier.arrive $0xFFFF  }
0xff: {  	p0 =	sne.s32 s0, $0x0;
	s0 =	rddreg [dreg:$0x3]  }
0x100: {  	s0 =	sadd.s32 @!p0 $0x100000, s0  }
0x101: {  	[sflag:s0] =	ssyncadd.tile.s32 @!p0 $0x1;
	_ =	shalt  }
.Lfunc_end2:
_tile_overlayer_lowered:
.L_overlay_start_2:
0x102: {  	(tag) =	ssettag $0x2  }
0x103: {  	s0 =	rddreg [dreg:$0x0];
	s2 =	stileid.u32  }
0x104: {  	s1 =	rddreg [dreg:$0x1];
	p0 =	sne.s32 s2, $0x0  }
0x105: {  	s3 =	rddreg [dreg:$0x2];
	[bflag:$0x3] =	sbarrier.arrive $0xFFFF;
	s2 =	simm.s32 @!p0 $0x1C07  }
0x106: {  	[timem:s3], [sflag:s2] =	dma.local @!p0 [hbm:s0], s1  }
0x107: {  	s0 =	simm.s32 @!p0 $0x7  }
0x108: {  	_ =	swait.ge @!p0 [sflag:s0], s1  }
0x109: {  	s1 =	ssub.s32 @!p0 $0x0, s1;
	[sflag:s0] =	ssyncset.done @!p0 $0x0  }
0x10a: {  	[sflag:s0] =	ssyncadd.s32 @!p0 s1  }
0x10b: {  	[bflag:$0x3] =	sbarrier.arrive $0xFFFF  }
0x10c: {  	_ =	shalt  }

// kernel: kernel.14.cloned.1.call-start
scs
__scs_entry_jumppad:
0x0: {  	(pc) =	sbr.rel $0x88, $3  }
0x1: {  	(tag) =	ssettag $0x0;
	lr =	simm.s32 $0x1  }
0x2: {  	[smem:$0x3F9B] =	sst lr;
	_ =	strace $0xD0000000  }
0x3: {  	_ = 	snop  }
0x4: {  	_ = 	snop  }
0x5: {  	_ = 	snop  }
0x6: {  	_ = 	snop  }
0x7: {  	_ = 	snop  }
__scs_overlays_trampoline_lowered:
0x8: {  	[smem:$0x3FAA] =	sst s0  }
0x9: {  	[smem:$0x3FAB] =	sst s1  }
0xa: {  	[smem:$0x3FAC] =	sst s2  }
0xb: {  	[smem:$0x3FAD] =	sst s3  }
0xc: {  	[smem:$0x3FAE] =	sst s4  }
0xd: {  	[smem:$0x3FAF] =	sst s5  }
0xe: {  	[smem:$0x3FB0] =	sst s6  }
0xf: {  	[smem:$0x3FB1] =	sst s7  }
0x10: {  	[smem:$0x3FB2] =	sst s8  }
0x11: {  	[smem:$0x3FB3] =	sst s9;
	s0 =	simm.s32 @!p0 $0x0  }
0x12: {  	s1 =	sld [smem:$0x3F99];
	s0 =	simm.s32 @p0 $0x1  }
0x13: {  	[smem:$0x3FB4] =	sst s0;
	s0 =	simm.s32 @!p1 $0x0  }
0x14: {  	s2 =	sld [smem:$0x3F98];
	s0 =	simm.s32 @p1 $0x1  }
0x15: {  	[smem:$0x3FB5] =	sst s0;
	s0 =	simm.s32 @!p2 $0x0  }
0x16: {  	s3 =	sld [smem:$0x3FDB];
	s0 =	simm.s32 @p2 $0x1  }
0x17: {  	s4 =	simm.s32 $0x1BF5;
	[smem:$0x3FB7] =	sst s0  }
0x18: {  	s0 =	sld [smem:$0x3F9A];
	_ =	swait.ge [sflag:s4], $0x0  }
0x19: {  	s7 =	sld [smem:$0x3F9B]  }
0x1a: {  	s8 =	sadd.s32 $0xFFFFE003, lr  }
0x1b: {  	s9 =	sadd.s32 $0xFFFFFEF7, lr;
	s5 =	simm.s32 $0xFFFFFFFF;
	p2 =	slt.u32 s8, $0xFFFFF086  }
0x1c: {  	p1 =	slt.u32 s9, $0xF7A;
	s5 =	simm.s32 @!p2 $0x0  }
0x1d: {  	s5 =	simm.s32 @p1 $0x1;
	p0 =	seq.s32 s7, s2  }
0x1e: {  	s7 =	smul.u32 @!p0 $0xF7A, s2;
	p2 =	seq.s32 @!p0 s5, $0x0  }
0x1f: {  	s9 =	smul.u32 $0xF7A, s1;
	s8 =	simm.s32 @!p0 $0x1BF5;
	p2 =	por !p2, p0  }
0x20: {  	[sflag:s8] =	ssyncset.s32 @!p0 $0xFFFFF086;
	s6 =	sadd.s32 @!p0 s3, s7;
	s7 =	simm.s32 @!p0 $0x108  }
0x21: {  	s3 =	sadd.s32 s3, s9;
	s6 =	sadd.s32 @!p0 $0x88, s6;
	s7 =	simm.s32 @p2 $0x1082  }
0x22: {  	[simem:s7], [sflag:s8] =	dma.local @!p0 [hbm:s6], $0xF7A  }
0x23: {  	s9 =	sor.u32 $0xD0000000, s2;
	s6 =	simm.s32 $0x108;
	_ =	swait.ge @!p0 [sflag:s8], $0x0  }
0x24: {  	s3 =	sadd.s32 $0x88, s3;
	s6 =	simm.s32 @!p1 $0x1082;
	[sflag:s4] =	ssyncset.s32 $0xFFFFF086  }
0x25: {  	[simem:s6], [sflag:s4] =	dma.local [hbm:s3], $0xF7A  }
0x26: {  	[smem:$0x3F9B] =	sst s1;
	(tag) =	ssettag s2;
	_ =	strace s9  }
0x27: {  	s1 =	sld [smem:$0x3FAB]  }
0x28: {  	s2 =	sld [smem:$0x3FAC]  }
0x29: {  	s4 =	sld [smem:$0x3FAE]  }
0x2a: {  	p0 =	seq.s32 s5, $0x0;
	s5 =	sld [smem:$0x3FAF]  }
0x2b: {  	s6 =	sld [smem:$0x3FB0]  }
0x2c: {  	s7 =	sld [smem:$0x3FB1]  }
0x2d: {  	s3 =	simm.s32 $0x108;
	s8 =	sld [smem:$0x3FB2]  }
0x2e: {  	s3 =	simm.s32 @!p0 $0x1082;
	s9 =	sld [smem:$0x3FB3]  }
0x2f: {  	lr =	sadd.s32 s0, s3;
	s0 =	sld [smem:$0x3FAA]  }
0x30: {  	s3 =	sld [smem:$0x3FAD]  }
0x31: {  	[smem:$0x3FB6] =	sst s10  }
0x32: {  	s10 =	sld [smem:$0x3FB4];
	_ =	sdelay $0x3  }
0x33: {  	p0 =	seq.s32 s10, $0x1;
	s10 =	sld [smem:$0x3FB6];
	_ =	sdelay $0x3  }
0x34: {  	[smem:$0x3FB6] =	sst s10  }
0x35: {  	s10 =	sld [smem:$0x3FB5];
	_ =	sdelay $0x3  }
0x36: {  	p1 =	seq.s32 s10, $0x1;
	s10 =	sld [smem:$0x3FB6];
	_ =	sdelay $0x3  }
0x37: {  	[smem:$0x3FB6] =	sst s10  }
0x38: {  	s10 =	sld [smem:$0x3FB7]  }
0x39: {  	_ = 	snop;
	(pc) =	sbr.ind lr, $3  }
0x3a: {  	_ = 	snop  }
0x3b: {  	_ = 	snop  }
0x3c: {  	p2 =	seq.s32 s10, $0x1;
	s10 =	sld [smem:$0x3FB6]  }
0x3d: {  	_ =	shalt  }
0x3e: {  	_ =	shalt  }
0x3f: {  	_ =	shalt  }
0x40: {  	_ =	shalt  }
0x41: {  	_ =	shalt  }
0x42: {  	_ =	shalt  }
0x43: {  	_ =	shalt  }
0x44: {  	_ =	shalt  }
0x45: {  	_ =	shalt  }
0x46: {  	_ =	shalt  }
0x47: {  	_ =	shalt  }
0x48: {  	_ =	shalt  }
0x49: {  	_ =	shalt  }
0x4a: {  	_ =	shalt  }
0x4b: {  	_ =	shalt  }
0x4c: {  	_ =	shalt  }
0x4d: {  	_ =	shalt  }
0x4e: {  	_ =	shalt  }
0x4f: {  	_ =	shalt  }
0x50: {  	_ =	shalt  }
0x51: {  	_ =	shalt  }
0x52: {  	_ =	shalt  }
0x53: {  	_ =	shalt  }
0x54: {  	_ =	shalt  }
0x55: {  	_ =	shalt  }
0x56: {  	_ =	shalt  }
0x57: {  	_ =	shalt  }
0x58: {  	_ =	shalt  }
0x59: {  	_ =	shalt  }
0x5a: {  	_ =	shalt  }
0x5b: {  	_ =	shalt  }
0x5c: {  	_ =	shalt  }
0x5d: {  	_ =	shalt  }
0x5e: {  	_ =	shalt  }
0x5f: {  	_ =	shalt  }
0x60: {  	_ =	shalt  }
0x61: {  	_ =	shalt  }
0x62: {  	_ =	shalt  }
0x63: {  	_ =	shalt  }
0x64: {  	_ =	shalt  }
0x65: {  	_ =	shalt  }
0x66: {  	_ =	shalt  }
0x67: {  	_ =	shalt  }
0x68: {  	_ =	shalt  }
0x69: {  	_ =	shalt  }
0x6a: {  	_ =	shalt  }
0x6b: {  	_ =	shalt  }
0x6c: {  	_ =	shalt  }
0x6d: {  	_ =	shalt  }
0x6e: {  	_ =	shalt  }
0x6f: {  	_ =	shalt  }
0x70: {  	_ =	shalt  }
0x71: {  	_ =	shalt  }
0x72: {  	_ =	shalt  }
0x73: {  	_ =	shalt  }
0x74: {  	_ =	shalt  }
0x75: {  	_ =	shalt  }
0x76: {  	_ =	shalt  }
0x77: {  	_ =	shalt  }
0x78: {  	_ =	shalt  }
0x79: {  	_ =	shalt  }
0x7a: {  	_ =	shalt  }
0x7b: {  	_ =	shalt  }
0x7c: {  	_ =	shalt  }
0x7d: {  	_ =	shalt  }
0x7e: {  	_ =	shalt  }
0x7f: {  	_ =	shalt  }
0x80: {  	_ =	shalt  }
0x81: {  	_ =	shalt  }
0x82: {  	_ =	shalt  }
0x83: {  	_ =	shalt  }
0x84: {  	_ =	shalt  }
0x85: {  	_ =	shalt  }
0x86: {  	_ =	shalt  }
0x87: {  	_ =	shalt  }
.Lfunc_end0:
.L_simem_size_0:
called_computation.2_lowered:
.L_overlay_start_0:
0x88: {  	s2 =	sld [smem:$0x3FD9]  }
0x89: {  	s3 =	sld [smem:$0x3FFE];
	_ =	sdelay $0x1  }
0x8a: {  	s1 =	srdreg.scid  }
0x8b: {  	s0 =	sand.u32 $0x1, s1  }
0x8c: {  	s17 =	sshll.u32 s0, $0xA;
	s2 =	sadd.s32 s3, s2  }
0x8d: {  	s2 =	sadd.s32 s2, s17  }
0x8e: {  	[smem:$0x3FC2] =	sst s2  }
0x8f: {  	_ = 	snop  }
0x90: {  	s2 =	sld [smem:$0x3FD0];
	(tm) =	ssettm $0x1  }
0x91: {  	s18 =	sld [smem:$0x3FFB];
	_ =	sdelay $0x3  }
0x92: {  	_ =	strace s18  }
0x93: {  	s3 =	sld [smem:$0x3FFC];
	_ =	sdelay $0x3  }
0x94: {  	_ =	strace s3  }
0x95: {  	s3 =	sld [smem:$0x3FFD];
	_ =	sdelay $0x3  }
0x96: {  	_ =	strace s3  }
0x97: {  	_ =	strace $0x8FFFFFFF  }
0x98: {  	s19 =	sld [smem:$0x3FDB];
	_ =	sdelay $0x1  }
0x99: {  	s4 =	simm.s32 $_scs_section_size  }
0x9a: {  	s5 =	simm.s32 $_size__tile_overlayer_lowered;
	s6 =	simm.s32 $_tile_overlayer_lowered  }
0x9b: {  	s22 =	simm.s32 $0x1BFF;
	s21 =	sshll.u32 s6, $0x1;
	s3 =	sadd.s32 s4, s19  }
0x9c: {  	s7 =	simm.s32 $0x0;
	s20 =	sshll.u32 s5, $0x1;
	s5 =	sadd.s32 s21, s3  }
0x9d: {  	[timem:s7], [sflag:s22] =	dma.local [hbm:s5], s20  }
0x9e: {  	_ =	swait.ge [sflag:s22], s20  }
0x9f: {  	s4 =	ssub.s32 $0x0, s20;
	[sflag:s22] =	ssyncset.done $0x0  }
0xa0: {  	[sflag:s22] =	ssyncadd.s32 s4;
	_ =	sdelay $0x1  }
0xa1: {  	s23 =	simm.s32 $0x1B8B  }
0xa2: {  	_ =	swait.ge [sflag:s23], $0x1  }
0xa3: {  	[sflag:s23] =	ssyncset.done $0x0  }
0xa4: {  	s25 =	simm.s32 $0x1B8E;
	s24 =	sld [smem:$0x3FFE];
	[sflag:s23] =	ssyncadd.s32 $0xFFFFFFFF  }
0xa5: {  	s26 =	simm.s32 $execute0_lowered;
	[smem:$0x3FD2] =	sst s25  }
0xa6: {  	s5 =	sshll.u32 s26, $0x1;
	_ =	strace $0x8000004C;
	[dreg:$0x1] =	wrdreg $0xFFFFFFFF  }
0xa7: {  	s28 =	simm.s32 $_size_execute0_lowered;
	s3 =	sadd.s32 s3, s5;
	[dreg:$0x0] =	wrdreg $0x0  }
0xa8: {  	s5 =	sshll.u32 s28, $0x1;
	[dreg:$0x2] =	wrdreg s3  }
0xa9: {  	[dreg:$0x3] =	wrdreg s5  }
0xaa: {  	[dreg:$0x4] =	wrdreg $0xC0  }
0xab: {  	_ =	task [dreg:s7], $0x5FFFF  }
0xac: {  	[dreg:$0x1] =	wrdreg $0xFFFFFFFF  }
0xad: {  	[dreg:$0x0] =	wrdreg $0x60  }
0xae: {  	[dreg:$0x2] =	wrdreg s2  }
0xaf: {  	[dreg:$0x3] =	wrdreg s24  }
0xb0: {  	[dreg:$0x4] =	wrdreg $0x0  }
0xb1: {  	[dreg:$0x5] =	wrdreg $0x9  }
0xb2: {  	_ =	task.clear_ibuf [dreg:s7], $0x6FFFF;
	_ =	strace $0x9000004C  }
0xb3: {  	s29 =	simm.s32 $0x9;
	_ =	strace $0x8000004E  }
0xb4: {  	_ =	swait.ge [sflag:s29], $0x1  }
0xb5: {  	[sflag:s29] =	ssyncadd.s32 $0xFFFFFFFF  }
0xb6: {  	_ =	strace $0x9000004E  }
0xb7: {  	_ =	sfence  }
0xb8: {  	s30 =	sld [smem:$0x0];
	_ =	sdelay $0x2  }
0xb9: {  	s31 =	sshll.u32 s1, $0xD;
	s1 =	sshrl.u32 s1, $0x2  }
0xba: {  	s3 =	sand.u32 $0x4000, s31;
	s1 =	sadd.s32 s1, s30  }
0xbb: {  	s0 =	sor.u32 s3, s0;
	s1 =	sshll.u32 s1, $0x11  }
0xbc: {  	s0 =	sor.u32 s1, s0  }
0xbd: {  	s0 =	sadd.s32 $0x8F2B, s0  }
0xbe: {  	[sflag:s0] =	ssyncadd.remote.s32 $0x1  }
0xbf: {  	_ =	sfence.sel $0xFFFF  }
0xc0: {  	[dreg:$0x0] =	wrdreg $0xFFFFFFFF;
	(pc) =	sbr.abs _section_cstart, $3  }
0xc1: {  	[dreg:$0x1] =	wrdreg $0xFFFFFFFF  }
0xc2: {  	_ =	task.clear_ibuf [dreg:s7], $0x2FFFF;
	_ =	strace $0x9FFFFFFF  }
0xc3: {  	(tm) =	ssettm $0x7FFFFFFF  }
tec
execute0_lowered:
.L_overlay_start_1:
0x0: {  	(tag) =	ssettag $0x1  }
0x1: {  	s1 =	rddreg [dreg:$0x0]  }
0x2: {  	s0 =	rddreg [dreg:$0x1]  }
0x3: {  	s2 =	rddreg [dreg:$0x2];
	s3 =	srdreg.scid;
	s4 =	simm.s32 $0x0  }
0x4: {  	s10 =	stileid.u32;
	s28 =	simm.s32 $0x2;
	s29 =	simm.s32 $0x5  }
0x5: {  	s30 =	simm.s32 $0x14080;
	s31 =	simm.s32 $0x14300;
	s8 =	smul.u32 $0x50000, s10  }
0x6: {  	s3 =	sand.u32 $0x1, s3;
	[smem:$0x7FF] =	sst s4;
	s11 =	smul.u32 $0x14000, s10  }
0x7: {  	s6 =	sadd.s32 $0x2200, s0;
	s0 =	sadd.s32 $0x16200, s0;
	s18 =	smul.u32 $0x5000, s10  }
0x8: {  	s5 =	sshll.u32 s3, $0x4;
	_ =	strace $0x8000004D;
	s14 =	smul.u32 $0x140000, s3  }
0x9: {  	s7 =	ssub.s32 $0x2, s3;
	s3 =	smul.u32 $0x50000, s3;
	s5 =	sor.u32 s10, s5  }
0xa: {  	s9 =	sshrl.u32 s7, $0x1;
	s21 =	sshrl.u32 s8, $0x2;
	s23 =	sadd.s32 $0x4000, s11  }
0xb: {  	s24 =	sadd.s32 $0x8000, s11;
	s15 =	sadd.s32 $0xC000, s11;
	s16 =	sadd.s32 $0x10000, s11  }
0xc: {  	s5 =	smul.u32 $0x5000, s5;
	s12 =	ssub.s32 s7, s9;
	s9 =	sadd.s32 s21, s2  }
0xd: {  	s20 =	sadd.s32 s23, s2;
	s25 =	sadd.s32 s24, s2;
	s26 =	sadd.s32 s15, s2  }
0xe: {  	s17 =	sadd.s32 s11, s14;
	s8 =	sadd.s32 s16, s2;
	[dreg:$0x9] =	wrdreg s25  }
0xf: {  	s3 =	sadd.s32 s18, s3;
	s19 =	sadd.s32 s14, s15;
	[dreg:$0xa] =	wrdreg s26  }
0x10: {  	s21 =	sadd.s32 s14, s16;
	[dreg:$0xb] =	wrdreg s8;
	s17 =	sshrl.u32 s17, $0x3  }
0x11: {  	[dreg:$0x8] =	wrdreg s20;
	s5 =	sshrl.u32 s5, $0x3;
	s11 =	sadd.s32 s0, s17  }
0x12: {  	s25 =	sor.u32 $0x400, s3;
	s13 =	sadd.s32 s6, s5;
	[dreg:$0xc] =	wrdreg s11  }
0x13: {  	s26 =	sor.u32 $0x300, s3;
	s5 =	sadd.s32 s14, s23;
	[dreg:$0x6] =	wrdreg s13  }
0x14: {  	s22 =	sadd.s32 $0x20, s13;
	s13 =	sadd.s32 s14, s24;
	s5 =	sshrl.u32 s5, $0x3  }
0x15: {  	s24 =	smax.u32 s12, $0x1;
	s12 =	simm.s32 $0x14280;
	[dreg:$0x7] =	wrdreg s22  }
0x16: {  	s13 =	sshrl.u32 s13, $0x3;
	s5 =	sadd.s32 s0, s5;
	s22 =	sor.u32 $0x500, s3  }
0x17: {  	[dreg:$0x11] =	wrdreg s24;
	s3 =	sor.u32 $0x200, s3;
	s24 =	simm.s32 $0x14100  }
0x18: {  	[dreg:$0xd] =	wrdreg s5;
	s17 =	sadd.s32 s0, s13;
	s5 =	sshrl.u32 s19, $0x3  }
0x19: {  	s13 =	sshrl.u32 s21, $0x3;
	s14 =	sshrl.u32 s22, $0x3;
	s3 =	sshrl.u32 s3, $0x3  }
0x1a: {  	s21 =	simm.s32 $0x7;
	s22 =	simm.s32 $0x80;
	[dreg:$0xe] =	wrdreg s17  }
0x1b: {  	s5 =	sadd.s32 s0, s5;
	s0 =	sadd.s32 s0, s13;
	s23 =	sadd.s32 s14, s6  }
0x1c: {  	s19 =	sadd.s32 s3, s6;
	s3 =	simm.s32 $0x6;
	[dreg:$0xf] =	wrdreg s5  }
0x1d: {  	s13 =	simm.s32 $0x14380;
	s14 =	simm.s32 $0x0;
	[dreg:$0x10] =	wrdreg s0  }
0x1e: {  	[dreg:$0x4] =	wrdreg s23;
	s0 =	sshrl.u32 s25, $0x3;
	s5 =	sshrl.u32 s26, $0x3  }
0x1f: {  	s23 =	simm.s32 $0x14400;
	s25 =	simm.s32 $0x18400;
	s26 =	simm.s32 $0x14200  }
0x20: {  	s0 =	sadd.s32 s0, s6;
	s18 =	sadd.s32 s5, s6;
	s6 =	simm.s32 $0x14180  }
0x21: {  	v0 =	vimm.f32 $0.0e+00;
	s5 =	simm.s32 $0x4;
	[dreg:$0x5] =	wrdreg s0;
	s0 =	simm.s32 $0x3  }
.LBB2_1:
0x22: {  	s7 =	rddreg [dreg:$0x6];
	s8 =	simm.s32 $0x14000  }
0x23: {  	[tilespmem:s8], [sflag:$0x7] =	stream.linear.gather [hbm4b:s7+s4], $0x100, $0x38;
	[tilespmem:$0x1C400] =	vst v63  }
0x24: {  	_ =	swait.ge [sflag:s21], $0x100  }
0x25: {  	[sflag:s21] =	ssyncset.done $0x0  }
0x26: {  	[sflag:s21] =	ssyncadd.s32 $0xFFFFFF00  }
0x27: {  	[tilespmem:s23], [sflag:$0x5] =	stream.indirect.gather [hbm4b:s1+s22], $0x80, s8, s22, $0xb8;
	[tilespmem:$0x1C400] =	vst v63  }
0x28: {  	s15 =	simm.s32 $0x0;
	s16 =	simm.s32 $0x200;
	s17 =	rddreg [dreg:$0x7]  }
0x29: {  	[tilespmem:s24], [sflag:$0x2] =	stream.linear.gather [hbm4b:s17+s4], $0x100, $0x38;
	[tilespmem:$0x1C400] =	vst v63  }
.LBB2_2:
0x2a: {  	p0 =	sne.s32 s16, $0xFE00;
	[tilespmem:s15+$0x18470] =	vst v0  }
0x2b: {  	[tilespmem:s15+$0x18400] =	vst v0  }
0x2c: {  	[tilespmem:s15+$0x18410] =	vst v0  }
.Ltmp0:
0x2d: {  	[tilespmem:s15+$0x18420] =	vst v0;
	(pc) =	sbr.rel @p0 .LBB2_2-.Ltmp0, $4  }
0x2e: {  	[tilespmem:s15+$0x18430] =	vst v0  }
0x2f: {  	[tilespmem:s15+$0x18440] =	vst v0  }
0x30: {  	[tilespmem:s15+$0x18450] =	vst v0  }
0x31: {  	[tilespmem:s15+$0x18460] =	vst v0;
	s15 =	sshra.s32 s16, $0x2;
	s16 =	sadd.s32 $0x200, s16  }
0x32: {  	[tilespmem:s15+$0x18470] =	vst v0  }
0x33: {  	[tilespmem:s15+$0x18400] =	vst v0  }
0x34: {  	[tilespmem:s15+$0x18410] =	vst v0  }
0x35: {  	[tilespmem:s15+$0x18420] =	vst v0  }
0x36: {  	[tilespmem:s15+$0x18430] =	vst v0  }
0x37: {  	[tilespmem:s15+$0x18440] =	vst v0  }
0x38: {  	[tilespmem:s15+$0x18450] =	vst v0  }
0x39: {  	[tilespmem:s15+$0x18460] =	vst v0  }
0x3a: {  	[spmem:s9] =	stream.linear.scatter [tilespmem:s25], [sflag:$0x7], $0x4000, $0x38;
	[tilespmem:$0x1C400] =	vst v63  }
0x3b: {  	_ =	swait.ge [sflag:s21], $0x4000  }
0x3c: {  	[sflag:s21] =	ssyncset.done $0x0  }
0x3d: {  	[sflag:s21] =	ssyncadd.s32 $0xFFFFC000  }
0x3e: {  	[spmem:s20] =	stream.linear.scatter [tilespmem:s25], [sflag:$0x7], $0x4000, $0x38;
	[tilespmem:$0x1C400] =	vst v63  }
0x3f: {  	_ =	swait.ge [sflag:s21], $0x4000  }
0x40: {  	[sflag:s21] =	ssyncset.done $0x0  }
0x41: {  	s7 =	rddreg [dreg:$0x9];
	[sflag:s21] =	ssyncadd.s32 $0xFFFFC000  }
0x42: {  	[spmem:s7] =	stream.linear.scatter [tilespmem:s25], [sflag:$0x7], $0x4000, $0x38;
	[tilespmem:$0x1C400] =	vst v63  }
0x43: {  	_ =	swait.ge [sflag:s21], $0x4000  }
0x44: {  	[sflag:s21] =	ssyncset.done $0x0  }
0x45: {  	s15 =	rddreg [dreg:$0xa];
	[sflag:s21] =	ssyncadd.s32 $0xFFFFC000  }
0x46: {  	[spmem:s15] =	stream.linear.scatter [tilespmem:s25], [sflag:$0x7], $0x4000, $0x38;
	[tilespmem:$0x1C400] =	vst v63  }
0x47: {  	_ =	swait.ge [sflag:s21], $0x4000  }
0x48: {  	[sflag:s21] =	ssyncset.done $0x0  }
0x49: {  	s16 =	rddreg [dreg:$0xb];
	[sflag:s21] =	ssyncadd.s32 $0xFFFFC000  }
0x4a: {  	[spmem:s16] =	stream.linear.scatter [tilespmem:s25], [sflag:$0x7], $0x4000, $0x38;
	[tilespmem:$0x1C400] =	vst v63  }
0x4b: {  	_ =	swait.ge [sflag:s21], $0x4000  }
0x4c: {  	[sflag:s21] =	ssyncset.done $0x0  }
0x4d: {  	[sflag:s21] =	ssyncadd.s32 $0xFFFFC000  }
0x4e: {  	s17 =	sadd.s32 $0x0, s19;
	[bflag:$0x0] =	sbarrier.arrive $0xFFFF  }
0x4f: {  	[tilespmem:s26], [sflag:$0x3] =	stream.linear.gather [hbm4b:s17+s4], $0x100, $0x38;
	[tilespmem:$0x1C400] =	vst v63  }
0x50: {  	_ =	swait.ge [sflag:s28], $0x100  }
0x51: {  	[sflag:s28] =	ssyncset.done $0x0  }
0x52: {  	[sflag:s28] =	ssyncadd.s32 $0xFFFFFF00  }
0x53: {  	[tilespmem:s25], [sflag:$0x6] =	stream.indirect.gather [hbm4b:s1+s22], $0x80, s24, s22, $0xb8;
	[tilespmem:$0x1C400] =	vst v63  }
0x54: {  	_ =	swait.ge [sflag:s29], $0x4000  }
0x55: {  	[sflag:s29] =	ssyncset.done $0x0  }
0x56: {  	[sflag:s29] =	ssyncadd.s32 $0xFFFFC000  }
0x57: {  	[spmem:s2] =	stream.indirect.scatter.add.f32 [tilespmem:s23], [sflag:$0x7], $0x80, s30, s22, $0xb8;
	[tilespmem:$0x1C400] =	vst v63  }
0x58: {  	_ =	swait.ge [sflag:s21], $0x4000  }
0x59: {  	[sflag:s21] =	ssyncset.done $0x0  }
0x5a: {  	s20 =	sadd.s32 $0x0, s18;
	[sflag:s21] =	ssyncadd.s32 $0xFFFFC000  }
0x5b: {  	[tilespmem:s31], [sflag:$0x4] =	stream.linear.gather [hbm4b:s20+s4], $0x100, $0x38;
	[tilespmem:$0x1C400] =	vst v63  }
0x5c: {  	_ =	swait.ge [sflag:s0], $0x100  }
0x5d: {  	[sflag:s0] =	ssyncset.done $0x0  }
0x5e: {  	[sflag:s0] =	ssyncadd.s32 $0xFFFFFF00  }
0x5f: {  	[tilespmem:s23], [sflag:$0x5] =	stream.indirect.gather [hbm4b:s1+s22], $0x80, s26, s22, $0xb8;
	[tilespmem:$0x1C400] =	vst v63  }
0x60: {  	_ =	swait.ge [sflag:s3], $0x4000  }
0x61: {  	[sflag:s3] =	ssyncset.done $0x0  }
0x62: {  	[sflag:s3] =	ssyncadd.s32 $0xFFFFC000  }
0x63: {  	[spmem:s2] =	stream.indirect.scatter.add.f32 [tilespmem:s25], [sflag:$0x7], $0x80, s6, s22, $0xb8;
	[tilespmem:$0x1C400] =	vst v63  }
0x64: {  	p0 =	por $0x0, $0x0;
	_ =	swait.ge [sflag:s21], $0x4000  }
0x65: {  	s16 =	simm.s32 @!p0 $0x0;
	s15 =	rddreg [dreg:$0x5];
	[sflag:s21] =	ssyncset.done $0x0  }
0x66: {  	s17 =	simm.s32 @!p0 $0x14000;
	[sflag:s21] =	ssyncadd.s32 $0xFFFFC000;
	s15 =	sadd.s32 @!p0 $0x0, s15  }
0x67: {  	[tilespmem:s17], [sflag:$0x1] =	stream.linear.gather @!p0 [hbm4b:s15+s16], $0x100, $0x38;
	[tilespmem:$0x1C400] =	vst v63  }
0x68: {  	_ =	swait.ge [sflag:s5], $0x100  }
0x69: {  	[sflag:s5] =	ssyncset.done $0x0  }
0x6a: {  	[sflag:s5] =	ssyncadd.s32 $0xFFFFFF00  }
0x6b: {  	[tilespmem:s25], [sflag:$0x6] =	stream.indirect.gather [hbm4b:s1+s22], $0x80, s31, s22, $0xb8;
	[tilespmem:$0x1C400] =	vst v63  }
0x6c: {  	_ =	swait.ge [sflag:s29], $0x4000  }
0x6d: {  	[sflag:s29] =	ssyncset.done $0x0  }
0x6e: {  	[sflag:s29] =	ssyncadd.s32 $0xFFFFC000  }
0x6f: {  	[spmem:s2] =	stream.indirect.scatter.add.f32 [tilespmem:s23], [sflag:$0x7], $0x80, s12, s22, $0xb8;
	[tilespmem:$0x1C400] =	vst v63  }
0x70: {  	_ =	swait.ge [sflag:s21], $0x4000  }
0x71: {  	s15 =	rddreg [dreg:$0x4];
	[sflag:s21] =	ssyncset.done $0x0  }
0x72: {  	s20 =	simm.s32 @!p0 $0x14100;
	[sflag:s21] =	ssyncadd.s32 $0xFFFFC000;
	s15 =	sadd.s32 @!p0 $0x0, s15  }
0x73: {  	[tilespmem:s20], [sflag:$0x2] =	stream.linear.gather @!p0 [hbm4b:s15+s16], $0x100, $0x38;
	[tilespmem:$0x1C400] =	vst v63  }
0x74: {  	s15 =	simm.s32 @!p0 $0x1  }
0x75: {  	_ =	swait.ge @!p0 [sflag:s15], $0x100  }
0x76: {  	[sflag:s15] =	ssyncset.done @!p0 $0x0  }
0x77: {  	s16 =	simm.s32 @!p0 $0x80;
	[sflag:s15] =	ssyncadd.s32 @!p0 $0xFFFFFF00;
	s15 =	simm.s32 @!p0 $0x14400  }
0x78: {  	[tilespmem:s15], [sflag:$0x5] =	stream.indirect.gather @!p0 [hbm4b:s1+s16], $0x80, s17, s16, $0xb8;
	[tilespmem:$0x1C400] =	vst v63  }
0x79: {  	_ =	swait.ge [sflag:s3], $0x4000  }
0x7a: {  	[sflag:s3] =	ssyncset.done $0x0  }
0x7b: {  	s11 =	smov.u32 s9;
	[sflag:s3] =	ssyncadd.s32 $0xFFFFC000  }
0x7c: {  	[spmem:s2] =	stream.indirect.scatter.add.f32 [tilespmem:s25], [sflag:$0x7], $0x80, s13, s22, $0xb8;
	[tilespmem:$0x1C400] =	vst v63  }
0x7d: {  	s15 =	simm.s32 $0x80;
	s16 =	simm.s32 $0x100;
	_ =	swait.ge [sflag:s21], $0x4000  }
.LBB2_4:
0x7e: {  	[sflag:s21] =	ssyncset.done $0x0  }
0x7f: {  	s20 =	sadd.s32 s15, s19;
	[sflag:s21] =	ssyncadd.s32 $0xFFFFC000  }
0x80: {  	[tilespmem:s26], [sflag:$0x3] =	stream.linear.gather [hbm4b:s20+s4], $0x100, $0x38;
	[tilespmem:$0x1C400] =	vst v63  }
0x81: {  	_ =	swait.ge [sflag:s28], $0x100  }
0x82: {  	[sflag:s28] =	ssyncset.done $0x0  }
0x83: {  	[sflag:s28] =	ssyncadd.s32 $0xFFFFFF00  }
0x84: {  	[tilespmem:s25], [sflag:$0x6] =	stream.indirect.gather [hbm4b:s1+s22], $0x80, s24, s22, $0xb8;
	[tilespmem:$0x1C400] =	vst v63  }
0x85: {  	_ =	swait.ge [sflag:s29], $0x4000  }
0x86: {  	[sflag:s29] =	ssyncset.done $0x0  }
0x87: {  	[sflag:s29] =	ssyncadd.s32 $0xFFFFC000  }
0x88: {  	[spmem:s2] =	stream.indirect.scatter.add.f32 [tilespmem:s23], [sflag:$0x7], $0x80, s30, s22, $0xb8;
	[tilespmem:$0x1C400] =	vst v63  }
0x89: {  	_ =	swait.ge [sflag:s21], $0x4000  }
0x8a: {  	[sflag:s21] =	ssyncset.done $0x0  }
0x8b: {  	s10 =	sadd.s32 s15, s18;
	[sflag:s21] =	ssyncadd.s32 $0xFFFFC000  }
0x8c: {  	[tilespmem:s31], [sflag:$0x4] =	stream.linear.gather [hbm4b:s10+s4], $0x100, $0x38;
	[tilespmem:$0x1C400] =	vst v63  }
0x8d: {  	_ =	swait.ge [sflag:s0], $0x100  }
0x8e: {  	[sflag:s0] =	ssyncset.done $0x0  }
0x8f: {  	[sflag:s0] =	ssyncadd.s32 $0xFFFFFF00  }
0x90: {  	[tilespmem:s23], [sflag:$0x5] =	stream.indirect.gather [hbm4b:s1+s22], $0x80, s26, s22, $0xb8;
	[tilespmem:$0x1C400] =	vst v63  }
0x91: {  	_ =	swait.ge [sflag:s3], $0x4000  }
0x92: {  	[sflag:s3] =	ssyncset.done $0x0  }
0x93: {  	[sflag:s3] =	ssyncadd.s32 $0xFFFFC000  }
0x94: {  	[spmem:s2] =	stream.indirect.scatter.add.f32 [tilespmem:s25], [sflag:$0x7], $0x80, s6, s22, $0xb8;
	[tilespmem:$0x1C400] =	vst v63  }
0x95: {  	p1 =	seq.s32 s15, $0x980;
	_ =	swait.ge [sflag:s21], $0x4000  }
0x96: {  	s7 =	simm.s32 @!p1 $0x0;
	s20 =	rddreg [dreg:$0x5];
	[sflag:s21] =	ssyncset.done $0x0  }
0x97: {  	s8 =	simm.s32 @!p1 $0x14000;
	[sflag:s21] =	ssyncadd.s32 $0xFFFFC000;
	s20 =	sadd.s32 @!p1 s15, s20  }
0x98: {  	[tilespmem:s8], [sflag:$0x1] =	stream.linear.gather @!p1 [hbm4b:s20+s7], $0x100, $0x38;
	[tilespmem:$0x1C400] =	vst v63  }
0x99: {  	_ =	swait.ge [sflag:s5], $0x100  }
0x9a: {  	[sflag:s5] =	ssyncset.done $0x0  }
0x9b: {  	[sflag:s5] =	ssyncadd.s32 $0xFFFFFF00  }
0x9c: {  	[tilespmem:s25], [sflag:$0x6] =	stream.indirect.gather [hbm4b:s1+s22], $0x80, s31, s22, $0xb8;
	[tilespmem:$0x1C400] =	vst v63  }
0x9d: {  	_ =	swait.ge [sflag:s29], $0x4000  }
0x9e: {  	[sflag:s29] =	ssyncset.done $0x0  }
0x9f: {  	[sflag:s29] =	ssyncadd.s32 $0xFFFFC000  }
0xa0: {  	[spmem:s2] =	stream.indirect.scatter.add.f32 [tilespmem:s23], [sflag:$0x7], $0x80, s12, s22, $0xb8;
	[tilespmem:$0x1C400] =	vst v63  }
0xa1: {  	_ =	swait.ge [sflag:s21], $0x4000  }
0xa2: {  	s9 =	simm.s32 @!p1 $0x14100;
	[sflag:s21] =	ssyncset.done $0x0;
	s20 =	rddreg [dreg:$0x4]  }
0xa3: {  	s10 =	simm.s32 @!p1 $0x1;
	[sflag:s21] =	ssyncadd.s32 $0xFFFFC000;
	s20 =	sadd.s32 @!p1 s15, s20  }
0xa4: {  	[tilespmem:s9], [sflag:$0x2] =	stream.linear.gather @!p1 [hbm4b:s20+s7], $0x100, $0x38;
	[tilespmem:$0x1C400] =	vst v63  }
0xa5: {  	s17 =	smov.u32 s16;
	s16 =	sadd.s32 $0x80, s16;
	_ =	swait.ge @!p1 [sflag:s10], $0x100  }
0xa6: {  	p0 =	sne.s32 s16, $0xA00;
	[sflag:s10] =	ssyncset.done @!p1 $0x0  }
0xa7: {  	s7 =	simm.s32 @!p1 $0x80;
	s9 =	simm.s32 @!p1 $0x14400;
	[sflag:s10] =	ssyncadd.s32 @!p1 $0xFFFFFF00  }
0xa8: {  	[tilespmem:s9], [sflag:$0x5] =	stream.indirect.gather @!p1 [hbm4b:s1+s7], $0x80, s8, s7, $0xb8;
	[tilespmem:$0x1C400] =	vst v63  }
.Ltmp1:
0xa9: {  	_ =	swait.ge [sflag:s3], $0x4000;
	(pc) =	sbr.rel @p0 .LBB2_4-.Ltmp1, $4  }
0xaa: {  	[sflag:s3] =	ssyncset.done $0x0  }
0xab: {  	[sflag:s3] =	ssyncadd.s32 $0xFFFFC000  }
0xac: {  	[spmem:s2] =	stream.indirect.scatter.add.f32 [tilespmem:s25], [sflag:$0x7], $0x80, s13, s22, $0xb8;
	[tilespmem:$0x1C400] =	vst v63  }
0xad: {  	s15 =	smov.u32 s17;
	_ =	swait.ge [sflag:s21], $0x4000  }
0xae: {  	[sflag:s21] =	ssyncset.done $0x0  }
0xaf: {  	s7 =	sadd.s32 s15, s19;
	[sflag:s21] =	ssyncadd.s32 $0xFFFFC000  }
0xb0: {  	[tilespmem:s26], [sflag:$0x3] =	stream.linear.gather [hbm4b:s7+s4], $0x100, $0x38;
	[tilespmem:$0x1C400] =	vst v63  }
0xb1: {  	_ =	swait.ge [sflag:s28], $0x100  }
0xb2: {  	[sflag:s28] =	ssyncset.done $0x0  }
0xb3: {  	[sflag:s28] =	ssyncadd.s32 $0xFFFFFF00  }
0xb4: {  	[tilespmem:s25], [sflag:$0x6] =	stream.indirect.gather [hbm4b:s1+s22], $0x80, s24, s22, $0xb8;
	[tilespmem:$0x1C400] =	vst v63  }
0xb5: {  	_ =	swait.ge [sflag:s29], $0x4000  }
0xb6: {  	[sflag:s29] =	ssyncset.done $0x0  }
0xb7: {  	[sflag:s29] =	ssyncadd.s32 $0xFFFFC000  }
0xb8: {  	[spmem:s2] =	stream.indirect.scatter.add.f32 [tilespmem:s23], [sflag:$0x7], $0x80, s30, s22, $0xb8;
	[tilespmem:$0x1C400] =	vst v63  }
0xb9: {  	_ =	swait.ge [sflag:s21], $0x4000  }
0xba: {  	[sflag:s21] =	ssyncset.done $0x0  }
0xbb: {  	s10 =	sadd.s32 s15, s18;
	[sflag:s21] =	ssyncadd.s32 $0xFFFFC000  }
0xbc: {  	[tilespmem:s31], [sflag:$0x4] =	stream.linear.gather [hbm4b:s10+s4], $0x100, $0x38;
	[tilespmem:$0x1C400] =	vst v63  }
0xbd: {  	_ =	swait.ge [sflag:s0], $0x100  }
0xbe: {  	[sflag:s0] =	ssyncset.done $0x0  }
0xbf: {  	[sflag:s0] =	ssyncadd.s32 $0xFFFFFF00  }
0xc0: {  	[tilespmem:s23], [sflag:$0x5] =	stream.indirect.gather [hbm4b:s1+s22], $0x80, s26, s22, $0xb8;
	[tilespmem:$0x1C400] =	vst v63  }
0xc1: {  	_ =	swait.ge [sflag:s3], $0x4000  }
0xc2: {  	[sflag:s3] =	ssyncset.done $0x0  }
0xc3: {  	[sflag:s3] =	ssyncadd.s32 $0xFFFFC000  }
0xc4: {  	[spmem:s2] =	stream.indirect.scatter.add.f32 [tilespmem:s25], [sflag:$0x7], $0x80, s6, s22, $0xb8;
	[tilespmem:$0x1C400] =	vst v63  }
0xc5: {  	p0 =	seq.s32 s15, $0x980;
	_ =	swait.ge [sflag:s21], $0x4000  }
0xc6: {  	s8 =	simm.s32 @!p0 $0x0;
	s7 =	rddreg [dreg:$0x5];
	[sflag:s21] =	ssyncset.done $0x0  }
0xc7: {  	s9 =	simm.s32 @!p0 $0x14000;
	[sflag:s21] =	ssyncadd.s32 $0xFFFFC000;
	s7 =	sadd.s32 @!p0 s15, s7  }
0xc8: {  	[tilespmem:s9], [sflag:$0x1] =	stream.linear.gather @!p0 [hbm4b:s7+s8], $0x100, $0x38;
	[tilespmem:$0x1C400] =	vst v63  }
0xc9: {  	_ =	swait.ge [sflag:s5], $0x100  }
0xca: {  	[sflag:s5] =	ssyncset.done $0x0  }
0xcb: {  	[sflag:s5] =	ssyncadd.s32 $0xFFFFFF00  }
0xcc: {  	[tilespmem:s25], [sflag:$0x6] =	stream.indirect.gather [hbm4b:s1+s22], $0x80, s31, s22, $0xb8;
	[tilespmem:$0x1C400] =	vst v63  }
0xcd: {  	_ =	swait.ge [sflag:s29], $0x4000  }
0xce: {  	[sflag:s29] =	ssyncset.done $0x0  }
0xcf: {  	[sflag:s29] =	ssyncadd.s32 $0xFFFFC000  }
0xd0: {  	[spmem:s2] =	stream.indirect.scatter.add.f32 [tilespmem:s23], [sflag:$0x7], $0x80, s12, s22, $0xb8;
	[tilespmem:$0x1C400] =	vst v63  }
0xd1: {  	_ =	swait.ge [sflag:s21], $0x4000  }
0xd2: {  	s7 =	rddreg [dreg:$0x4];
	[sflag:s21] =	ssyncset.done $0x0  }
0xd3: {  	s10 =	simm.s32 @!p0 $0x14100;
	[sflag:s21] =	ssyncadd.s32 $0xFFFFC000;
	s7 =	sadd.s32 @!p0 s15, s7  }
0xd4: {  	[tilespmem:s10], [sflag:$0x2] =	stream.linear.gather @!p0 [hbm4b:s7+s8], $0x100, $0x38;
	[tilespmem:$0x1C400] =	vst v63  }
0xd5: {  	s7 =	simm.s32 @!p0 $0x1  }
0xd6: {  	_ =	swait.ge @!p0 [sflag:s7], $0x100  }
0xd7: {  	[sflag:s7] =	ssyncset.done @!p0 $0x0  }
0xd8: {  	s8 =	simm.s32 @!p0 $0x80;
	[sflag:s7] =	ssyncadd.s32 @!p0 $0xFFFFFF00;
	s7 =	simm.s32 @!p0 $0x14400  }
0xd9: {  	[tilespmem:s7], [sflag:$0x5] =	stream.indirect.gather @!p0 [hbm4b:s1+s8], $0x80, s9, s8, $0xb8;
	[tilespmem:$0x1C400] =	vst v63  }
0xda: {  	_ =	swait.ge [sflag:s3], $0x4000  }
0xdb: {  	[sflag:s3] =	ssyncset.done $0x0  }
0xdc: {  	[sflag:s3] =	ssyncadd.s32 $0xFFFFC000  }
0xdd: {  	[spmem:s2] =	stream.indirect.scatter.add.f32 [tilespmem:s25], [sflag:$0x7], $0x80, s13, s22, $0xb8;
	[tilespmem:$0x1C400] =	vst v63  }
0xde: {  	_ =	swait.ge [sflag:s21], $0x4000  }
0xdf: {  	[sflag:s21] =	ssyncset.done $0x0  }
0xe0: {  	s16 =	stileid.u32;
	[sflag:s21] =	ssyncadd.s32 $0xFFFFC000  }
0xe1: {  	s7 =	sshll.u32 s16, $0x6;
	[bflag:$0x0] =	sbarrier.arrive $0xFFFF  }
0xe2: {  	s17 =	sshrl.u32 s11, $0x3;
	s7 =	sor.u32 $0x1C07, s7;
	s20 =	rddreg [dreg:$0xc]  }
0xe3: {  	[hbm:s20], [sflag:s7] =	dma.local [spmem:s17], $0x800  }
0xe4: {  	_ =	swait.ge [sflag:s21], $0x800  }
0xe5: {  	s9 =	smov.u32 s11;
	[sflag:s21] =	ssyncset.done $0x0;
	s20 =	rddreg [dreg:$0x8]  }
0xe6: {  	s15 =	rddreg [dreg:$0xd];
	[sflag:s21] =	ssyncadd.s32 $0xFFFFF800;
	s11 =	sshrl.u32 s20, $0x3  }
0xe7: {  	[hbm:s15], [sflag:s7] =	dma.local [spmem:s11], $0x800  }
0xe8: {  	_ =	swait.ge [sflag:s21], $0x800  }
0xe9: {  	[sflag:s21] =	ssyncset.done $0x0;
	s16 =	rddreg [dreg:$0x9]  }
0xea: {  	s17 =	rddreg [dreg:$0xe];
	[sflag:s21] =	ssyncadd.s32 $0xFFFFF800;
	s8 =	sshrl.u32 s16, $0x3  }
0xeb: {  	[hbm:s17], [sflag:s7] =	dma.local [spmem:s8], $0x800  }
0xec: {  	_ =	swait.ge [sflag:s21], $0x800  }
0xed: {  	[sflag:s21] =	ssyncset.done $0x0;
	s10 =	rddreg [dreg:$0xa]  }
0xee: {  	s11 =	rddreg [dreg:$0xf];
	[sflag:s21] =	ssyncadd.s32 $0xFFFFF800;
	s8 =	sshrl.u32 s10, $0x3  }
0xef: {  	[hbm:s11], [sflag:s7] =	dma.local [spmem:s8], $0x800  }
0xf0: {  	_ =	swait.ge [sflag:s21], $0x800  }
0xf1: {  	[sflag:s21] =	ssyncset.done $0x0;
	s15 =	rddreg [dreg:$0xb]  }
0xf2: {  	s16 =	rddreg [dreg:$0x10];
	[sflag:s21] =	ssyncadd.s32 $0xFFFFF800;
	s8 =	sshrl.u32 s15, $0x3  }
0xf3: {  	[hbm:s16], [sflag:s7] =	dma.local [spmem:s8], $0x800  }
0xf4: {  	_ =	swait.ge [sflag:s21], $0x800  }
0xf5: {  	s14 =	sadd.s32 $0x1, s14;
	s17 =	rddreg [dreg:$0x11]  }
0xf6: {  	p0 =	sne.s32 s14, s17  }
.Ltmp2:
0xf7: {  	_ = 	snop;
	(pc) =	sbr.rel @p0 .LBB2_1-.Ltmp2, $3  }
0xf8: {  	_ =	sdelay $0x1  }
0xf9: {  	[sflag:s21] =	ssyncset.done $0x0  }
0xfa: {  	[sflag:s21] =	ssyncadd.s32 $0xFFFFF800  }
0xfb: {  	_ =	sfence.sel $0x180000  }
0xfc: {  	[bflag:$0x0] =	sbarrier.arrive $0xFFFF  }
0xfd: {  	_ =	strace $0x9000004D  }
0xfe: {  	s0 =	stileid.u32;
	[bflag:$0x2] =	sbarrier.arrive $0xFFFF  }
0xff: {  	p0 =	sne.s32 s0, $0x0;
	s0 =	rddreg [dreg:$0x3]  }
0x100: {  	s0 =	sadd.s32 @!p0 $0x100000, s0  }
0x101: {  	[sflag:s0] =	ssyncadd.tile.s32 @!p0 $0x1;
	_ =	shalt  }
.Lfunc_end2:
_tile_overlayer_lowered:
.L_overlay_start_2:
0x102: {  	(tag) =	ssettag $0x2  }
0x103: {  	s0 =	rddreg [dreg:$0x0];
	s2 =	stileid.u32  }
0x104: {  	s1 =	rddreg [dreg:$0x1];
	p0 =	sne.s32 s2, $0x0  }
0x105: {  	s3 =	rddreg [dreg:$0x2];
	[bflag:$0x3] =	sbarrier.arrive $0xFFFF;
	s2 =	simm.s32 @!p0 $0x1C07  }
0x106: {  	[timem:s3], [sflag:s2] =	dma.local @!p0 [hbm:s0], s1  }
0x107: {  	s0 =	simm.s32 @!p0 $0x7  }
0x108: {  	_ =	swait.ge @!p0 [sflag:s0], s1  }
0x109: {  	s1 =	ssub.s32 @!p0 $0x0, s1;
	[sflag:s0] =	ssyncset.done @!p0 $0x0  }
0x10a: {  	[sflag:s0] =	ssyncadd.s32 @!p0 s1  }
0x10b: {  	[bflag:$0x3] =	sbarrier.arrive $0xFFFF  }
0x10c: {  	_ =	shalt  }

// kernel: kernel.8.cloned.1.call-start
scs
__scs_entry_jumppad:
0x0: {  	(pc) =	sbr.rel $0x88, $3  }
0x1: {  	(tag) =	ssettag $0x0;
	lr =	simm.s32 $0x1  }
0x2: {  	[smem:$0x3F9B] =	sst lr;
	_ =	strace $0xD0000000  }
0x3: {  	_ = 	snop  }
0x4: {  	_ = 	snop  }
0x5: {  	_ = 	snop  }
0x6: {  	_ = 	snop  }
0x7: {  	_ = 	snop  }
__scs_overlays_trampoline_lowered:
0x8: {  	[smem:$0x3FAA] =	sst s0  }
0x9: {  	[smem:$0x3FAB] =	sst s1  }
0xa: {  	[smem:$0x3FAC] =	sst s2  }
0xb: {  	[smem:$0x3FAD] =	sst s3  }
0xc: {  	[smem:$0x3FAE] =	sst s4  }
0xd: {  	[smem:$0x3FAF] =	sst s5  }
0xe: {  	[smem:$0x3FB0] =	sst s6  }
0xf: {  	[smem:$0x3FB1] =	sst s7  }
0x10: {  	[smem:$0x3FB2] =	sst s8  }
0x11: {  	[smem:$0x3FB3] =	sst s9;
	s0 =	simm.s32 @!p0 $0x0  }
0x12: {  	s1 =	sld [smem:$0x3F99];
	s0 =	simm.s32 @p0 $0x1  }
0x13: {  	[smem:$0x3FB4] =	sst s0;
	s0 =	simm.s32 @!p1 $0x0  }
0x14: {  	s2 =	sld [smem:$0x3F98];
	s0 =	simm.s32 @p1 $0x1  }
0x15: {  	[smem:$0x3FB5] =	sst s0;
	s0 =	simm.s32 @!p2 $0x0  }
0x16: {  	s3 =	sld [smem:$0x3FDB];
	s0 =	simm.s32 @p2 $0x1  }
0x17: {  	s4 =	simm.s32 $0x1BF5;
	[smem:$0x3FB7] =	sst s0  }
0x18: {  	s0 =	sld [smem:$0x3F9A];
	_ =	swait.ge [sflag:s4], $0x0  }
0x19: {  	s7 =	sld [smem:$0x3F9B]  }
0x1a: {  	s8 =	sadd.s32 $0xFFFFE003, lr  }
0x1b: {  	s9 =	sadd.s32 $0xFFFFFEF7, lr;
	s5 =	simm.s32 $0xFFFFFFFF;
	p2 =	slt.u32 s8, $0xFFFFF086  }
0x1c: {  	p1 =	slt.u32 s9, $0xF7A;
	s5 =	simm.s32 @!p2 $0x0  }
0x1d: {  	s5 =	simm.s32 @p1 $0x1;
	p0 =	seq.s32 s7, s2  }
0x1e: {  	s7 =	smul.u32 @!p0 $0xF7A, s2;
	p2 =	seq.s32 @!p0 s5, $0x0  }
0x1f: {  	s9 =	smul.u32 $0xF7A, s1;
	s8 =	simm.s32 @!p0 $0x1BF5;
	p2 =	por !p2, p0  }
0x20: {  	[sflag:s8] =	ssyncset.s32 @!p0 $0xFFFFF086;
	s6 =	sadd.s32 @!p0 s3, s7;
	s7 =	simm.s32 @!p0 $0x108  }
0x21: {  	s3 =	sadd.s32 s3, s9;
	s6 =	sadd.s32 @!p0 $0x88, s6;
	s7 =	simm.s32 @p2 $0x1082  }
0x22: {  	[simem:s7], [sflag:s8] =	dma.local @!p0 [hbm:s6], $0xF7A  }
0x23: {  	s9 =	sor.u32 $0xD0000000, s2;
	s6 =	simm.s32 $0x108;
	_ =	swait.ge @!p0 [sflag:s8], $0x0  }
0x24: {  	s3 =	sadd.s32 $0x88, s3;
	s6 =	simm.s32 @!p1 $0x1082;
	[sflag:s4] =	ssyncset.s32 $0xFFFFF086  }
0x25: {  	[simem:s6], [sflag:s4] =	dma.local [hbm:s3], $0xF7A  }
0x26: {  	[smem:$0x3F9B] =	sst s1;
	(tag) =	ssettag s2;
	_ =	strace s9  }
0x27: {  	s1 =	sld [smem:$0x3FAB]  }
0x28: {  	s2 =	sld [smem:$0x3FAC]  }
0x29: {  	s4 =	sld [smem:$0x3FAE]  }
0x2a: {  	p0 =	seq.s32 s5, $0x0;
	s5 =	sld [smem:$0x3FAF]  }
0x2b: {  	s6 =	sld [smem:$0x3FB0]  }
0x2c: {  	s7 =	sld [smem:$0x3FB1]  }
0x2d: {  	s3 =	simm.s32 $0x108;
	s8 =	sld [smem:$0x3FB2]  }
0x2e: {  	s3 =	simm.s32 @!p0 $0x1082;
	s9 =	sld [smem:$0x3FB3]  }
0x2f: {  	lr =	sadd.s32 s0, s3;
	s0 =	sld [smem:$0x3FAA]  }
0x30: {  	s3 =	sld [smem:$0x3FAD]  }
0x31: {  	[smem:$0x3FB6] =	sst s10  }
0x32: {  	s10 =	sld [smem:$0x3FB4];
	_ =	sdelay $0x3  }
0x33: {  	p0 =	seq.s32 s10, $0x1;
	s10 =	sld [smem:$0x3FB6];
	_ =	sdelay $0x3  }
0x34: {  	[smem:$0x3FB6] =	sst s10  }
0x35: {  	s10 =	sld [smem:$0x3FB5];
	_ =	sdelay $0x3  }
0x36: {  	p1 =	seq.s32 s10, $0x1;
	s10 =	sld [smem:$0x3FB6];
	_ =	sdelay $0x3  }
0x37: {  	[smem:$0x3FB6] =	sst s10  }
0x38: {  	s10 =	sld [smem:$0x3FB7]  }
0x39: {  	_ = 	snop;
	(pc) =	sbr.ind lr, $3  }
0x3a: {  	_ = 	snop  }
0x3b: {  	_ = 	snop  }
0x3c: {  	p2 =	seq.s32 s10, $0x1;
	s10 =	sld [smem:$0x3FB6]  }
0x3d: {  	_ =	shalt  }
0x3e: {  	_ =	shalt  }
0x3f: {  	_ =	shalt  }
0x40: {  	_ =	shalt  }
0x41: {  	_ =	shalt  }
0x42: {  	_ =	shalt  }
0x43: {  	_ =	shalt  }
0x44: {  	_ =	shalt  }
0x45: {  	_ =	shalt  }
0x46: {  	_ =	shalt  }
0x47: {  	_ =	shalt  }
0x48: {  	_ =	shalt  }
0x49: {  	_ =	shalt  }
0x4a: {  	_ =	shalt  }
0x4b: {  	_ =	shalt  }
0x4c: {  	_ =	shalt  }
0x4d: {  	_ =	shalt  }
0x4e: {  	_ =	shalt  }
0x4f: {  	_ =	shalt  }
0x50: {  	_ =	shalt  }
0x51: {  	_ =	shalt  }
0x52: {  	_ =	shalt  }
0x53: {  	_ =	shalt  }
0x54: {  	_ =	shalt  }
0x55: {  	_ =	shalt  }
0x56: {  	_ =	shalt  }
0x57: {  	_ =	shalt  }
0x58: {  	_ =	shalt  }
0x59: {  	_ =	shalt  }
0x5a: {  	_ =	shalt  }
0x5b: {  	_ =	shalt  }
0x5c: {  	_ =	shalt  }
0x5d: {  	_ =	shalt  }
0x5e: {  	_ =	shalt  }
0x5f: {  	_ =	shalt  }
0x60: {  	_ =	shalt  }
0x61: {  	_ =	shalt  }
0x62: {  	_ =	shalt  }
0x63: {  	_ =	shalt  }
0x64: {  	_ =	shalt  }
0x65: {  	_ =	shalt  }
0x66: {  	_ =	shalt  }
0x67: {  	_ =	shalt  }
0x68: {  	_ =	shalt  }
0x69: {  	_ =	shalt  }
0x6a: {  	_ =	shalt  }
0x6b: {  	_ =	shalt  }
0x6c: {  	_ =	shalt  }
0x6d: {  	_ =	shalt  }
0x6e: {  	_ =	shalt  }
0x6f: {  	_ =	shalt  }
0x70: {  	_ =	shalt  }
0x71: {  	_ =	shalt  }
0x72: {  	_ =	shalt  }
0x73: {  	_ =	shalt  }
0x74: {  	_ =	shalt  }
0x75: {  	_ =	shalt  }
0x76: {  	_ =	shalt  }
0x77: {  	_ =	shalt  }
0x78: {  	_ =	shalt  }
0x79: {  	_ =	shalt  }
0x7a: {  	_ =	shalt  }
0x7b: {  	_ =	shalt  }
0x7c: {  	_ =	shalt  }
0x7d: {  	_ =	shalt  }
0x7e: {  	_ =	shalt  }
0x7f: {  	_ =	shalt  }
0x80: {  	_ =	shalt  }
0x81: {  	_ =	shalt  }
0x82: {  	_ =	shalt  }
0x83: {  	_ =	shalt  }
0x84: {  	_ =	shalt  }
0x85: {  	_ =	shalt  }
0x86: {  	_ =	shalt  }
0x87: {  	_ =	shalt  }
.Lfunc_end0:
.L_simem_size_0:
called_computation_lowered:
.L_overlay_start_0:
0x88: {  	s2 =	sld [smem:$0x3FD9]  }
0x89: {  	s3 =	sld [smem:$0x3FFE];
	_ =	sdelay $0x1  }
0x8a: {  	s1 =	srdreg.scid  }
0x8b: {  	s0 =	sand.u32 $0x1, s1  }
0x8c: {  	s17 =	sshll.u32 s0, $0xA;
	s2 =	sadd.s32 s3, s2  }
0x8d: {  	s2 =	sadd.s32 s2, s17  }
0x8e: {  	[smem:$0x3FC2] =	sst s2  }
0x8f: {  	_ = 	snop  }
0x90: {  	s2 =	sld [smem:$0x3FD0];
	(tm) =	ssettm $0x1  }
0x91: {  	s18 =	sld [smem:$0x3FFB];
	_ =	sdelay $0x3  }
0x92: {  	_ =	strace s18  }
0x93: {  	s3 =	sld [smem:$0x3FFC];
	_ =	sdelay $0x3  }
0x94: {  	_ =	strace s3  }
0x95: {  	s3 =	sld [smem:$0x3FFD];
	_ =	sdelay $0x3  }
0x96: {  	_ =	strace s3  }
0x97: {  	_ =	strace $0x8FFFFFFF  }
0x98: {  	s19 =	sld [smem:$0x3FDB];
	_ =	sdelay $0x1  }
0x99: {  	s4 =	simm.s32 $_scs_section_size  }
0x9a: {  	s5 =	simm.s32 $_size__tile_overlayer_lowered;
	s6 =	simm.s32 $_tile_overlayer_lowered  }
0x9b: {  	s22 =	simm.s32 $0x1BFF;
	s21 =	sshll.u32 s6, $0x1;
	s3 =	sadd.s32 s4, s19  }
0x9c: {  	s7 =	simm.s32 $0x0;
	s20 =	sshll.u32 s5, $0x1;
	s5 =	sadd.s32 s21, s3  }
0x9d: {  	[timem:s7], [sflag:s22] =	dma.local [hbm:s5], s20  }
0x9e: {  	_ =	swait.ge [sflag:s22], s20  }
0x9f: {  	s4 =	ssub.s32 $0x0, s20;
	[sflag:s22] =	ssyncset.done $0x0  }
0xa0: {  	[sflag:s22] =	ssyncadd.s32 s4;
	_ =	sdelay $0x1  }
0xa1: {  	s23 =	simm.s32 $0x1B8B  }
0xa2: {  	_ =	swait.ge [sflag:s23], $0x1  }
0xa3: {  	[sflag:s23] =	ssyncset.done $0x0  }
0xa4: {  	s25 =	simm.s32 $0x1B8E;
	s24 =	sld [smem:$0x3FFE];
	[sflag:s23] =	ssyncadd.s32 $0xFFFFFFFF  }
0xa5: {  	s26 =	simm.s32 $execute0_lowered;
	[smem:$0x3FD2] =	sst s25  }
0xa6: {  	s5 =	sshll.u32 s26, $0x1;
	_ =	strace $0x80000046;
	[dreg:$0x1] =	wrdreg $0xFFFFFFFF  }
0xa7: {  	s28 =	simm.s32 $_size_execute0_lowered;
	s3 =	sadd.s32 s3, s5;
	[dreg:$0x0] =	wrdreg $0x0  }
0xa8: {  	s5 =	sshll.u32 s28, $0x1;
	[dreg:$0x2] =	wrdreg s3  }
0xa9: {  	[dreg:$0x3] =	wrdreg s5  }
0xaa: {  	[dreg:$0x4] =	wrdreg $0xC0  }
0xab: {  	_ =	task [dreg:s7], $0x5FFFF  }
0xac: {  	[dreg:$0x1] =	wrdreg $0xFFFFFFFF  }
0xad: {  	[dreg:$0x0] =	wrdreg $0x60  }
0xae: {  	[dreg:$0x2] =	wrdreg s24  }
0xaf: {  	[dreg:$0x3] =	wrdreg s2  }
0xb0: {  	[dreg:$0x4] =	wrdreg $0x0  }
0xb1: {  	[dreg:$0x5] =	wrdreg $0x9  }
0xb2: {  	_ =	task.clear_ibuf [dreg:s7], $0x6FFFF;
	_ =	strace $0x90000046  }
0xb3: {  	s29 =	simm.s32 $0x9;
	_ =	strace $0x80000048  }
0xb4: {  	_ =	swait.ge [sflag:s29], $0x1  }
0xb5: {  	[sflag:s29] =	ssyncadd.s32 $0xFFFFFFFF  }
0xb6: {  	_ =	strace $0x90000048  }
0xb7: {  	_ =	sfence  }
0xb8: {  	s30 =	sld [smem:$0x0];
	_ =	sdelay $0x2  }
0xb9: {  	s31 =	sshll.u32 s1, $0xD;
	s1 =	sshrl.u32 s1, $0x2  }
0xba: {  	s3 =	sand.u32 $0x4000, s31;
	s1 =	sadd.s32 s1, s30  }
0xbb: {  	s0 =	sor.u32 s3, s0;
	s1 =	sshll.u32 s1, $0x11  }
0xbc: {  	s0 =	sor.u32 s1, s0  }
0xbd: {  	s0 =	sadd.s32 $0x8F2B, s0  }
0xbe: {  	[sflag:s0] =	ssyncadd.remote.s32 $0x1  }
0xbf: {  	_ =	sfence.sel $0xFFFF  }
0xc0: {  	[dreg:$0x0] =	wrdreg $0xFFFFFFFF;
	(pc) =	sbr.abs _section_cstart, $3  }
0xc1: {  	[dreg:$0x1] =	wrdreg $0xFFFFFFFF  }
0xc2: {  	_ =	task.clear_ibuf [dreg:s7], $0x2FFFF;
	_ =	strace $0x9FFFFFFF  }
0xc3: {  	(tm) =	ssettm $0x7FFFFFFF  }
tec
execute0_lowered:
.L_overlay_start_1:
0x0: {  	(tag) =	ssettag $0x1  }
0x1: {  	s4 =	rddreg [dreg:$0x0]  }
0x2: {  	s0 =	srdreg.scid;
	s6 =	rddreg [dreg:$0x1]  }
0x3: {  	s2 =	rddreg [dreg:$0x2];
	s3 =	simm.s32 $0x0;
	s11 =	simm.s32 $0x80  }
0x4: {  	s12 =	simm.s32 $0x5280;
	s13 =	simm.s32 $0x1;
	s16 =	simm.s32 $0x20  }
0x5: {  	s17 =	simm.s32 $0x10;
	s5 =	sand.u32 $0x1, s0;
	s0 =	stileid.u32  }
0x6: {  	s18 =	simm.s32 $0x0;
	[smem:$0x7FF] =	sst s3;
	s8 =	smul.u32 $0xA00, s0  }
0x7: {  	s1 =	sshll.u32 s5, $0x4;
	s9 =	smul.u32 $0x500, s0;
	s29 =	ssub.s32 $0x2, s5  }
0x8: {  	s5 =	sshll.u32 s5, $0x7;
	s14 =	sshll.u32 s0, $0x6;
	s7 =	sor.u32 s0, s1  }
0x9: {  	s1 =	rddreg [dreg:$0x3];
	_ =	strace $0x80000047;
	s10 =	sshrl.u32 s29, $0x1  }
0xa: {  	s14 =	sor.u32 $0x1C02, s14;
	s7 =	smul.u32 $0xA00, s7;
	s8 =	sshrl.u32 s8, $0x2  }
0xb: {  	s5 =	sor.u32 s5, s9;
	s30 =	ssub.s32 s29, s10;
	s9 =	simm.s32 $0x2  }
0xc: {  	s10 =	simm.s32 $0x280;
	s31 =	sshrl.u32 s5, $0x3;
	s7 =	sadd.s32 s7, s4  }
0xd: {  	s4 =	sadd.s32 s8, s2;
	s6 =	sadd.s32 s6, s31;
	s8 =	simm.s32 $0x5300  }
0xe: {  	v0 =	vimm.f32 $1.000000000e+00;
	v1 =	vimm.f32 $0.0e+00;
	s5 =	sadd.s32 $0x2200, s7;
	s7 =	smax.u32 s30, $0x1;
	s15 =	sshrl.u32 s4, $0x3  }
.LBB2_1:
0xf: {  	[tilespmem:$0x5280] =	vst v0  }
0x10: {  	[tilespmem:$0x5290] =	vst v0  }
0x11: {  	[tilespmem:$0x52A0] =	vst v0  }
0x12: {  	[tilespmem:$0x52B0] =	vst v0  }
0x13: {  	[tilespmem:$0x52C0] =	vst v0  }
0x14: {  	[tilespmem:$0x52D0] =	vst v0  }
0x15: {  	[tilespmem:$0x52E0] =	vst v0  }
0x16: {  	[tilespmem:$0x52F0] =	vst v0  }
0x17: {  	[tilespmem:$0x5300] =	vst v1  }
0x18: {  	[tilespmem:$0x5310] =	vst v1  }
0x19: {  	[tilespmem:$0x5320] =	vst v1  }
0x1a: {  	[tilespmem:$0x5330] =	vst v1  }
0x1b: {  	[tilespmem:$0x5340] =	vst v1  }
0x1c: {  	[tilespmem:$0x5350] =	vst v1  }
0x1d: {  	[tilespmem:$0x5360] =	vst v1  }
0x1e: {  	[tilespmem:$0x5370] =	vst v1  }
0x1f: {  	[tilespmem:$0x5380] =	vst v1  }
0x20: {  	[tilespmem:$0x5390] =	vst v1  }
0x21: {  	[tilespmem:$0x53A0] =	vst v1  }
0x22: {  	[tilespmem:$0x53B0] =	vst v1  }
0x23: {  	[tilespmem:$0x53C0] =	vst v1  }
0x24: {  	[tilespmem:$0x53D0] =	vst v1  }
0x25: {  	[tilespmem:$0x53E0] =	vst v1  }
0x26: {  	[tilespmem:$0x53F0] =	vst v1  }
0x27: {  	[tilespmem:$0x5400] =	vst v1  }
0x28: {  	[tilespmem:$0x5410] =	vst v1  }
0x29: {  	[tilespmem:$0x5420] =	vst v1  }
0x2a: {  	[tilespmem:$0x5430] =	vst v1  }
0x2b: {  	[tilespmem:$0x5440] =	vst v1  }
0x2c: {  	[tilespmem:$0x5450] =	vst v1  }
0x2d: {  	[tilespmem:$0x5460] =	vst v1  }
0x2e: {  	[tilespmem:$0x5470] =	vst v1  }
0x2f: {  	[tilespmem:$0x5480] =	vst v1  }
0x30: {  	[tilespmem:$0x5490] =	vst v1  }
0x31: {  	[tilespmem:$0x54A0] =	vst v1  }
0x32: {  	[tilespmem:$0x54B0] =	vst v1  }
0x33: {  	[tilespmem:$0x54C0] =	vst v1  }
0x34: {  	[tilespmem:$0x54D0] =	vst v1  }
0x35: {  	[tilespmem:$0x54E0] =	vst v1  }
0x36: {  	[tilespmem:$0x54F0] =	vst v1  }
0x37: {  	[tilespmem:$0x5500] =	vst v1  }
0x38: {  	[tilespmem:$0x5510] =	vst v1  }
0x39: {  	[tilespmem:$0x5520] =	vst v1  }
0x3a: {  	[tilespmem:$0x5530] =	vst v1  }
0x3b: {  	[tilespmem:$0x5540] =	vst v1  }
0x3c: {  	[tilespmem:$0x5550] =	vst v1  }
0x3d: {  	[tilespmem:$0x5560] =	vst v1  }
0x3e: {  	[tilespmem:$0x5570] =	vst v1  }
0x3f: {  	[spmem:s4] =	stream.linear.scatter [tilespmem:s8], [sflag:$0x2], $0x280, $0x38;
	[tilespmem:$0x5580] =	vst v63  }
0x40: {  	_ =	swait.ge [sflag:s9], $0x280  }
0x41: {  	[sflag:s9] =	ssyncset.done $0x0  }
0x42: {  	[sflag:s9] =	ssyncadd.s32 $0xFFFFFD80  }
0x43: {  	[tilespmem:s10], [sflag:$0x2] =	stream.linear.gather [hbm4b:s5+s3], $0x5000, $0x38;
	[tilespmem:$0x5580] =	vst v63  }
0x44: {  	_ =	swait.ge [sflag:s9], $0x5000  }
0x45: {  	[sflag:s9] =	ssyncset.done $0x0  }
0x46: {  	[sflag:s9] =	ssyncadd.s32 $0xFFFFB000  }
0x47: {  	s19 =	simm.s32 $0x300;
	[bflag:$0x0] =	sbarrier.arrive $0xFFFF  }
0x48: {  	[spmem:s2] =	stream.indirect.scatter.add.f32 [tilespmem:s12], [sflag:$0x1], $0x1, s19, s11, $0xb8;
	[tilespmem:$0x5580] =	vst v63  }
0x49: {  	s24 =	simm.s32 $0x400  }
0x4a: {  	[spmem:s2] =	stream.indirect.scatter.add.f32 [tilespmem:s12], [sflag:$0x1], $0x1, s24, s11, $0xb8;
	[tilespmem:$0x5580] =	vst v63  }
0x4b: {  	s25 =	simm.s32 $0x500  }
0x4c: {  	[spmem:s2] =	stream.indirect.scatter.add.f32 [tilespmem:s12], [sflag:$0x1], $0x1, s25, s11, $0xb8;
	[tilespmem:$0x5580] =	vst v63  }
0x4d: {  	s26 =	simm.s32 $0x600  }
0x4e: {  	[spmem:s2] =	stream.indirect.scatter.add.f32 [tilespmem:s12], [sflag:$0x1], $0x1, s26, s11, $0xb8;
	[tilespmem:$0x5580] =	vst v63  }
0x4f: {  	s28 =	simm.s32 $0x700  }
0x50: {  	[spmem:s2] =	stream.indirect.scatter.add.f32 [tilespmem:s12], [sflag:$0x1], $0x1, s28, s11, $0xb8;
	[tilespmem:$0x5580] =	vst v63  }
0x51: {  	s29 =	simm.s32 $0x800  }
0x52: {  	[spmem:s2] =	stream.indirect.scatter.add.f32 [tilespmem:s12], [sflag:$0x1], $0x1, s29, s11, $0xb8;
	[tilespmem:$0x5580] =	vst v63  }
0x53: {  	s30 =	simm.s32 $0x900  }
0x54: {  	[spmem:s2] =	stream.indirect.scatter.add.f32 [tilespmem:s12], [sflag:$0x1], $0x1, s30, s11, $0xb8;
	[tilespmem:$0x5580] =	vst v63  }
0x55: {  	s31 =	simm.s32 $0xA00  }
0x56: {  	[spmem:s2] =	stream.indirect.scatter.add.f32 [tilespmem:s12], [sflag:$0x1], $0x1, s31, s11, $0xb8;
	[tilespmem:$0x5580] =	vst v63  }
0x57: {  	_ =	swait.ge [sflag:s13], $0x80  }
0x58: {  	[sflag:s13] =	ssyncset.done $0x0  }
0x59: {  	[sflag:s13] =	ssyncadd.s32 $0xFFFFFF80  }
0x5a: {  	_ =	swait.ge [sflag:s13], $0x80  }
0x5b: {  	[sflag:s13] =	ssyncset.done $0x0  }
0x5c: {  	[sflag:s13] =	ssyncadd.s32 $0xFFFFFF80  }
0x5d: {  	_ =	swait.ge [sflag:s13], $0x80  }
0x5e: {  	[sflag:s13] =	ssyncset.done $0x0  }
0x5f: {  	[sflag:s13] =	ssyncadd.s32 $0xFFFFFF80  }
0x60: {  	_ =	swait.ge [sflag:s13], $0x80  }
0x61: {  	[sflag:s13] =	ssyncset.done $0x0  }
0x62: {  	[sflag:s13] =	ssyncadd.s32 $0xFFFFFF80  }
0x63: {  	_ =	swait.ge [sflag:s13], $0x80  }
0x64: {  	[sflag:s13] =	ssyncset.done $0x0  }
0x65: {  	[sflag:s13] =	ssyncadd.s32 $0xFFFFFF80  }
0x66: {  	_ =	swait.ge [sflag:s13], $0x80  }
0x67: {  	[sflag:s13] =	ssyncset.done $0x0  }
0x68: {  	[sflag:s13] =	ssyncadd.s32 $0xFFFFFF80  }
0x69: {  	_ =	swait.ge [sflag:s13], $0x80  }
0x6a: {  	[sflag:s13] =	ssyncset.done $0x0  }
0x6b: {  	[sflag:s13] =	ssyncadd.s32 $0xFFFFFF80  }
0x6c: {  	_ =	swait.ge [sflag:s13], $0x80  }
0x6d: {  	s22 =	simm.s32 $0x4000;
	s21 =	simm.s32 $0x800;
	[sflag:s13] =	ssyncset.done $0x0  }
.LBB2_2:
0x6e: {  	s23 =	sadd.s32 $0x300, s21  }
0x6f: {  	[sflag:s13] =	ssyncadd.s32 $0xFFFFFF80;
	s20 =	smov.u32 s22;
	s19 =	sadd.s32 $0x2000, s22  }
0x70: {  	[spmem:s2] =	stream.indirect.scatter.add.f32 [tilespmem:s12], [sflag:$0x1], $0x1, s23, s11, $0xb8;
	[tilespmem:$0x5580] =	vst v63  }
0x71: {  	p0 =	sne.s32 s22, $0x12000;
	s22 =	sadd.s32 $0x400, s21  }
0x72: {  	[spmem:s2] =	stream.indirect.scatter.add.f32 [tilespmem:s12], [sflag:$0x1], $0x1, s22, s11, $0xb8;
	[tilespmem:$0x5580] =	vst v63  }
0x73: {  	s22 =	sadd.s32 $0x500, s21  }
0x74: {  	[spmem:s2] =	stream.indirect.scatter.add.f32 [tilespmem:s12], [sflag:$0x1], $0x1, s22, s11, $0xb8;
	[tilespmem:$0x5580] =	vst v63  }
0x75: {  	s22 =	sadd.s32 $0x600, s21  }
0x76: {  	[spmem:s2] =	stream.indirect.scatter.add.f32 [tilespmem:s12], [sflag:$0x1], $0x1, s22, s11, $0xb8;
	[tilespmem:$0x5580] =	vst v63  }
0x77: {  	s22 =	sadd.s32 $0x700, s21  }
0x78: {  	[spmem:s2] =	stream.indirect.scatter.add.f32 [tilespmem:s12], [sflag:$0x1], $0x1, s22, s11, $0xb8;
	[tilespmem:$0x5580] =	vst v63  }
0x79: {  	s22 =	sadd.s32 $0x800, s21  }
0x7a: {  	[spmem:s2] =	stream.indirect.scatter.add.f32 [tilespmem:s12], [sflag:$0x1], $0x1, s22, s11, $0xb8;
	[tilespmem:$0x5580] =	vst v63  }
0x7b: {  	s22 =	sadd.s32 $0x900, s21  }
0x7c: {  	[spmem:s2] =	stream.indirect.scatter.add.f32 [tilespmem:s12], [sflag:$0x1], $0x1, s22, s11, $0xb8;
	[tilespmem:$0x5580] =	vst v63  }
0x7d: {  	s21 =	sadd.s32 $0xA00, s21  }
0x7e: {  	[spmem:s2] =	stream.indirect.scatter.add.f32 [tilespmem:s12], [sflag:$0x1], $0x1, s21, s11, $0xb8;
	[tilespmem:$0x5580] =	vst v63  }
0x7f: {  	_ =	swait.ge [sflag:s13], $0x80  }
0x80: {  	[sflag:s13] =	ssyncset.done $0x0  }
0x81: {  	[sflag:s13] =	ssyncadd.s32 $0xFFFFFF80  }
0x82: {  	_ =	swait.ge [sflag:s13], $0x80  }
0x83: {  	[sflag:s13] =	ssyncset.done $0x0  }
0x84: {  	[sflag:s13] =	ssyncadd.s32 $0xFFFFFF80  }
0x85: {  	_ =	swait.ge [sflag:s13], $0x80  }
0x86: {  	[sflag:s13] =	ssyncset.done $0x0  }
0x87: {  	[sflag:s13] =	ssyncadd.s32 $0xFFFFFF80  }
0x88: {  	_ =	swait.ge [sflag:s13], $0x80  }
0x89: {  	[sflag:s13] =	ssyncset.done $0x0  }
0x8a: {  	[sflag:s13] =	ssyncadd.s32 $0xFFFFFF80  }
0x8b: {  	_ =	swait.ge [sflag:s13], $0x80  }
0x8c: {  	[sflag:s13] =	ssyncset.done $0x0  }
0x8d: {  	[sflag:s13] =	ssyncadd.s32 $0xFFFFFF80  }
0x8e: {  	_ =	swait.ge [sflag:s13], $0x80  }
0x8f: {  	[sflag:s13] =	ssyncset.done $0x0  }
0x90: {  	[sflag:s13] =	ssyncadd.s32 $0xFFFFFF80  }
.Ltmp0:
0x91: {  	_ =	swait.ge [sflag:s13], $0x80;
	(pc) =	sbr.rel @p0 .LBB2_2-.Ltmp0, $4  }
0x92: {  	[sflag:s13] =	ssyncset.done $0x0  }
0x93: {  	[sflag:s13] =	ssyncadd.s32 $0xFFFFFF80  }
0x94: {  	_ =	swait.ge [sflag:s13], $0x80  }
0x95: {  	s22 =	smov.u32 s19;
	s21 =	sshra.s32 s20, $0x2;
	[sflag:s13] =	ssyncset.done $0x0  }
0x96: {  	s19 =	sadd.s32 $0x300, s21;
	[sflag:s13] =	ssyncadd.s32 $0xFFFFFF80  }
0x97: {  	[spmem:s2] =	stream.indirect.scatter.add.f32 [tilespmem:s12], [sflag:$0x1], $0x1, s19, s11, $0xb8;
	[tilespmem:$0x5580] =	vst v63  }
0x98: {  	s24 =	sadd.s32 $0x400, s21  }
0x99: {  	[spmem:s2] =	stream.indirect.scatter.add.f32 [tilespmem:s12], [sflag:$0x1], $0x1, s24, s11, $0xb8;
	[tilespmem:$0x5580] =	vst v63  }
0x9a: {  	s25 =	sadd.s32 $0x500, s21  }
0x9b: {  	[spmem:s2] =	stream.indirect.scatter.add.f32 [tilespmem:s12], [sflag:$0x1], $0x1, s25, s11, $0xb8;
	[tilespmem:$0x5580] =	vst v63  }
0x9c: {  	s26 =	sadd.s32 $0x600, s21  }
0x9d: {  	[spmem:s2] =	stream.indirect.scatter.add.f32 [tilespmem:s12], [sflag:$0x1], $0x1, s26, s11, $0xb8;
	[tilespmem:$0x5580] =	vst v63  }
0x9e: {  	s28 =	sadd.s32 $0x700, s21  }
0x9f: {  	[spmem:s2] =	stream.indirect.scatter.add.f32 [tilespmem:s12], [sflag:$0x1], $0x1, s28, s11, $0xb8;
	[tilespmem:$0x5580] =	vst v63  }
0xa0: {  	s29 =	sadd.s32 $0x800, s21  }
0xa1: {  	[spmem:s2] =	stream.indirect.scatter.add.f32 [tilespmem:s12], [sflag:$0x1], $0x1, s29, s11, $0xb8;
	[tilespmem:$0x5580] =	vst v63  }
0xa2: {  	s30 =	sadd.s32 $0x900, s21  }
0xa3: {  	[spmem:s2] =	stream.indirect.scatter.add.f32 [tilespmem:s12], [sflag:$0x1], $0x1, s30, s11, $0xb8;
	[tilespmem:$0x5580] =	vst v63  }
0xa4: {  	s31 =	sadd.s32 $0xA00, s21  }
0xa5: {  	[spmem:s2] =	stream.indirect.scatter.add.f32 [tilespmem:s12], [sflag:$0x1], $0x1, s31, s11, $0xb8;
	[tilespmem:$0x5580] =	vst v63  }
0xa6: {  	_ =	swait.ge [sflag:s13], $0x80  }
0xa7: {  	[sflag:s13] =	ssyncset.done $0x0  }
0xa8: {  	[sflag:s13] =	ssyncadd.s32 $0xFFFFFF80  }
0xa9: {  	_ =	swait.ge [sflag:s13], $0x80  }
0xaa: {  	[sflag:s13] =	ssyncset.done $0x0  }
0xab: {  	[sflag:s13] =	ssyncadd.s32 $0xFFFFFF80  }
0xac: {  	_ =	swait.ge [sflag:s13], $0x80  }
0xad: {  	[sflag:s13] =	ssyncset.done $0x0  }
0xae: {  	[sflag:s13] =	ssyncadd.s32 $0xFFFFFF80  }
0xaf: {  	_ =	swait.ge [sflag:s13], $0x80  }
0xb0: {  	[sflag:s13] =	ssyncset.done $0x0  }
0xb1: {  	[sflag:s13] =	ssyncadd.s32 $0xFFFFFF80  }
0xb2: {  	_ =	swait.ge [sflag:s13], $0x80  }
0xb3: {  	[sflag:s13] =	ssyncset.done $0x0  }
0xb4: {  	[sflag:s13] =	ssyncadd.s32 $0xFFFFFF80  }
0xb5: {  	_ =	swait.ge [sflag:s13], $0x80  }
0xb6: {  	[sflag:s13] =	ssyncset.done $0x0  }
0xb7: {  	[sflag:s13] =	ssyncadd.s32 $0xFFFFFF80  }
0xb8: {  	_ =	swait.ge [sflag:s13], $0x80  }
0xb9: {  	[sflag:s13] =	ssyncset.done $0x0  }
0xba: {  	[sflag:s13] =	ssyncadd.s32 $0xFFFFFF80  }
0xbb: {  	_ =	swait.ge [sflag:s13], $0x80  }
0xbc: {  	s18 =	sadd.s32 $0x1, s18;
	[sflag:s13] =	ssyncset.done $0x0  }
0xbd: {  	p0 =	sne.s32 s18, s7;
	[sflag:s13] =	ssyncadd.s32 $0xFFFFFF80  }
.Ltmp1:
0xbe: {  	[bflag:$0x0] =	sbarrier.arrive $0xFFFF;
	(pc) =	sbr.rel @p0 .LBB2_1-.Ltmp1, $4  }
0xbf: {  	[hbm:s6@s16], [sflag:s14] =	dma.strided [spmem:s15@s17], $0x50, s13, $0x10   }
0xc0: {  	_ =	swait.ge [sflag:s9], $0x50  }
0xc1: {  	[sflag:s9] =	ssyncset.done $0x0  }
0xc2: {  	[sflag:s9] =	ssyncadd.s32 $0xFFFFFFB0  }
0xc3: {  	_ =	sfence.sel $0x180000  }
0xc4: {  	[bflag:$0x0] =	sbarrier.arrive $0xFFFF  }
0xc5: {  	p0 =	sne.s32 s0, $0x0;
	_ =	strace $0x90000047  }
0xc6: {  	s0 =	sadd.s32 @!p0 $0x100000, s1;
	[bflag:$0x2] =	sbarrier.arrive $0xFFFF  }
0xc7: {  	[sflag:s0] =	ssyncadd.tile.s32 @!p0 $0x1;
	_ =	shalt  }
.Lfunc_end2:
_tile_overlayer_lowered:
.L_overlay_start_2:
0xc8: {  	(tag) =	ssettag $0x2  }
0xc9: {  	s0 =	rddreg [dreg:$0x0];
	s2 =	stileid.u32  }
0xca: {  	s1 =	rddreg [dreg:$0x1];
	p0 =	sne.s32 s2, $0x0  }
0xcb: {  	s3 =	rddreg [dreg:$0x2];
	[bflag:$0x3] =	sbarrier.arrive $0xFFFF;
	s2 =	simm.s32 @!p0 $0x1C02  }
0xcc: {  	[timem:s3], [sflag:s2] =	dma.local @!p0 [hbm:s0], s1  }
0xcd: {  	s0 =	simm.s32 @!p0 $0x2  }
0xce: {  	_ =	swait.ge @!p0 [sflag:s0], s1  }
0xcf: {  	s1 =	ssub.s32 @!p0 $0x0, s1;
	[sflag:s0] =	ssyncset.done @!p0 $0x0  }
0xd0: {  	[sflag:s0] =	ssyncadd.s32 @!p0 s1  }
0xd1: {  	[bflag:$0x3] =	sbarrier.arrive $0xFFFF  }
0xd2: {  	_ =	shalt  }

</sc_bundles>
